<compile_context>
chip_gen: v7x
topology: tpu7x:2x2x1
jax: 0.10.2.dev20260603
libtpu: 0.0.44.dev20260713+nightly
codegen_flags: <defaults>
</compile_context>

<pallas_src>
import jax
import jax.numpy as jnp
from jax import lax
from jax.experimental import pallas as pl
from jax.experimental.pallas import tpu as pltpu
from jax.experimental.pallas import tpu_sc as plsc

G = 4096
IN = 64
OUT = 64
B = 16384
NC = 2
NS = 16
NW = NC * NS
BPW = B // NW
BLK = 128
NBLK = BPW // BLK
ROWS = G + 1


def _lookup_body(x_hbm, fpbf_hbm, borders_hbm, invlen_hbm, out_hbm,
                 borders_v, invlen_v, x_v, idxl_v, idxr_v, delta_v,
                 bufl_v, bufr_v, acc_v, acct_v, semx, seml, semr):
    wid = lax.axis_index("s") * NC + lax.axis_index("c")
    base = wid * BPW
    iota16 = lax.iota(jnp.int32, 16)

    pltpu.sync_copy(borders_hbm, borders_v)
    pltpu.sync_copy(invlen_hbm, invlen_v)

    zeros16 = jnp.zeros((16,), jnp.float32)

    @plsc.parallel_loop(0, BPW, unroll=4)
    def _(b):
        for r in range(OUT // 16):
            acc_v[b, pl.ds(r * 16, 16)] = zeros16

    def compute_weights(i1, par):
        def wgt_body(j, cc):
            xv = x_v[par, pl.ds(j * 16, 16)]
            e = jnp.exp(-jnp.abs(xv))
            cdf = jnp.where(xv > 0.0, 1.0 - 0.5 * e, 0.5 * e)
            idx = jnp.clip((cdf * float(G)).astype(jnp.int32), 0, G - 1)
            left = plsc.load_gather(borders_v, [idx])
            invl = plsc.load_gather(invlen_v, [idx])
            delta_v[par, pl.ds(j * 16, 16)] = (xv - left) * invl
            row = idx * IN + i1
            idxl_v[par, pl.ds(j * 16, 16)] = row
            idxr_v[par, pl.ds(j * 16, 16)] = row + IN
            return cc
        lax.fori_loop(0, BPW // 16, wgt_body, 0)

    def fire_block(par, blk):
        pltpu.async_copy(
            fpbf_hbm.at[idxl_v.at[par, pl.ds(blk * BLK, BLK)]],
            bufl_v.at[pl.ds(blk * BLK, BLK)], seml)
        pltpu.async_copy(
            fpbf_hbm.at[idxr_v.at[par, pl.ds(blk * BLK, BLK)]],
            bufr_v.at[pl.ds(blk * BLK, BLK)], semr)

    def wait_block(par, blk):
        pltpu.make_async_copy(
            fpbf_hbm.at[idxl_v.at[par, pl.ds(blk * BLK, BLK)]],
            bufl_v.at[pl.ds(blk * BLK, BLK)], seml).wait()
        pltpu.make_async_copy(
            fpbf_hbm.at[idxr_v.at[par, pl.ds(blk * BLK, BLK)]],
            bufr_v.at[pl.ds(blk * BLK, BLK)], semr).wait()

    pltpu.sync_copy(x_hbm.at[0, pl.ds(base, BPW)], x_v.at[0])
    pltpu.async_copy(x_hbm.at[1, pl.ds(base, BPW)], x_v.at[1], semx)
    compute_weights(0, 0)
    for blk in range(NBLK):
        fire_block(0, blk)

    def dim_body(i, c):
        par = lax.rem(i, 2)
        parn = 1 - par

        @pl.when(i < IN - 1)
        def _():
            pltpu.make_async_copy(
                x_hbm.at[i + 1, pl.ds(base, BPW)], x_v.at[parn], semx).wait()

            @pl.when(i < IN - 2)
            def _():
                pltpu.async_copy(
                    x_hbm.at[i + 2, pl.ds(base, BPW)], x_v.at[par], semx)

            compute_weights(i + 1, parn)

        for blk in range(NBLK):
            wait_block(par, blk)

            @plsc.parallel_loop(0, BLK, unroll=4)
            def _(j):
                b = blk * BLK + j
                d = plsc.load_gather(
                    delta_v.at[par], [jnp.full((16,), b, jnp.int32)])
                for grp in range(2):
                    lw = plsc.bitcast(bufl_v[b, pl.ds(grp * 32, 32)],
                                      jnp.int32)
                    rw = plsc.bitcast(bufr_v[b, pl.ds(grp * 32, 32)],
                                      jnp.int32)
                    for half in range(2):
                        if half == 0:
                            li = lax.shift_left(lw, 16)
                            ri = lax.shift_left(rw, 16)
                        else:
                            li = lax.bitwise_and(lw, jnp.int32(-65536))
                            ri = lax.bitwise_and(rw, jnp.int32(-65536))
                        L = plsc.bitcast(li, jnp.float32)
                        R = plsc.bitcast(ri, jnp.float32)
                        r = grp * 2 + half
                        plsc.addupdate(acc_v.at[b, pl.ds(r * 16, 16)],
                                       L + d * (R - L))

            @pl.when(i < IN - 1)
            def _():
                fire_block(parn, blk)

        return c

    lax.fori_loop(0, IN, dim_body, 0)

    @plsc.parallel_loop(0, OUT * (BPW // 16), unroll=4)
    def _(t):
        o = lax.shift_right_logical(t, 5)
        rr = lax.bitwise_and(t, 31)
        pos = lax.bitwise_or(
            lax.bitwise_or(lax.bitwise_and(o, 32),
                           lax.shift_left(lax.bitwise_and(o, 1), 4)),
            lax.shift_right_logical(lax.bitwise_and(o, 31), 1))
        rows = rr * 16 + iota16
        d = plsc.load_gather(acc_v, [rows, jnp.full((16,), pos, jnp.int32)])
        acct_v[o, pl.ds(rr * 16, 16)] = d

    pltpu.sync_copy(acct_v, out_hbm.at[:, pl.ds(base, BPW)])


@jax.jit
def _sc_call(x, fp_bf, borders_pad, invlen):
    mesh = plsc.VectorSubcoreMesh(core_axis_name="c", subcore_axis_name="s",
                                  num_cores=NC, num_subcores=NS)
    f = pl.kernel(
        _lookup_body,
        out_type=jax.ShapeDtypeStruct((OUT, B), jnp.float32),
        mesh=mesh,
        compiler_params=pltpu.CompilerParams(needs_layout_passes=False,
                                             use_tc_tiling_on_sc=False),
        scratch_types=[
            pltpu.VMEM((4112,), jnp.float32),
            pltpu.VMEM((G,), jnp.float32),
            pltpu.VMEM((2, BPW), jnp.float32),
            pltpu.VMEM((2, BPW), jnp.int32),
            pltpu.VMEM((2, BPW), jnp.int32),
            pltpu.VMEM((2, BPW), jnp.float32),
            pltpu.VMEM((BPW, OUT), jnp.bfloat16),
            pltpu.VMEM((BPW, OUT), jnp.bfloat16),
            pltpu.VMEM((BPW, OUT), jnp.float32),
            pltpu.VMEM((OUT, BPW), jnp.float32),
            pltpu.SemaphoreType.DMA,
            pltpu.SemaphoreType.DMA,
            pltpu.SemaphoreType.DMA,
        ],
    )
    return f(x, fp_bf, borders_pad, invlen)


def kernel(x, func_parameter, borders, inverse_chunk_lengths):
    fp_bf = (jnp.swapaxes(func_parameter, 1, 2)
             .reshape(ROWS * IN, OUT).astype(jnp.bfloat16))
    borders_pad = jnp.pad(borders, (0, 4112 - ROWS))
    return _sc_call(x, fp_bf, borders_pad, inverse_chunk_lengths)

# --- scband reference (transcript-rebuilt; emitter-appended) ---
"""Pipeline reference for scband-basis-function1-d-2293512536822 (READ-ONLY COPY).

The authoritative reference and input builder live on the scoring server;
editing this copy changes nothing except your own understanding.
"""

import jax, jax.numpy as jnp
import numpy as np

NUM_GRIDS = 4096
INPUT_DIM = 64
OUTPUT_DIM = 64
BATCH = 16384
INIT_SCALE = 0.1


def get_borders_cdf_grid(n_chunks):
    def inverse_grid_function(x):
        if x <= 0.5:
            return np.log(2.0 * x)
        else:
            return -np.log(2.0 * (1.0 - x))
    chunk_size = 1.0 / n_chunks
    borders = []
    for i in range(1, n_chunks):
        level_now = i * chunk_size
        borders.append(inverse_grid_function(level_now))
    left_most = borders[0] - (borders[1] - borders[0])
    right_most = borders[-1] + (borders[-1] - borders[-2])
    return [left_most] + borders + [right_most]


def laplace_cdf(x):
    exp_neg_abs = jnp.exp(-jnp.abs(x))
    return jnp.where(x > 0, 1.0 - 0.5 * exp_neg_abs, 0.5 * exp_neg_abs)


def setup_inputs(seed: int = 0) -> dict:
    key = jax.random.key(seed)
    k1, k2 = jax.random.split(key)
    x = jax.random.normal(k1, (INPUT_DIM, BATCH), dtype=jnp.float32)
    scale = INIT_SCALE / np.sqrt(INPUT_DIM)
    func_parameter = jax.random.uniform(
        k2, (NUM_GRIDS + 1, OUTPUT_DIM, INPUT_DIM),
        minval=-scale, maxval=scale, dtype=jnp.float32)
    borders_list = get_borders_cdf_grid(NUM_GRIDS)
    borders = jnp.asarray(borders_list, dtype=jnp.float32)
    inv_lengths = [1.0 / (borders_list[i + 1] - borders_list[i]) for i in range(NUM_GRIDS)]
    inverse_chunk_lengths = jnp.asarray(inv_lengths, dtype=jnp.float32)
    return {
        "x": x,
        "func_parameter": func_parameter,
        "borders": borders,
        "inverse_chunk_lengths": inverse_chunk_lengths,
    }


def reference(x, func_parameter, borders, inverse_chunk_lengths):
    num_grids = borders.shape[0] - 1
    x_cdf = laplace_cdf(x)
    x_scaled = x_cdf * num_grids
    indices = jnp.clip(x_scaled.astype(jnp.int32), 0, num_grids - 1)  # [in, batch]
    left = borders[indices]
    inv_len = inverse_chunk_lengths[indices]
    delta = (x - left) * inv_len  # [in, batch]
    indices_next = jnp.clip(indices + 1, 0, num_grids)
    # func_parameter: [G+1, out, in] -> [in, G+1, out]
    fp_t = jnp.transpose(func_parameter, (2, 0, 1))
    val_left = jnp.take_along_axis(fp_t, indices[:, :, None], axis=1)   # [in, batch, out]
    val_right = jnp.take_along_axis(fp_t, indices_next[:, :, None], axis=1)
    contrib = (1.0 - delta)[:, :, None] * val_left + delta[:, :, None] * val_right
    output = contrib.sum(axis=0)  # [batch, out]
    return output.T  # [out, batch]

if __name__ == "__main__":
    import jax
    _d = setup_inputs()
    print(jax.jit(kernel)(*tuple(_d.values())))

</pallas_src>

<mosaic_0001>
#map = affine_map<(d0, d1) -> (0, 0)>
#map1 = affine_map<(d0, d1) -> (0)>
module attributes {stable_mosaic.version = 14 : i64} {
  func.func @_lookup_body(%arg0: i32, %arg1: i32, %arg2: memref<64x16384xf32, #tpu.memory_space<hbm>>, %arg3: memref<262208x64xbf16, #tpu.memory_space<hbm>>, %arg4: memref<4112xf32, #tpu.memory_space<hbm>>, %arg5: memref<4096xf32, #tpu.memory_space<hbm>>, %arg6: memref<64x16384xf32, #tpu.memory_space<hbm>>, %arg7: memref<4112xf32, #tpu.memory_space<vmem>>, %arg8: memref<4096xf32, #tpu.memory_space<vmem>>, %arg9: memref<2x512xf32, #tpu.memory_space<vmem>>, %arg10: memref<2x512xi32, #tpu.memory_space<vmem>>, %arg11: memref<2x512xi32, #tpu.memory_space<vmem>>, %arg12: memref<2x512xf32, #tpu.memory_space<vmem>>, %arg13: memref<512x64xbf16, #tpu.memory_space<vmem>>, %arg14: memref<512x64xbf16, #tpu.memory_space<vmem>>, %arg15: memref<512x64xf32, #tpu.memory_space<vmem>>, %arg16: memref<64x512xf32, #tpu.memory_space<vmem>>, %arg17: memref<!tpu.dma_semaphore, #tpu.memory_space<semaphore_mem>>, %arg18: memref<!tpu.dma_semaphore, #tpu.memory_space<semaphore_mem>>, %arg19: memref<!tpu.dma_semaphore, #tpu.memory_space<semaphore_mem>>) attributes {dimension_semantics = [#tpu.dimension_semantics<core_parallel>, #tpu.dimension_semantics<subcore_parallel>], iteration_bounds = array<i64: 2, 16>, scalar_prefetch = 0 : i64, scratch_operands = 13 : i64, tpu.core_type = #tpu.core_type<sc_vector_subcore>, window_params = [{transform_indices = #map}, {transform_indices = #map}, {transform_indices = #map1}, {transform_indices = #map1}, {transform_indices = #map}]} {
    %mul3A = arith.constant 2 : i32
    %mul3A_0 = arith.muli %arg1, %mul3A : i32
    %add3A = arith.addi %mul3A_0, %arg0 : i32
    %mul3A_1 = arith.constant 512 : i32
    %mul3A_2 = arith.muli %add3A, %mul3A_1 : i32
    %iota3A = tpu.iota {dimensions = array<i32: 0>} : vector<16xi32>
    "tpu.region"() ({
      %run_scoped3A_112 = tpu.sem_alloc : memref<!tpu.dma_semaphore, #tpu.memory_space<semaphore_mem>>
      tpu.enqueue_dma source(%arg4 : memref<4112xf32, #tpu.memory_space<hbm>>) target(%arg7 : memref<4112xf32, #tpu.memory_space<vmem>>) target_semaphore(%run_scoped3A_112 : memref<!tpu.dma_semaphore, #tpu.memory_space<semaphore_mem>>)
      tpu.wait_dma2 semaphore(%run_scoped3A_112 : memref<!tpu.dma_semaphore, #tpu.memory_space<semaphore_mem>>) src(%arg4 : memref<4112xf32, #tpu.memory_space<hbm>>) dst(%arg7 : memref<4112xf32, #tpu.memory_space<vmem>>)
      tpu.yield
    }) : () -> ()
    "tpu.region"() ({
      %run_scoped3A_112 = tpu.sem_alloc : memref<!tpu.dma_semaphore, #tpu.memory_space<semaphore_mem>>
      tpu.enqueue_dma source(%arg5 : memref<4096xf32, #tpu.memory_space<hbm>>) target(%arg8 : memref<4096xf32, #tpu.memory_space<vmem>>) target_semaphore(%run_scoped3A_112 : memref<!tpu.dma_semaphore, #tpu.memory_space<semaphore_mem>>)
      tpu.wait_dma2 semaphore(%run_scoped3A_112 : memref<!tpu.dma_semaphore, #tpu.memory_space<semaphore_mem>>) src(%arg5 : memref<4096xf32, #tpu.memory_space<hbm>>) dst(%arg8 : memref<4096xf32, #tpu.memory_space<vmem>>)
      tpu.yield
    }) : () -> ()
    %broadcast_in_dim3A = arith.constant 0.000000e+00 : f32
    %broadcast_in_dim3A_3 = vector.broadcast %broadcast_in_dim3A : f32 to vector<16xf32>
    %parallel_loop3A = arith.constant 0 : i32
    %parallel_loop3A_4 = arith.constant 512 : i32
    %parallel_loop3A_5 = arith.constant 1 : i32
    scf.for %parallel_loop3A_112 = %parallel_loop3A to %parallel_loop3A_4 step %parallel_loop3A_5  : i32 {
      %parallel_loop3A_113 = arith.index_cast %parallel_loop3A_112 : i32 to index
      %parallel_loop3A_114 = arith.constant 0 : index
      %parallel_loop3A_115 = tpu.vector_load %arg15[%parallel_loop3A_113, %parallel_loop3A_114] {strides = array<i32>} : memref<512x64xf32, #tpu.memory_space<vmem>>, vector<16xf32>,
      tpu.vector_store %arg15[%parallel_loop3A_113, %parallel_loop3A_114], %broadcast_in_dim3A_3 {strides = array<i32>} : memref<512x64xf32, #tpu.memory_space<vmem>>, vector<16xf32>,
      %parallel_loop3A_116 = arith.index_cast %parallel_loop3A_112 : i32 to index
      %parallel_loop3A_117 = arith.constant 16 : index
      %parallel_loop3A_118 = tpu.vector_load %arg15[%parallel_loop3A_116, %parallel_loop3A_117] {strides = array<i32>} : memref<512x64xf32, #tpu.memory_space<vmem>>, vector<16xf32>,
      tpu.vector_store %arg15[%parallel_loop3A_116, %parallel_loop3A_117], %broadcast_in_dim3A_3 {strides = array<i32>} : memref<512x64xf32, #tpu.memory_space<vmem>>, vector<16xf32>,
      %parallel_loop3A_119 = arith.index_cast %parallel_loop3A_112 : i32 to index
      %parallel_loop3A_120 = arith.constant 32 : index
      %parallel_loop3A_121 = tpu.vector_load %arg15[%parallel_loop3A_119, %parallel_loop3A_120] {strides = array<i32>} : memref<512x64xf32, #tpu.memory_space<vmem>>, vector<16xf32>,
      tpu.vector_store %arg15[%parallel_loop3A_119, %parallel_loop3A_120], %broadcast_in_dim3A_3 {strides = array<i32>} : memref<512x64xf32, #tpu.memory_space<vmem>>, vector<16xf32>,
      %parallel_loop3A_122 = arith.index_cast %parallel_loop3A_112 : i32 to index
      %parallel_loop3A_123 = arith.constant 48 : index
      %parallel_loop3A_124 = tpu.vector_load %arg15[%parallel_loop3A_122, %parallel_loop3A_123] {strides = array<i32>} : memref<512x64xf32, #tpu.memory_space<vmem>>, vector<16xf32>,
      tpu.vector_store %arg15[%parallel_loop3A_122, %parallel_loop3A_123], %broadcast_in_dim3A_3 {strides = array<i32>} : memref<512x64xf32, #tpu.memory_space<vmem>>, vector<16xf32>,
    } {sc.loop_unroll_factor = 4 : i64, sc.parallel_access}
    %run_scoped3A = arith.constant 0 : i32
    %run_scoped3A_6 = arith.constant 0 : i32
    "tpu.region"() ({
      %run_scoped3A_112 = tpu.sem_alloc : memref<!tpu.dma_semaphore, #tpu.memory_space<semaphore_mem>>
      %dma_start3A_113 = arith.constant 0 : i32
      %dma_start3A_114 = tpu.memref_slice %arg9[%run_scoped3A_6, %dma_start3A_113] : memref<2x512xf32, #tpu.memory_space<vmem>> -> memref<1x512xf32, #tpu.memory_space<vmem>>
      %dma_start3A_115 = tpu.memref_squeeze %dma_start3A_114 : memref<1x512xf32, #tpu.memory_space<vmem>> -> memref<512xf32, #tpu.memory_space<vmem>>
      %dma_start3A_116 = tpu.memref_slice %arg2[%run_scoped3A, %mul3A_2] : memref<64x16384xf32, #tpu.memory_space<hbm>> -> memref<1x512xf32, #tpu.memory_space<hbm>>
      %dma_start3A_117 = tpu.memref_squeeze %dma_start3A_116 : memref<1x512xf32, #tpu.memory_space<hbm>> -> memref<512xf32, #tpu.memory_space<hbm>>
      %dma_start3A_118 = arith.constant 0 : i32
      %dma_start3A_119 = tpu.memref_slice %arg9[%run_scoped3A_6, %dma_start3A_118] : memref<2x512xf32, #tpu.memory_space<vmem>> -> memref<1x512xf32, #tpu.memory_space<vmem>>
      %dma_start3A_120 = tpu.memref_squeeze %dma_start3A_119 : memref<1x512xf32, #tpu.memory_space<vmem>> -> memref<512xf32, #tpu.memory_space<vmem>>
      %dma_start3A_121 = tpu.memref_slice %arg2[%run_scoped3A, %mul3A_2] : memref<64x16384xf32, #tpu.memory_space<hbm>> -> memref<1x512xf32, #tpu.memory_space<hbm>>
      %dma_start3A_122 = tpu.memref_squeeze %dma_start3A_121 : memref<1x512xf32, #tpu.memory_space<hbm>> -> memref<512xf32, #tpu.memory_space<hbm>>
      tpu.enqueue_dma source(%dma_start3A_122 : memref<512xf32, #tpu.memory_space<hbm>>) target(%dma_start3A_120 : memref<512xf32, #tpu.memory_space<vmem>>) target_semaphore(%run_scoped3A_112 : memref<!tpu.dma_semaphore, #tpu.memory_space<semaphore_mem>>)
      %dma_wait3A = arith.constant 0 : i32
      %dma_wait3A_123 = tpu.memref_slice %arg9[%run_scoped3A_6, %dma_wait3A] : memref<2x512xf32, #tpu.memory_space<vmem>> -> memref<1x512xf32, #tpu.memory_space<vmem>>
      %dma_wait3A_124 = tpu.memref_squeeze %dma_wait3A_123 : memref<1x512xf32, #tpu.memory_space<vmem>> -> memref<512xf32, #tpu.memory_space<vmem>>
      %dma_wait3A_125 = tpu.memref_slice %arg2[%run_scoped3A, %mul3A_2] : memref<64x16384xf32, #tpu.memory_space<hbm>> -> memref<1x512xf32, #tpu.memory_space<hbm>>
      %dma_wait3A_126 = tpu.memref_squeeze %dma_wait3A_125 : memref<1x512xf32, #tpu.memory_space<hbm>> -> memref<512xf32, #tpu.memory_space<hbm>>
      %dma_wait3A_127 = arith.constant 0 : i32
      %dma_wait3A_128 = tpu.memref_slice %arg9[%run_scoped3A_6, %dma_wait3A_127] : memref<2x512xf32, #tpu.memory_space<vmem>> -> memref<1x512xf32, #tpu.memory_space<vmem>>
      %dma_wait3A_129 = tpu.memref_squeeze %dma_wait3A_128 : memref<1x512xf32, #tpu.memory_space<vmem>> -> memref<512xf32, #tpu.memory_space<vmem>>
      %dma_wait3A_130 = tpu.memref_slice %arg2[%run_scoped3A, %mul3A_2] : memref<64x16384xf32, #tpu.memory_space<hbm>> -> memref<1x512xf32, #tpu.memory_space<hbm>>
      %dma_wait3A_131 = tpu.memref_squeeze %dma_wait3A_130 : memref<1x512xf32, #tpu.memory_space<hbm>> -> memref<512xf32, #tpu.memory_space<hbm>>
      tpu.wait_dma2 semaphore(%run_scoped3A_112 : memref<!tpu.dma_semaphore, #tpu.memory_space<semaphore_mem>>) src(%dma_wait3A_131 : memref<512xf32, #tpu.memory_space<hbm>>) dst(%dma_wait3A_129 : memref<512xf32, #tpu.memory_space<vmem>>)
      tpu.yield
    }) : () -> ()
    %dma_start3A = arith.constant 1 : i32
    %dma_start3A_7 = arith.constant 1 : i32
    %dma_start3A_8 = arith.constant 0 : i32
    %dma_start3A_9 = tpu.memref_slice %arg9[%dma_start3A_7, %dma_start3A_8] : memref<2x512xf32, #tpu.memory_space<vmem>> -> memref<1x512xf32, #tpu.memory_space<vmem>>
    %dma_start3A_10 = tpu.memref_squeeze %dma_start3A_9 : memref<1x512xf32, #tpu.memory_space<vmem>> -> memref<512xf32, #tpu.memory_space<vmem>>
    %dma_start3A_11 = tpu.memref_slice %arg2[%dma_start3A, %mul3A_2] : memref<64x16384xf32, #tpu.memory_space<hbm>> -> memref<1x512xf32, #tpu.memory_space<hbm>>
    %dma_start3A_12 = tpu.memref_squeeze %dma_start3A_11 : memref<1x512xf32, #tpu.memory_space<hbm>> -> memref<512xf32, #tpu.memory_space<hbm>>
    %dma_start3A_13 = arith.constant 0 : i32
    %dma_start3A_14 = tpu.memref_slice %arg9[%dma_start3A_7, %dma_start3A_13] : memref<2x512xf32, #tpu.memory_space<vmem>> -> memref<1x512xf32, #tpu.memory_space<vmem>>
    %dma_start3A_15 = tpu.memref_squeeze %dma_start3A_14 : memref<1x512xf32, #tpu.memory_space<vmem>> -> memref<512xf32, #tpu.memory_space<vmem>>
    %dma_start3A_16 = tpu.memref_slice %arg2[%dma_start3A, %mul3A_2] : memref<64x16384xf32, #tpu.memory_space<hbm>> -> memref<1x512xf32, #tpu.memory_space<hbm>>
    %dma_start3A_17 = tpu.memref_squeeze %dma_start3A_16 : memref<1x512xf32, #tpu.memory_space<hbm>> -> memref<512xf32, #tpu.memory_space<hbm>>
    tpu.enqueue_dma source(%dma_start3A_17 : memref<512xf32, #tpu.memory_space<hbm>>) target(%dma_start3A_15 : memref<512xf32, #tpu.memory_space<vmem>>) target_semaphore(%arg17 : memref<!tpu.dma_semaphore, #tpu.memory_space<semaphore_mem>>)
    %scan3A = arith.constant 0 : i32
    %scan3A_18 = arith.constant 0 : i32
    %scan3A_19 = arith.constant 32 : i32
    %scan3A_20 = arith.addi %scan3A_18, %scan3A_19 : i32
    %scan3A_21 = arith.constant 1 : i32
    scf.for %scan3A_112 = %scan3A_18 to %scan3A_20 step %scan3A_21  : i32 {
      %mul3A_113 = arith.constant 16 : i32
      %mul3A_114 = arith.muli %scan3A_112, %mul3A_113 : i32
      %get3A = arith.constant 0 : i32
      %get3A_115 = arith.index_cast %get3A : i32 to index
      %get3A_116 = arith.index_cast %mul3A_114 : i32 to index
      %get3A_117 = tpu.vector_load %arg9[%get3A_115, %get3A_116] {strides = array<i32>} : memref<2x512xf32, #tpu.memory_space<vmem>>, vector<16xf32>,
      %abs3A = math.absf %get3A_117 : vector<16xf32>
      %neg3A = arith.constant 0.000000e+00 : f32
      %neg3A_118 = vector.broadcast %neg3A : f32 to vector<16xf32>
      %neg3A_119 = arith.subf %neg3A_118, %abs3A : vector<16xf32>
      %exp3A = math.exp %neg3A_119 : vector<16xf32>
      %gt3A = arith.constant 0.000000e+00 : f32
      %gt3A_120 = vector.broadcast %gt3A : f32 to vector<16xf32>
      %gt3A_121 = arith.cmpf ogt, %get3A_117, %gt3A_120 : vector<16xf32>
      %mul3A_122 = arith.constant 5.000000e-01 : f32
      %mul3A_123 = vector.broadcast %mul3A_122 : f32 to vector<16xf32>
      %mul3A_124 = arith.mulf %mul3A_123, %exp3A : vector<16xf32>
      %sub3A = arith.constant 1.000000e+00 : f32
      %sub3A_125 = vector.broadcast %sub3A : f32 to vector<16xf32>
      %sub3A_126 = arith.subf %sub3A_125, %mul3A_124 : vector<16xf32>
      %mul3A_127 = arith.constant 5.000000e-01 : f32
      %mul3A_128 = vector.broadcast %mul3A_127 : f32 to vector<16xf32>
      %mul3A_129 = arith.mulf %mul3A_128, %exp3A : vector<16xf32>
      %select_n3A = arith.select %gt3A_121, %sub3A_126, %mul3A_129 : vector<16xi1>, vector<16xf32>
      %mul3A_130 = arith.constant 4.096000e+03 : f32
      %mul3A_131 = vector.broadcast %mul3A_130 : f32 to vector<16xf32>
      %mul3A_132 = arith.mulf %select_n3A, %mul3A_131 : vector<16xf32>
      %convert_element_type3A = arith.fptosi %mul3A_132 : vector<16xf32> to vector<16xi32>
      %jit3A = arith.constant 0 : i32
      %jit3A_133 = arith.constant 4095 : i32
      %max3A = vector.broadcast %jit3A : i32 to vector<16xi32>
      %max3A_134 = arith.maxsi %max3A, %convert_element_type3A : vector<16xi32>
      %min3A = vector.broadcast %jit3A_133 : i32 to vector<16xi32>
      %min3A_135 = arith.minsi %min3A, %max3A_134 : vector<16xi32>
      %gather3A = tpu.vector_load_idx %arg7[%min3A_135] : memref<4112xf32, #tpu.memory_space<vmem>>[vector<16xi32>], vector<16xf32>,
      %gather3A_136 = tpu.vector_load_idx %arg8[%min3A_135] : memref<4096xf32, #tpu.memory_space<vmem>>[vector<16xi32>], vector<16xf32>,
      %sub3A_137 = arith.subf %get3A_117, %gather3A : vector<16xf32>
      %mul3A_138 = arith.mulf %sub3A_137, %gather3A_136 : vector<16xf32>
      %mul3A_139 = arith.constant 16 : i32
      %mul3A_140 = arith.muli %scan3A_112, %mul3A_139 : i32
      %swap3A = arith.constant 0 : i32
      %swap3A_141 = arith.index_cast %swap3A : i32 to index
      %swap3A_142 = arith.index_cast %mul3A_140 : i32 to index
      %swap3A_143 = tpu.vector_load %arg12[%swap3A_141, %swap3A_142] {strides = array<i32>} : memref<2x512xf32, #tpu.memory_space<vmem>>, vector<16xf32>,
      tpu.vector_store %arg12[%swap3A_141, %swap3A_142], %mul3A_138 {strides = array<i32>} : memref<2x512xf32, #tpu.memory_space<vmem>>, vector<16xf32>,
      %mul3A_144 = arith.constant 64 : i32
      %mul3A_145 = vector.broadcast %mul3A_144 : i32 to vector<16xi32>
      %mul3A_146 = arith.muli %min3A_135, %mul3A_145 : vector<16xi32>
      %add3A_147 = arith.constant 0 : i32
      %add3A_148 = vector.broadcast %add3A_147 : i32 to vector<16xi32>
      %add3A_149 = arith.addi %mul3A_146, %add3A_148 : vector<16xi32>
      %mul3A_150 = arith.constant 16 : i32
      %mul3A_151 = arith.muli %scan3A_112, %mul3A_150 : i32
      %swap3A_152 = arith.constant 0 : i32
      %swap3A_153 = arith.index_cast %swap3A_152 : i32 to index
      %swap3A_154 = arith.index_cast %mul3A_151 : i32 to index
      %swap3A_155 = tpu.vector_load %arg10[%swap3A_153, %swap3A_154] {strides = array<i32>} : memref<2x512xi32, #tpu.memory_space<vmem>>, vector<16xi32>,
      tpu.vector_store %arg10[%swap3A_153, %swap3A_154], %add3A_149 {strides = array<i32>} : memref<2x512xi32, #tpu.memory_space<vmem>>, vector<16xi32>,
      %add3A_156 = arith.constant 64 : i32
      %add3A_157 = vector.broadcast %add3A_156 : i32 to vector<16xi32>
      %add3A_158 = arith.addi %add3A_149, %add3A_157 : vector<16xi32>
      %mul3A_159 = arith.constant 16 : i32
      %mul3A_160 = arith.muli %scan3A_112, %mul3A_159 : i32
      %swap3A_161 = arith.constant 0 : i32
      %swap3A_162 = arith.index_cast %swap3A_161 : i32 to index
      %swap3A_163 = arith.index_cast %mul3A_160 : i32 to index
      %swap3A_164 = tpu.vector_load %arg11[%swap3A_162, %swap3A_163] {strides = array<i32>} : memref<2x512xi32, #tpu.memory_space<vmem>>, vector<16xi32>,
      tpu.vector_store %arg11[%swap3A_162, %swap3A_163], %add3A_158 {strides = array<i32>} : memref<2x512xi32, #tpu.memory_space<vmem>>, vector<16xi32>,
    }
    %scan3A_22 = arith.constant 32 : i32
    %dma_start3A_23 = arith.constant 0 : i32
    %dma_start3A_24 = arith.constant 0 : i32
    %dma_start3A_25 = arith.constant 0 : i32
    %dma_start3A_26 = tpu.memref_slice %arg13[%dma_start3A_24, %dma_start3A_25] : memref<512x64xbf16, #tpu.memory_space<vmem>> -> memref<128x64xbf16, #tpu.memory_space<vmem>>
    %dma_start3A_27 = arith.constant 0 : i32
    %dma_start3A_28 = tpu.memref_slice %arg10[%dma_start3A_23, %dma_start3A_27] : memref<2x512xi32, #tpu.memory_space<vmem>> -> memref<1x128xi32, #tpu.memory_space<vmem>>
    %dma_start3A_29 = tpu.memref_squeeze %dma_start3A_28 : memref<1x128xi32, #tpu.memory_space<vmem>> -> memref<128xi32, #tpu.memory_space<vmem>>
    %dma_start3A_30 = arith.constant 0 : i32
    %dma_start3A_31 = arith.constant 0 : i32
    %dma_start3A_32 = tpu.memref_slice %arg3[%dma_start3A_30, %dma_start3A_31] : memref<262208x64xbf16, #tpu.memory_space<hbm>> -> memref<262208x64xbf16, #tpu.memory_space<hbm>>
    tpu.enqueue_indirect_dma source(%dma_start3A_32 : memref<262208x64xbf16, #tpu.memory_space<hbm>>) target(%dma_start3A_26 : memref<128x64xbf16, #tpu.memory_space<vmem>>) offsets(%dma_start3A_29 : memref<128xi32, #tpu.memory_space<vmem>>) semaphore(%arg18 : memref<!tpu.dma_semaphore, #tpu.memory_space<semaphore_mem>>)
    %dma_start3A_33 = arith.constant 0 : i32
    %dma_start3A_34 = arith.constant 0 : i32
    %dma_start3A_35 = arith.constant 0 : i32
    %dma_start3A_36 = tpu.memref_slice %arg14[%dma_start3A_34, %dma_start3A_35] : memref<512x64xbf16, #tpu.memory_space<vmem>> -> memref<128x64xbf16, #tpu.memory_space<vmem>>
    %dma_start3A_37 = arith.constant 0 : i32
    %dma_start3A_38 = tpu.memref_slice %arg11[%dma_start3A_33, %dma_start3A_37] : memref<2x512xi32, #tpu.memory_space<vmem>> -> memref<1x128xi32, #tpu.memory_space<vmem>>
    %dma_start3A_39 = tpu.memref_squeeze %dma_start3A_38 : memref<1x128xi32, #tpu.memory_space<vmem>> -> memref<128xi32, #tpu.memory_space<vmem>>
    %dma_start3A_40 = arith.constant 0 : i32
    %dma_start3A_41 = arith.constant 0 : i32
    %dma_start3A_42 = tpu.memref_slice %arg3[%dma_start3A_40, %dma_start3A_41] : memref<262208x64xbf16, #tpu.memory_space<hbm>> -> memref<262208x64xbf16, #tpu.memory_space<hbm>>
    tpu.enqueue_indirect_dma source(%dma_start3A_42 : memref<262208x64xbf16, #tpu.memory_space<hbm>>) target(%dma_start3A_36 : memref<128x64xbf16, #tpu.memory_space<vmem>>) offsets(%dma_start3A_39 : memref<128xi32, #tpu.memory_space<vmem>>) semaphore(%arg19 : memref<!tpu.dma_semaphore, #tpu.memory_space<semaphore_mem>>)
    %dma_start3A_43 = arith.constant 0 : i32
    %dma_start3A_44 = arith.constant 128 : i32
    %dma_start3A_45 = arith.constant 0 : i32
    %dma_start3A_46 = tpu.memref_slice %arg13[%dma_start3A_44, %dma_start3A_45] : memref<512x64xbf16, #tpu.memory_space<vmem>> -> memref<128x64xbf16, #tpu.memory_space<vmem>>
    %dma_start3A_47 = arith.constant 128 : i32
    %dma_start3A_48 = tpu.memref_slice %arg10[%dma_start3A_43, %dma_start3A_47] : memref<2x512xi32, #tpu.memory_space<vmem>> -> memref<1x128xi32, #tpu.memory_space<vmem>>
    %dma_start3A_49 = tpu.memref_squeeze %dma_start3A_48 : memref<1x128xi32, #tpu.memory_space<vmem>> -> memref<128xi32, #tpu.memory_space<vmem>>
    %dma_start3A_50 = arith.constant 0 : i32
    %dma_start3A_51 = arith.constant 0 : i32
    %dma_start3A_52 = tpu.memref_slice %arg3[%dma_start3A_50, %dma_start3A_51] : memref<262208x64xbf16, #tpu.memory_space<hbm>> -> memref<262208x64xbf16, #tpu.memory_space<hbm>>
    tpu.enqueue_indirect_dma source(%dma_start3A_52 : memref<262208x64xbf16, #tpu.memory_space<hbm>>) target(%dma_start3A_46 : memref<128x64xbf16, #tpu.memory_space<vmem>>) offsets(%dma_start3A_49 : memref<128xi32, #tpu.memory_space<vmem>>) semaphore(%arg18 : memref<!tpu.dma_semaphore, #tpu.memory_space<semaphore_mem>>)
    %dma_start3A_53 = arith.constant 0 : i32
    %dma_start3A_54 = arith.constant 128 : i32
    %dma_start3A_55 = arith.constant 0 : i32
    %dma_start3A_56 = tpu.memref_slice %arg14[%dma_start3A_54, %dma_start3A_55] : memref<512x64xbf16, #tpu.memory_space<vmem>> -> memref<128x64xbf16, #tpu.memory_space<vmem>>
    %dma_start3A_57 = arith.constant 128 : i32
    %dma_start3A_58 = tpu.memref_slice %arg11[%dma_start3A_53, %dma_start3A_57] : memref<2x512xi32, #tpu.memory_space<vmem>> -> memref<1x128xi32, #tpu.memory_space<vmem>>
    %dma_start3A_59 = tpu.memref_squeeze %dma_start3A_58 : memref<1x128xi32, #tpu.memory_space<vmem>> -> memref<128xi32, #tpu.memory_space<vmem>>
    %dma_start3A_60 = arith.constant 0 : i32
    %dma_start3A_61 = arith.constant 0 : i32
    %dma_start3A_62 = tpu.memref_slice %arg3[%dma_start3A_60, %dma_start3A_61] : memref<262208x64xbf16, #tpu.memory_space<hbm>> -> memref<262208x64xbf16, #tpu.memory_space<hbm>>
    tpu.enqueue_indirect_dma source(%dma_start3A_62 : memref<262208x64xbf16, #tpu.memory_space<hbm>>) target(%dma_start3A_56 : memref<128x64xbf16, #tpu.memory_space<vmem>>) offsets(%dma_start3A_59 : memref<128xi32, #tpu.memory_space<vmem>>) semaphore(%arg19 : memref<!tpu.dma_semaphore, #tpu.memory_space<semaphore_mem>>)
    %dma_start3A_63 = arith.constant 0 : i32
    %dma_start3A_64 = arith.constant 256 : i32
    %dma_start3A_65 = arith.constant 0 : i32
    %dma_start3A_66 = tpu.memref_slice %arg13[%dma_start3A_64, %dma_start3A_65] : memref<512x64xbf16, #tpu.memory_space<vmem>> -> memref<128x64xbf16, #tpu.memory_space<vmem>>
    %dma_start3A_67 = arith.constant 256 : i32
    %dma_start3A_68 = tpu.memref_slice %arg10[%dma_start3A_63, %dma_start3A_67] : memref<2x512xi32, #tpu.memory_space<vmem>> -> memref<1x128xi32, #tpu.memory_space<vmem>>
    %dma_start3A_69 = tpu.memref_squeeze %dma_start3A_68 : memref<1x128xi32, #tpu.memory_space<vmem>> -> memref<128xi32, #tpu.memory_space<vmem>>
    %dma_start3A_70 = arith.constant 0 : i32
    %dma_start3A_71 = arith.constant 0 : i32
    %dma_start3A_72 = tpu.memref_slice %arg3[%dma_start3A_70, %dma_start3A_71] : memref<262208x64xbf16, #tpu.memory_space<hbm>> -> memref<262208x64xbf16, #tpu.memory_space<hbm>>
    tpu.enqueue_indirect_dma source(%dma_start3A_72 : memref<262208x64xbf16, #tpu.memory_space<hbm>>) target(%dma_start3A_66 : memref<128x64xbf16, #tpu.memory_space<vmem>>) offsets(%dma_start3A_69 : memref<128xi32, #tpu.memory_space<vmem>>) semaphore(%arg18 : memref<!tpu.dma_semaphore, #tpu.memory_space<semaphore_mem>>)
    %dma_start3A_73 = arith.constant 0 : i32
    %dma_start3A_74 = arith.constant 256 : i32
    %dma_start3A_75 = arith.constant 0 : i32
    %dma_start3A_76 = tpu.memref_slice %arg14[%dma_start3A_74, %dma_start3A_75] : memref<512x64xbf16, #tpu.memory_space<vmem>> -> memref<128x64xbf16, #tpu.memory_space<vmem>>
    %dma_start3A_77 = arith.constant 256 : i32
    %dma_start3A_78 = tpu.memref_slice %arg11[%dma_start3A_73, %dma_start3A_77] : memref<2x512xi32, #tpu.memory_space<vmem>> -> memref<1x128xi32, #tpu.memory_space<vmem>>
    %dma_start3A_79 = tpu.memref_squeeze %dma_start3A_78 : memref<1x128xi32, #tpu.memory_space<vmem>> -> memref<128xi32, #tpu.memory_space<vmem>>
    %dma_start3A_80 = arith.constant 0 : i32
    %dma_start3A_81 = arith.constant 0 : i32
    %dma_start3A_82 = tpu.memref_slice %arg3[%dma_start3A_80, %dma_start3A_81] : memref<262208x64xbf16, #tpu.memory_space<hbm>> -> memref<262208x64xbf16, #tpu.memory_space<hbm>>
    tpu.enqueue_indirect_dma source(%dma_start3A_82 : memref<262208x64xbf16, #tpu.memory_space<hbm>>) target(%dma_start3A_76 : memref<128x64xbf16, #tpu.memory_space<vmem>>) offsets(%dma_start3A_79 : memref<128xi32, #tpu.memory_space<vmem>>) semaphore(%arg19 : memref<!tpu.dma_semaphore, #tpu.memory_space<semaphore_mem>>)
    %dma_start3A_83 = arith.constant 0 : i32
    %dma_start3A_84 = arith.constant 384 : i32
    %dma_start3A_85 = arith.constant 0 : i32
    %dma_start3A_86 = tpu.memref_slice %arg13[%dma_start3A_84, %dma_start3A_85] : memref<512x64xbf16, #tpu.memory_space<vmem>> -> memref<128x64xbf16, #tpu.memory_space<vmem>>
    %dma_start3A_87 = arith.constant 384 : i32
    %dma_start3A_88 = tpu.memref_slice %arg10[%dma_start3A_83, %dma_start3A_87] : memref<2x512xi32, #tpu.memory_space<vmem>> -> memref<1x128xi32, #tpu.memory_space<vmem>>
    %dma_start3A_89 = tpu.memref_squeeze %dma_start3A_88 : memref<1x128xi32, #tpu.memory_space<vmem>> -> memref<128xi32, #tpu.memory_space<vmem>>
    %dma_start3A_90 = arith.constant 0 : i32
    %dma_start3A_91 = arith.constant 0 : i32
    %dma_start3A_92 = tpu.memref_slice %arg3[%dma_start3A_90, %dma_start3A_91] : memref<262208x64xbf16, #tpu.memory_space<hbm>> -> memref<262208x64xbf16, #tpu.memory_space<hbm>>
    tpu.enqueue_indirect_dma source(%dma_start3A_92 : memref<262208x64xbf16, #tpu.memory_space<hbm>>) target(%dma_start3A_86 : memref<128x64xbf16, #tpu.memory_space<vmem>>) offsets(%dma_start3A_89 : memref<128xi32, #tpu.memory_space<vmem>>) semaphore(%arg18 : memref<!tpu.dma_semaphore, #tpu.memory_space<semaphore_mem>>)
    %dma_start3A_93 = arith.constant 0 : i32
    %dma_start3A_94 = arith.constant 384 : i32
    %dma_start3A_95 = arith.constant 0 : i32
    %dma_start3A_96 = tpu.memref_slice %arg14[%dma_start3A_94, %dma_start3A_95] : memref<512x64xbf16, #tpu.memory_space<vmem>> -> memref<128x64xbf16, #tpu.memory_space<vmem>>
    %dma_start3A_97 = arith.constant 384 : i32
    %dma_start3A_98 = tpu.memref_slice %arg11[%dma_start3A_93, %dma_start3A_97] : memref<2x512xi32, #tpu.memory_space<vmem>> -> memref<1x128xi32, #tpu.memory_space<vmem>>
    %dma_start3A_99 = tpu.memref_squeeze %dma_start3A_98 : memref<1x128xi32, #tpu.memory_space<vmem>> -> memref<128xi32, #tpu.memory_space<vmem>>
    %dma_start3A_100 = arith.constant 0 : i32
    %dma_start3A_101 = arith.constant 0 : i32
    %dma_start3A_102 = tpu.memref_slice %arg3[%dma_start3A_100, %dma_start3A_101] : memref<262208x64xbf16, #tpu.memory_space<hbm>> -> memref<262208x64xbf16, #tpu.memory_space<hbm>>
    tpu.enqueue_indirect_dma source(%dma_start3A_102 : memref<262208x64xbf16, #tpu.memory_space<hbm>>) target(%dma_start3A_96 : memref<128x64xbf16, #tpu.memory_space<vmem>>) offsets(%dma_start3A_99 : memref<128xi32, #tpu.memory_space<vmem>>) semaphore(%arg19 : memref<!tpu.dma_semaphore, #tpu.memory_space<semaphore_mem>>)
    %scan3A_103 = arith.constant 0 : i32
    %scan3A_104 = arith.constant 0 : i32
    %scan3A_105 = arith.constant 64 : i32
    %scan3A_106 = arith.addi %scan3A_104, %scan3A_105 : i32
    %scan3A_107 = arith.constant 1 : i32
    scf.for %scan3A_112 = %scan3A_104 to %scan3A_106 step %scan3A_107  : i32 {
      %rem3A = arith.constant 2 : i32
      %rem3A_113 = arith.remsi %scan3A_112, %rem3A : i32
      %sub3A = arith.constant 1 : i32
      %sub3A_114 = arith.subi %sub3A, %rem3A_113 : i32
      %lt3A = arith.constant 63 : i32
      %lt3A_115 = arith.cmpi slt, %scan3A_112, %lt3A : i32
      %convert_element_type3A = arith.extui %lt3A_115 : i1 to i32
      %cond3A = arith.constant 0 : i32
      %cond3A_116 = arith.cmpi ne, %convert_element_type3A, %cond3A : i32
      scf.if %cond3A_116 {
        %add3A_220 = arith.constant 1 : i32
        %add3A_221 = arith.addi %scan3A_112, %add3A_220 : i32
        %dma_wait3A_222 = arith.constant 0 : i32
        %dma_wait3A_223 = tpu.memref_slice %arg9[%sub3A_114, %dma_wait3A_222] : memref<2x512xf32, #tpu.memory_space<vmem>> -> memref<1x512xf32, #tpu.memory_space<vmem>>
        %dma_wait3A_224 = tpu.memref_squeeze %dma_wait3A_223 : memref<1x512xf32, #tpu.memory_space<vmem>> -> memref<512xf32, #tpu.memory_space<vmem>>
        %dma_wait3A_225 = tpu.memref_slice %arg2[%add3A_221, %mul3A_2] : memref<64x16384xf32, #tpu.memory_space<hbm>> -> memref<1x512xf32, #tpu.memory_space<hbm>>
        %dma_wait3A_226 = tpu.memref_squeeze %dma_wait3A_225 : memref<1x512xf32, #tpu.memory_space<hbm>> -> memref<512xf32, #tpu.memory_space<hbm>>
        %dma_wait3A_227 = arith.constant 0 : i32
        %dma_wait3A_228 = tpu.memref_slice %arg9[%sub3A_114, %dma_wait3A_227] : memref<2x512xf32, #tpu.memory_space<vmem>> -> memref<1x512xf32, #tpu.memory_space<vmem>>
        %dma_wait3A_229 = tpu.memref_squeeze %dma_wait3A_228 : memref<1x512xf32, #tpu.memory_space<vmem>> -> memref<512xf32, #tpu.memory_space<vmem>>
        %dma_wait3A_230 = tpu.memref_slice %arg2[%add3A_221, %mul3A_2] : memref<64x16384xf32, #tpu.memory_space<hbm>> -> memref<1x512xf32, #tpu.memory_space<hbm>>
        %dma_wait3A_231 = tpu.memref_squeeze %dma_wait3A_230 : memref<1x512xf32, #tpu.memory_space<hbm>> -> memref<512xf32, #tpu.memory_space<hbm>>
        tpu.wait_dma2 semaphore(%arg17 : memref<!tpu.dma_semaphore, #tpu.memory_space<semaphore_mem>>) src(%dma_wait3A_231 : memref<512xf32, #tpu.memory_space<hbm>>) dst(%dma_wait3A_229 : memref<512xf32, #tpu.memory_space<vmem>>)
        %lt3A_232 = arith.constant 62 : i32
        %lt3A_233 = arith.cmpi slt, %scan3A_112, %lt3A_232 : i32
        %convert_element_type3A_234 = arith.extui %lt3A_233 : i1 to i32
        %cond3A_235 = arith.constant 0 : i32
        %cond3A_236 = arith.cmpi ne, %convert_element_type3A_234, %cond3A_235 : i32
        scf.if %cond3A_236 {
          %add3A_245 = arith.constant 2 : i32
          %add3A_246 = arith.addi %scan3A_112, %add3A_245 : i32
          %dma_start3A_247 = arith.constant 0 : i32
          %dma_start3A_248 = tpu.memref_slice %arg9[%rem3A_113, %dma_start3A_247] : memref<2x512xf32, #tpu.memory_space<vmem>> -> memref<1x512xf32, #tpu.memory_space<vmem>>
          %dma_start3A_249 = tpu.memref_squeeze %dma_start3A_248 : memref<1x512xf32, #tpu.memory_space<vmem>> -> memref<512xf32, #tpu.memory_space<vmem>>
          %dma_start3A_250 = tpu.memref_slice %arg2[%add3A_246, %mul3A_2] : memref<64x16384xf32, #tpu.memory_space<hbm>> -> memref<1x512xf32, #tpu.memory_space<hbm>>
          %dma_start3A_251 = tpu.memref_squeeze %dma_start3A_250 : memref<1x512xf32, #tpu.memory_space<hbm>> -> memref<512xf32, #tpu.memory_space<hbm>>
          %dma_start3A_252 = arith.constant 0 : i32
          %dma_start3A_253 = tpu.memref_slice %arg9[%rem3A_113, %dma_start3A_252] : memref<2x512xf32, #tpu.memory_space<vmem>> -> memref<1x512xf32, #tpu.memory_space<vmem>>
          %dma_start3A_254 = tpu.memref_squeeze %dma_start3A_253 : memref<1x512xf32, #tpu.memory_space<vmem>> -> memref<512xf32, #tpu.memory_space<vmem>>
          %dma_start3A_255 = tpu.memref_slice %arg2[%add3A_246, %mul3A_2] : memref<64x16384xf32, #tpu.memory_space<hbm>> -> memref<1x512xf32, #tpu.memory_space<hbm>>
          %dma_start3A_256 = tpu.memref_squeeze %dma_start3A_255 : memref<1x512xf32, #tpu.memory_space<hbm>> -> memref<512xf32, #tpu.memory_space<hbm>>
          tpu.enqueue_dma source(%dma_start3A_256 : memref<512xf32, #tpu.memory_space<hbm>>) target(%dma_start3A_254 : memref<512xf32, #tpu.memory_space<vmem>>) target_semaphore(%arg17 : memref<!tpu.dma_semaphore, #tpu.memory_space<semaphore_mem>>)
        } else {
        }
        %add3A_237 = arith.constant 1 : i32
        %add3A_238 = arith.addi %scan3A_112, %add3A_237 : i32
        %scan3A_239 = arith.constant 0 : i32
        %scan3A_240 = arith.constant 0 : i32
        %scan3A_241 = arith.constant 32 : i32
        %scan3A_242 = arith.addi %scan3A_240, %scan3A_241 : i32
        %scan3A_243 = arith.constant 1 : i32
        scf.for %scan3A_245 = %scan3A_240 to %scan3A_242 step %scan3A_243  : i32 {
          %mul3A_246 = arith.constant 16 : i32
          %mul3A_247 = arith.muli %scan3A_245, %mul3A_246 : i32
          %get3A = arith.index_cast %sub3A_114 : i32 to index
          %get3A_248 = arith.index_cast %mul3A_247 : i32 to index
          %get3A_249 = tpu.vector_load %arg9[%get3A, %get3A_248] {strides = array<i32>} : memref<2x512xf32, #tpu.memory_space<vmem>>, vector<16xf32>,
          %abs3A = math.absf %get3A_249 : vector<16xf32>
          %neg3A = arith.constant 0.000000e+00 : f32
          %neg3A_250 = vector.broadcast %neg3A : f32 to vector<16xf32>
          %neg3A_251 = arith.subf %neg3A_250, %abs3A : vector<16xf32>
          %exp3A = math.exp %neg3A_251 : vector<16xf32>
          %gt3A = arith.constant 0.000000e+00 : f32
          %gt3A_252 = vector.broadcast %gt3A : f32 to vector<16xf32>
          %gt3A_253 = arith.cmpf ogt, %get3A_249, %gt3A_252 : vector<16xf32>
          %mul3A_254 = arith.constant 5.000000e-01 : f32
          %mul3A_255 = vector.broadcast %mul3A_254 : f32 to vector<16xf32>
          %mul3A_256 = arith.mulf %mul3A_255, %exp3A : vector<16xf32>
          %sub3A_257 = arith.constant 1.000000e+00 : f32
          %sub3A_258 = vector.broadcast %sub3A_257 : f32 to vector<16xf32>
          %sub3A_259 = arith.subf %sub3A_258, %mul3A_256 : vector<16xf32>
          %mul3A_260 = arith.constant 5.000000e-01 : f32
          %mul3A_261 = vector.broadcast %mul3A_260 : f32 to vector<16xf32>
          %mul3A_262 = arith.mulf %mul3A_261, %exp3A : vector<16xf32>
          %select_n3A = arith.select %gt3A_253, %sub3A_259, %mul3A_262 : vector<16xi1>, vector<16xf32>
          %mul3A_263 = arith.constant 4.096000e+03 : f32
          %mul3A_264 = vector.broadcast %mul3A_263 : f32 to vector<16xf32>
          %mul3A_265 = arith.mulf %select_n3A, %mul3A_264 : vector<16xf32>
          %convert_element_type3A_266 = arith.fptosi %mul3A_265 : vector<16xf32> to vector<16xi32>
          %jit3A = arith.constant 0 : i32
          %jit3A_267 = arith.constant 4095 : i32
          %max3A = vector.broadcast %jit3A : i32 to vector<16xi32>
          %max3A_268 = arith.maxsi %max3A, %convert_element_type3A_266 : vector<16xi32>
          %min3A = vector.broadcast %jit3A_267 : i32 to vector<16xi32>
          %min3A_269 = arith.minsi %min3A, %max3A_268 : vector<16xi32>
          %gather3A = tpu.vector_load_idx %arg7[%min3A_269] : memref<4112xf32, #tpu.memory_space<vmem>>[vector<16xi32>], vector<16xf32>,
          %gather3A_270 = tpu.vector_load_idx %arg8[%min3A_269] : memref<4096xf32, #tpu.memory_space<vmem>>[vector<16xi32>], vector<16xf32>,
          %sub3A_271 = arith.subf %get3A_249, %gather3A : vector<16xf32>
          %mul3A_272 = arith.mulf %sub3A_271, %gather3A_270 : vector<16xf32>
          %mul3A_273 = arith.constant 16 : i32
          %mul3A_274 = arith.muli %scan3A_245, %mul3A_273 : i32
          %swap3A = arith.index_cast %sub3A_114 : i32 to index
          %swap3A_275 = arith.index_cast %mul3A_274 : i32 to index
          %swap3A_276 = tpu.vector_load %arg12[%swap3A, %swap3A_275] {strides = array<i32>} : memref<2x512xf32, #tpu.memory_space<vmem>>, vector<16xf32>,
          tpu.vector_store %arg12[%swap3A, %swap3A_275], %mul3A_272 {strides = array<i32>} : memref<2x512xf32, #tpu.memory_space<vmem>>, vector<16xf32>,
          %mul3A_277 = arith.constant 64 : i32
          %mul3A_278 = vector.broadcast %mul3A_277 : i32 to vector<16xi32>
          %mul3A_279 = arith.muli %min3A_269, %mul3A_278 : vector<16xi32>
          %add3A_280 = vector.broadcast %add3A_238 : i32 to vector<16xi32>
          %add3A_281 = arith.addi %mul3A_279, %add3A_280 : vector<16xi32>
          %mul3A_282 = arith.constant 16 : i32
          %mul3A_283 = arith.muli %scan3A_245, %mul3A_282 : i32
          %swap3A_284 = arith.index_cast %sub3A_114 : i32 to index
          %swap3A_285 = arith.index_cast %mul3A_283 : i32 to index
          %swap3A_286 = tpu.vector_load %arg10[%swap3A_284, %swap3A_285] {strides = array<i32>} : memref<2x512xi32, #tpu.memory_space<vmem>>, vector<16xi32>,
          tpu.vector_store %arg10[%swap3A_284, %swap3A_285], %add3A_281 {strides = array<i32>} : memref<2x512xi32, #tpu.memory_space<vmem>>, vector<16xi32>,
          %add3A_287 = arith.constant 64 : i32
          %add3A_288 = vector.broadcast %add3A_287 : i32 to vector<16xi32>
          %add3A_289 = arith.addi %add3A_281, %add3A_288 : vector<16xi32>
          %mul3A_290 = arith.constant 16 : i32
          %mul3A_291 = arith.muli %scan3A_245, %mul3A_290 : i32
          %swap3A_292 = arith.index_cast %sub3A_114 : i32 to index
          %swap3A_293 = arith.index_cast %mul3A_291 : i32 to index
          %swap3A_294 = tpu.vector_load %arg11[%swap3A_292, %swap3A_293] {strides = array<i32>} : memref<2x512xi32, #tpu.memory_space<vmem>>, vector<16xi32>,
          tpu.vector_store %arg11[%swap3A_292, %swap3A_293], %add3A_289 {strides = array<i32>} : memref<2x512xi32, #tpu.memory_space<vmem>>, vector<16xi32>,
        }
        %scan3A_244 = arith.constant 32 : i32
      } else {
      }
      %dma_wait3A = arith.constant 0 : i32
      %dma_wait3A_117 = arith.constant 0 : i32
      %dma_wait3A_118 = tpu.memref_slice %arg13[%dma_wait3A, %dma_wait3A_117] : memref<512x64xbf16, #tpu.memory_space<vmem>> -> memref<128x64xbf16, #tpu.memory_space<vmem>>
      %dma_wait3A_119 = arith.constant 0 : i32
      %dma_wait3A_120 = tpu.memref_slice %arg10[%rem3A_113, %dma_wait3A_119] : memref<2x512xi32, #tpu.memory_space<vmem>> -> memref<1x128xi32, #tpu.memory_space<vmem>>
      %dma_wait3A_121 = tpu.memref_squeeze %dma_wait3A_120 : memref<1x128xi32, #tpu.memory_space<vmem>> -> memref<128xi32, #tpu.memory_space<vmem>>
      %dma_wait3A_122 = arith.constant 0 : i32
      %dma_wait3A_123 = arith.constant 0 : i32
      %dma_wait3A_124 = tpu.memref_slice %arg3[%dma_wait3A_122, %dma_wait3A_123] : memref<262208x64xbf16, #tpu.memory_space<hbm>> -> memref<262208x64xbf16, #tpu.memory_space<hbm>>
      tpu.wait_indirect_dma semaphore(%arg18 : memref<!tpu.dma_semaphore, #tpu.memory_space<semaphore_mem>>) src(%dma_wait3A_124 : memref<262208x64xbf16, #tpu.memory_space<hbm>>) dst(%dma_wait3A_118 : memref<128x64xbf16, #tpu.memory_space<vmem>>)
      %dma_wait3A_125 = arith.constant 0 : i32
      %dma_wait3A_126 = arith.constant 0 : i32
      %dma_wait3A_127 = tpu.memref_slice %arg14[%dma_wait3A_125, %dma_wait3A_126] : memref<512x64xbf16, #tpu.memory_space<vmem>> -> memref<128x64xbf16, #tpu.memory_space<vmem>>
      %dma_wait3A_128 = arith.constant 0 : i32
      %dma_wait3A_129 = tpu.memref_slice %arg11[%rem3A_113, %dma_wait3A_128] : memref<2x512xi32, #tpu.memory_space<vmem>> -> memref<1x128xi32, #tpu.memory_space<vmem>>
      %dma_wait3A_130 = tpu.memref_squeeze %dma_wait3A_129 : memref<1x128xi32, #tpu.memory_space<vmem>> -> memref<128xi32, #tpu.memory_space<vmem>>
      %dma_wait3A_131 = arith.constant 0 : i32
      %dma_wait3A_132 = arith.constant 0 : i32
      %dma_wait3A_133 = tpu.memref_slice %arg3[%dma_wait3A_131, %dma_wait3A_132] : memref<262208x64xbf16, #tpu.memory_space<hbm>> -> memref<262208x64xbf16, #tpu.memory_space<hbm>>
      tpu.wait_indirect_dma semaphore(%arg19 : memref<!tpu.dma_semaphore, #tpu.memory_space<semaphore_mem>>) src(%dma_wait3A_133 : memref<262208x64xbf16, #tpu.memory_space<hbm>>) dst(%dma_wait3A_127 : memref<128x64xbf16, #tpu.memory_space<vmem>>)
      %parallel_loop3A_134 = arith.constant 0 : i32
      %parallel_loop3A_135 = arith.constant 128 : i32
      %parallel_loop3A_136 = arith.constant 1 : i32
      scf.for %parallel_loop3A_220 = %parallel_loop3A_134 to %parallel_loop3A_135 step %parallel_loop3A_136  : i32 {
        %parallel_loop3A_221 = arith.constant 0 : i32
        %parallel_loop3A_222 = arith.addi %parallel_loop3A_221, %parallel_loop3A_220 : i32
        %parallel_loop3A_223 = vector.broadcast %parallel_loop3A_222 : i32 to vector<16xi32>
        %parallel_loop3A_224 = arith.constant 0 : i32
        %parallel_loop3A_225 = tpu.memref_slice %arg12[%rem3A_113, %parallel_loop3A_224] : memref<2x512xf32, #tpu.memory_space<vmem>> -> memref<1x512xf32, #tpu.memory_space<vmem>>
        %parallel_loop3A_226 = tpu.memref_squeeze %parallel_loop3A_225 : memref<1x512xf32, #tpu.memory_space<vmem>> -> memref<512xf32, #tpu.memory_space<vmem>>
        %parallel_loop3A_227 = tpu.vector_load_idx %parallel_loop3A_226[%parallel_loop3A_223] : memref<512xf32, #tpu.memory_space<vmem>>[vector<16xi32>], vector<16xf32>,
        %parallel_loop3A_228 = arith.index_cast %parallel_loop3A_222 : i32 to index
        %parallel_loop3A_229 = arith.constant 0 : index
        %parallel_loop3A_230 = tpu.vector_load %arg13[%parallel_loop3A_228, %parallel_loop3A_229] {strides = array<i32>} : memref<512x64xbf16, #tpu.memory_space<vmem>>, vector<32xbf16>,
        %parallel_loop3A_231 = vector.bitcast %parallel_loop3A_230 : vector<32xbf16> to vector<16xi32>
        %parallel_loop3A_232 = arith.index_cast %parallel_loop3A_222 : i32 to index
        %parallel_loop3A_233 = arith.constant 0 : index
        %parallel_loop3A_234 = tpu.vector_load %arg14[%parallel_loop3A_232, %parallel_loop3A_233] {strides = array<i32>} : memref<512x64xbf16, #tpu.memory_space<vmem>>, vector<32xbf16>,
        %parallel_loop3A_235 = vector.bitcast %parallel_loop3A_234 : vector<32xbf16> to vector<16xi32>
        %parallel_loop3A_236 = arith.constant 16 : i32
        %parallel_loop3A_237 = vector.broadcast %parallel_loop3A_236 : i32 to vector<16xi32>
        %parallel_loop3A_238 = arith.shli %parallel_loop3A_231, %parallel_loop3A_237 : vector<16xi32>
        %parallel_loop3A_239 = arith.constant 16 : i32
        %parallel_loop3A_240 = vector.broadcast %parallel_loop3A_239 : i32 to vector<16xi32>
        %parallel_loop3A_241 = arith.shli %parallel_loop3A_235, %parallel_loop3A_240 : vector<16xi32>
        %parallel_loop3A_242 = vector.bitcast %parallel_loop3A_238 : vector<16xi32> to vector<16xf32>
        %parallel_loop3A_243 = vector.bitcast %parallel_loop3A_241 : vector<16xi32> to vector<16xf32>
        %parallel_loop3A_244 = arith.subf %parallel_loop3A_243, %parallel_loop3A_242 : vector<16xf32>
        %parallel_loop3A_245 = arith.mulf %parallel_loop3A_227, %parallel_loop3A_244 : vector<16xf32>
        %parallel_loop3A_246 = arith.addf %parallel_loop3A_242, %parallel_loop3A_245 : vector<16xf32>
        %parallel_loop3A_247 = arith.index_cast %parallel_loop3A_222 : i32 to index
        %parallel_loop3A_248 = arith.constant 0 : index
        %parallel_loop3A_249 = tpu.vector_load %arg15[%parallel_loop3A_247, %parallel_loop3A_248] {strides = array<i32>} : memref<512x64xf32, #tpu.memory_space<vmem>>, vector<16xf32>,
        tpu.vector_store %arg15[%parallel_loop3A_247, %parallel_loop3A_248], %parallel_loop3A_246 {add = true, strides = array<i32>} : memref<512x64xf32, #tpu.memory_space<vmem>>, vector<16xf32>,
        %parallel_loop3A_250 = arith.constant -65536 : i32
        %parallel_loop3A_251 = vector.broadcast %parallel_loop3A_250 : i32 to vector<16xi32>
        %parallel_loop3A_252 = arith.andi %parallel_loop3A_231, %parallel_loop3A_251 : vector<16xi32>
        %parallel_loop3A_253 = arith.constant -65536 : i32
        %parallel_loop3A_254 = vector.broadcast %parallel_loop3A_253 : i32 to vector<16xi32>
        %parallel_loop3A_255 = arith.andi %parallel_loop3A_235, %parallel_loop3A_254 : vector<16xi32>
        %parallel_loop3A_256 = vector.bitcast %parallel_loop3A_252 : vector<16xi32> to vector<16xf32>
        %parallel_loop3A_257 = vector.bitcast %parallel_loop3A_255 : vector<16xi32> to vector<16xf32>
        %parallel_loop3A_258 = arith.subf %parallel_loop3A_257, %parallel_loop3A_256 : vector<16xf32>
        %parallel_loop3A_259 = arith.mulf %parallel_loop3A_227, %parallel_loop3A_258 : vector<16xf32>
        %parallel_loop3A_260 = arith.addf %parallel_loop3A_256, %parallel_loop3A_259 : vector<16xf32>
        %parallel_loop3A_261 = arith.index_cast %parallel_loop3A_222 : i32 to index
        %parallel_loop3A_262 = arith.constant 16 : index
        %parallel_loop3A_263 = tpu.vector_load %arg15[%parallel_loop3A_261, %parallel_loop3A_262] {strides = array<i32>} : memref<512x64xf32, #tpu.memory_space<vmem>>, vector<16xf32>,
        tpu.vector_store %arg15[%parallel_loop3A_261, %parallel_loop3A_262], %parallel_loop3A_260 {add = true, strides = array<i32>} : memref<512x64xf32, #tpu.memory_space<vmem>>, vector<16xf32>,
        %parallel_loop3A_264 = arith.index_cast %parallel_loop3A_222 : i32 to index
        %parallel_loop3A_265 = arith.constant 32 : index
        %parallel_loop3A_266 = tpu.vector_load %arg13[%parallel_loop3A_264, %parallel_loop3A_265] {strides = array<i32>} : memref<512x64xbf16, #tpu.memory_space<vmem>>, vector<32xbf16>,
        %parallel_loop3A_267 = vector.bitcast %parallel_loop3A_266 : vector<32xbf16> to vector<16xi32>
        %parallel_loop3A_268 = arith.index_cast %parallel_loop3A_222 : i32 to index
        %parallel_loop3A_269 = arith.constant 32 : index
        %parallel_loop3A_270 = tpu.vector_load %arg14[%parallel_loop3A_268, %parallel_loop3A_269] {strides = array<i32>} : memref<512x64xbf16, #tpu.memory_space<vmem>>, vector<32xbf16>,
        %parallel_loop3A_271 = vector.bitcast %parallel_loop3A_270 : vector<32xbf16> to vector<16xi32>
        %parallel_loop3A_272 = arith.constant 16 : i32
        %parallel_loop3A_273 = vector.broadcast %parallel_loop3A_272 : i32 to vector<16xi32>
        %parallel_loop3A_274 = arith.shli %parallel_loop3A_267, %parallel_loop3A_273 : vector<16xi32>
        %parallel_loop3A_275 = arith.constant 16 : i32
        %parallel_loop3A_276 = vector.broadcast %parallel_loop3A_275 : i32 to vector<16xi32>
        %parallel_loop3A_277 = arith.shli %parallel_loop3A_271, %parallel_loop3A_276 : vector<16xi32>
        %parallel_loop3A_278 = vector.bitcast %parallel_loop3A_274 : vector<16xi32> to vector<16xf32>
        %parallel_loop3A_279 = vector.bitcast %parallel_loop3A_277 : vector<16xi32> to vector<16xf32>
        %parallel_loop3A_280 = arith.subf %parallel_loop3A_279, %parallel_loop3A_278 : vector<16xf32>
        %parallel_loop3A_281 = arith.mulf %parallel_loop3A_227, %parallel_loop3A_280 : vector<16xf32>
        %parallel_loop3A_282 = arith.addf %parallel_loop3A_278, %parallel_loop3A_281 : vector<16xf32>
        %parallel_loop3A_283 = arith.index_cast %parallel_loop3A_222 : i32 to index
        %parallel_loop3A_284 = arith.constant 32 : index
        %parallel_loop3A_285 = tpu.vector_load %arg15[%parallel_loop3A_283, %parallel_loop3A_284] {strides = array<i32>} : memref<512x64xf32, #tpu.memory_space<vmem>>, vector<16xf32>,
        tpu.vector_store %arg15[%parallel_loop3A_283, %parallel_loop3A_284], %parallel_loop3A_282 {add = true, strides = array<i32>} : memref<512x64xf32, #tpu.memory_space<vmem>>, vector<16xf32>,
        %parallel_loop3A_286 = arith.constant -65536 : i32
        %parallel_loop3A_287 = vector.broadcast %parallel_loop3A_286 : i32 to vector<16xi32>
        %parallel_loop3A_288 = arith.andi %parallel_loop3A_267, %parallel_loop3A_287 : vector<16xi32>
        %parallel_loop3A_289 = arith.constant -65536 : i32
        %parallel_loop3A_290 = vector.broadcast %parallel_loop3A_289 : i32 to vector<16xi32>
        %parallel_loop3A_291 = arith.andi %parallel_loop3A_271, %parallel_loop3A_290 : vector<16xi32>
        %parallel_loop3A_292 = vector.bitcast %parallel_loop3A_288 : vector<16xi32> to vector<16xf32>
        %parallel_loop3A_293 = vector.bitcast %parallel_loop3A_291 : vector<16xi32> to vector<16xf32>
        %parallel_loop3A_294 = arith.subf %parallel_loop3A_293, %parallel_loop3A_292 : vector<16xf32>
        %parallel_loop3A_295 = arith.mulf %parallel_loop3A_227, %parallel_loop3A_294 : vector<16xf32>
        %parallel_loop3A_296 = arith.addf %parallel_loop3A_292, %parallel_loop3A_295 : vector<16xf32>
        %parallel_loop3A_297 = arith.index_cast %parallel_loop3A_222 : i32 to index
        %parallel_loop3A_298 = arith.constant 48 : index
        %parallel_loop3A_299 = tpu.vector_load %arg15[%parallel_loop3A_297, %parallel_loop3A_298] {strides = array<i32>} : memref<512x64xf32, #tpu.memory_space<vmem>>, vector<16xf32>,
        tpu.vector_store %arg15[%parallel_loop3A_297, %parallel_loop3A_298], %parallel_loop3A_296 {add = true, strides = array<i32>} : memref<512x64xf32, #tpu.memory_space<vmem>>, vector<16xf32>,
      } {sc.loop_unroll_factor = 4 : i64, sc.parallel_access}
      %lt3A_137 = arith.constant 63 : i32
      %lt3A_138 = arith.cmpi slt, %scan3A_112, %lt3A_137 : i32
      %convert_element_type3A_139 = arith.extui %lt3A_138 : i1 to i32
      %cond3A_140 = arith.constant 0 : i32
      %cond3A_141 = arith.cmpi ne, %convert_element_type3A_139, %cond3A_140 : i32
      scf.if %cond3A_141 {
        %dma_start3A_220 = arith.constant 0 : i32
        %dma_start3A_221 = arith.constant 0 : i32
        %dma_start3A_222 = tpu.memref_slice %arg13[%dma_start3A_220, %dma_start3A_221] : memref<512x64xbf16, #tpu.memory_space<vmem>> -> memref<128x64xbf16, #tpu.memory_space<vmem>>
        %dma_start3A_223 = arith.constant 0 : i32
        %dma_start3A_224 = tpu.memref_slice %arg10[%sub3A_114, %dma_start3A_223] : memref<2x512xi32, #tpu.memory_space<vmem>> -> memref<1x128xi32, #tpu.memory_space<vmem>>
        %dma_start3A_225 = tpu.memref_squeeze %dma_start3A_224 : memref<1x128xi32, #tpu.memory_space<vmem>> -> memref<128xi32, #tpu.memory_space<vmem>>
        %dma_start3A_226 = arith.constant 0 : i32
        %dma_start3A_227 = arith.constant 0 : i32
        %dma_start3A_228 = tpu.memref_slice %arg3[%dma_start3A_226, %dma_start3A_227] : memref<262208x64xbf16, #tpu.memory_space<hbm>> -> memref<262208x64xbf16, #tpu.memory_space<hbm>>
        tpu.enqueue_indirect_dma source(%dma_start3A_228 : memref<262208x64xbf16, #tpu.memory_space<hbm>>) target(%dma_start3A_222 : memref<128x64xbf16, #tpu.memory_space<vmem>>) offsets(%dma_start3A_225 : memref<128xi32, #tpu.memory_space<vmem>>) semaphore(%arg18 : memref<!tpu.dma_semaphore, #tpu.memory_space<semaphore_mem>>)
        %dma_start3A_229 = arith.constant 0 : i32
        %dma_start3A_230 = arith.constant 0 : i32
        %dma_start3A_231 = tpu.memref_slice %arg14[%dma_start3A_229, %dma_start3A_230] : memref<512x64xbf16, #tpu.memory_space<vmem>> -> memref<128x64xbf16, #tpu.memory_space<vmem>>
        %dma_start3A_232 = arith.constant 0 : i32
        %dma_start3A_233 = tpu.memref_slice %arg11[%sub3A_114, %dma_start3A_232] : memref<2x512xi32, #tpu.memory_space<vmem>> -> memref<1x128xi32, #tpu.memory_space<vmem>>
        %dma_start3A_234 = tpu.memref_squeeze %dma_start3A_233 : memref<1x128xi32, #tpu.memory_space<vmem>> -> memref<128xi32, #tpu.memory_space<vmem>>
        %dma_start3A_235 = arith.constant 0 : i32
        %dma_start3A_236 = arith.constant 0 : i32
        %dma_start3A_237 = tpu.memref_slice %arg3[%dma_start3A_235, %dma_start3A_236] : memref<262208x64xbf16, #tpu.memory_space<hbm>> -> memref<262208x64xbf16, #tpu.memory_space<hbm>>
        tpu.enqueue_indirect_dma source(%dma_start3A_237 : memref<262208x64xbf16, #tpu.memory_space<hbm>>) target(%dma_start3A_231 : memref<128x64xbf16, #tpu.memory_space<vmem>>) offsets(%dma_start3A_234 : memref<128xi32, #tpu.memory_space<vmem>>) semaphore(%arg19 : memref<!tpu.dma_semaphore, #tpu.memory_space<semaphore_mem>>)
      } else {
      }
      %dma_wait3A_142 = arith.constant 128 : i32
      %dma_wait3A_143 = arith.constant 0 : i32
      %dma_wait3A_144 = tpu.memref_slice %arg13[%dma_wait3A_142, %dma_wait3A_143] : memref<512x64xbf16, #tpu.memory_space<vmem>> -> memref<128x64xbf16, #tpu.memory_space<vmem>>
      %dma_wait3A_145 = arith.constant 128 : i32
      %dma_wait3A_146 = tpu.memref_slice %arg10[%rem3A_113, %dma_wait3A_145] : memref<2x512xi32, #tpu.memory_space<vmem>> -> memref<1x128xi32, #tpu.memory_space<vmem>>
      %dma_wait3A_147 = tpu.memref_squeeze %dma_wait3A_146 : memref<1x128xi32, #tpu.memory_space<vmem>> -> memref<128xi32, #tpu.memory_space<vmem>>
      %dma_wait3A_148 = arith.constant 0 : i32
      %dma_wait3A_149 = arith.constant 0 : i32
      %dma_wait3A_150 = tpu.memref_slice %arg3[%dma_wait3A_148, %dma_wait3A_149] : memref<262208x64xbf16, #tpu.memory_space<hbm>> -> memref<262208x64xbf16, #tpu.memory_space<hbm>>
      tpu.wait_indirect_dma semaphore(%arg18 : memref<!tpu.dma_semaphore, #tpu.memory_space<semaphore_mem>>) src(%dma_wait3A_150 : memref<262208x64xbf16, #tpu.memory_space<hbm>>) dst(%dma_wait3A_144 : memref<128x64xbf16, #tpu.memory_space<vmem>>)
      %dma_wait3A_151 = arith.constant 128 : i32
      %dma_wait3A_152 = arith.constant 0 : i32
      %dma_wait3A_153 = tpu.memref_slice %arg14[%dma_wait3A_151, %dma_wait3A_152] : memref<512x64xbf16, #tpu.memory_space<vmem>> -> memref<128x64xbf16, #tpu.memory_space<vmem>>
      %dma_wait3A_154 = arith.constant 128 : i32
      %dma_wait3A_155 = tpu.memref_slice %arg11[%rem3A_113, %dma_wait3A_154] : memref<2x512xi32, #tpu.memory_space<vmem>> -> memref<1x128xi32, #tpu.memory_space<vmem>>
      %dma_wait3A_156 = tpu.memref_squeeze %dma_wait3A_155 : memref<1x128xi32, #tpu.memory_space<vmem>> -> memref<128xi32, #tpu.memory_space<vmem>>
      %dma_wait3A_157 = arith.constant 0 : i32
      %dma_wait3A_158 = arith.constant 0 : i32
      %dma_wait3A_159 = tpu.memref_slice %arg3[%dma_wait3A_157, %dma_wait3A_158] : memref<262208x64xbf16, #tpu.memory_space<hbm>> -> memref<262208x64xbf16, #tpu.memory_space<hbm>>
      tpu.wait_indirect_dma semaphore(%arg19 : memref<!tpu.dma_semaphore, #tpu.memory_space<semaphore_mem>>) src(%dma_wait3A_159 : memref<262208x64xbf16, #tpu.memory_space<hbm>>) dst(%dma_wait3A_153 : memref<128x64xbf16, #tpu.memory_space<vmem>>)
      %parallel_loop3A_160 = arith.constant 0 : i32
      %parallel_loop3A_161 = arith.constant 128 : i32
      %parallel_loop3A_162 = arith.constant 1 : i32
      scf.for %parallel_loop3A_220 = %parallel_loop3A_160 to %parallel_loop3A_161 step %parallel_loop3A_162  : i32 {
        %parallel_loop3A_221 = arith.constant 128 : i32
        %parallel_loop3A_222 = arith.addi %parallel_loop3A_221, %parallel_loop3A_220 : i32
        %parallel_loop3A_223 = vector.broadcast %parallel_loop3A_222 : i32 to vector<16xi32>
        %parallel_loop3A_224 = arith.constant 0 : i32
        %parallel_loop3A_225 = tpu.memref_slice %arg12[%rem3A_113, %parallel_loop3A_224] : memref<2x512xf32, #tpu.memory_space<vmem>> -> memref<1x512xf32, #tpu.memory_space<vmem>>
        %parallel_loop3A_226 = tpu.memref_squeeze %parallel_loop3A_225 : memref<1x512xf32, #tpu.memory_space<vmem>> -> memref<512xf32, #tpu.memory_space<vmem>>
        %parallel_loop3A_227 = tpu.vector_load_idx %parallel_loop3A_226[%parallel_loop3A_223] : memref<512xf32, #tpu.memory_space<vmem>>[vector<16xi32>], vector<16xf32>,
        %parallel_loop3A_228 = arith.index_cast %parallel_loop3A_222 : i32 to index
        %parallel_loop3A_229 = arith.constant 0 : index
        %parallel_loop3A_230 = tpu.vector_load %arg13[%parallel_loop3A_228, %parallel_loop3A_229] {strides = array<i32>} : memref<512x64xbf16, #tpu.memory_space<vmem>>, vector<32xbf16>,
        %parallel_loop3A_231 = vector.bitcast %parallel_loop3A_230 : vector<32xbf16> to vector<16xi32>
        %parallel_loop3A_232 = arith.index_cast %parallel_loop3A_222 : i32 to index
        %parallel_loop3A_233 = arith.constant 0 : index
        %parallel_loop3A_234 = tpu.vector_load %arg14[%parallel_loop3A_232, %parallel_loop3A_233] {strides = array<i32>} : memref<512x64xbf16, #tpu.memory_space<vmem>>, vector<32xbf16>,
        %parallel_loop3A_235 = vector.bitcast %parallel_loop3A_234 : vector<32xbf16> to vector<16xi32>
        %parallel_loop3A_236 = arith.constant 16 : i32
        %parallel_loop3A_237 = vector.broadcast %parallel_loop3A_236 : i32 to vector<16xi32>
        %parallel_loop3A_238 = arith.shli %parallel_loop3A_231, %parallel_loop3A_237 : vector<16xi32>
        %parallel_loop3A_239 = arith.constant 16 : i32
        %parallel_loop3A_240 = vector.broadcast %parallel_loop3A_239 : i32 to vector<16xi32>
        %parallel_loop3A_241 = arith.shli %parallel_loop3A_235, %parallel_loop3A_240 : vector<16xi32>
        %parallel_loop3A_242 = vector.bitcast %parallel_loop3A_238 : vector<16xi32> to vector<16xf32>
        %parallel_loop3A_243 = vector.bitcast %parallel_loop3A_241 : vector<16xi32> to vector<16xf32>
        %parallel_loop3A_244 = arith.subf %parallel_loop3A_243, %parallel_loop3A_242 : vector<16xf32>
        %parallel_loop3A_245 = arith.mulf %parallel_loop3A_227, %parallel_loop3A_244 : vector<16xf32>
        %parallel_loop3A_246 = arith.addf %parallel_loop3A_242, %parallel_loop3A_245 : vector<16xf32>
        %parallel_loop3A_247 = arith.index_cast %parallel_loop3A_222 : i32 to index
        %parallel_loop3A_248 = arith.constant 0 : index
        %parallel_loop3A_249 = tpu.vector_load %arg15[%parallel_loop3A_247, %parallel_loop3A_248] {strides = array<i32>} : memref<512x64xf32, #tpu.memory_space<vmem>>, vector<16xf32>,
        tpu.vector_store %arg15[%parallel_loop3A_247, %parallel_loop3A_248], %parallel_loop3A_246 {add = true, strides = array<i32>} : memref<512x64xf32, #tpu.memory_space<vmem>>, vector<16xf32>,
        %parallel_loop3A_250 = arith.constant -65536 : i32
        %parallel_loop3A_251 = vector.broadcast %parallel_loop3A_250 : i32 to vector<16xi32>
        %parallel_loop3A_252 = arith.andi %parallel_loop3A_231, %parallel_loop3A_251 : vector<16xi32>
        %parallel_loop3A_253 = arith.constant -65536 : i32
        %parallel_loop3A_254 = vector.broadcast %parallel_loop3A_253 : i32 to vector<16xi32>
        %parallel_loop3A_255 = arith.andi %parallel_loop3A_235, %parallel_loop3A_254 : vector<16xi32>
        %parallel_loop3A_256 = vector.bitcast %parallel_loop3A_252 : vector<16xi32> to vector<16xf32>
        %parallel_loop3A_257 = vector.bitcast %parallel_loop3A_255 : vector<16xi32> to vector<16xf32>
        %parallel_loop3A_258 = arith.subf %parallel_loop3A_257, %parallel_loop3A_256 : vector<16xf32>
        %parallel_loop3A_259 = arith.mulf %parallel_loop3A_227, %parallel_loop3A_258 : vector<16xf32>
        %parallel_loop3A_260 = arith.addf %parallel_loop3A_256, %parallel_loop3A_259 : vector<16xf32>
        %parallel_loop3A_261 = arith.index_cast %parallel_loop3A_222 : i32 to index
        %parallel_loop3A_262 = arith.constant 16 : index
        %parallel_loop3A_263 = tpu.vector_load %arg15[%parallel_loop3A_261, %parallel_loop3A_262] {strides = array<i32>} : memref<512x64xf32, #tpu.memory_space<vmem>>, vector<16xf32>,
        tpu.vector_store %arg15[%parallel_loop3A_261, %parallel_loop3A_262], %parallel_loop3A_260 {add = true, strides = array<i32>} : memref<512x64xf32, #tpu.memory_space<vmem>>, vector<16xf32>,
        %parallel_loop3A_264 = arith.index_cast %parallel_loop3A_222 : i32 to index
        %parallel_loop3A_265 = arith.constant 32 : index
        %parallel_loop3A_266 = tpu.vector_load %arg13[%parallel_loop3A_264, %parallel_loop3A_265] {strides = array<i32>} : memref<512x64xbf16, #tpu.memory_space<vmem>>, vector<32xbf16>,
        %parallel_loop3A_267 = vector.bitcast %parallel_loop3A_266 : vector<32xbf16> to vector<16xi32>
        %parallel_loop3A_268 = arith.index_cast %parallel_loop3A_222 : i32 to index
        %parallel_loop3A_269 = arith.constant 32 : index
        %parallel_loop3A_270 = tpu.vector_load %arg14[%parallel_loop3A_268, %parallel_loop3A_269] {strides = array<i32>} : memref<512x64xbf16, #tpu.memory_space<vmem>>, vector<32xbf16>,
        %parallel_loop3A_271 = vector.bitcast %parallel_loop3A_270 : vector<32xbf16> to vector<16xi32>
        %parallel_loop3A_272 = arith.constant 16 : i32
        %parallel_loop3A_273 = vector.broadcast %parallel_loop3A_272 : i32 to vector<16xi32>
        %parallel_loop3A_274 = arith.shli %parallel_loop3A_267, %parallel_loop3A_273 : vector<16xi32>
        %parallel_loop3A_275 = arith.constant 16 : i32
        %parallel_loop3A_276 = vector.broadcast %parallel_loop3A_275 : i32 to vector<16xi32>
        %parallel_loop3A_277 = arith.shli %parallel_loop3A_271, %parallel_loop3A_276 : vector<16xi32>
        %parallel_loop3A_278 = vector.bitcast %parallel_loop3A_274 : vector<16xi32> to vector<16xf32>
        %parallel_loop3A_279 = vector.bitcast %parallel_loop3A_277 : vector<16xi32> to vector<16xf32>
        %parallel_loop3A_280 = arith.subf %parallel_loop3A_279, %parallel_loop3A_278 : vector<16xf32>
        %parallel_loop3A_281 = arith.mulf %parallel_loop3A_227, %parallel_loop3A_280 : vector<16xf32>
        %parallel_loop3A_282 = arith.addf %parallel_loop3A_278, %parallel_loop3A_281 : vector<16xf32>
        %parallel_loop3A_283 = arith.index_cast %parallel_loop3A_222 : i32 to index
        %parallel_loop3A_284 = arith.constant 32 : index
        %parallel_loop3A_285 = tpu.vector_load %arg15[%parallel_loop3A_283, %parallel_loop3A_284] {strides = array<i32>} : memref<512x64xf32, #tpu.memory_space<vmem>>, vector<16xf32>,
        tpu.vector_store %arg15[%parallel_loop3A_283, %parallel_loop3A_284], %parallel_loop3A_282 {add = true, strides = array<i32>} : memref<512x64xf32, #tpu.memory_space<vmem>>, vector<16xf32>,
        %parallel_loop3A_286 = arith.constant -65536 : i32
        %parallel_loop3A_287 = vector.broadcast %parallel_loop3A_286 : i32 to vector<16xi32>
        %parallel_loop3A_288 = arith.andi %parallel_loop3A_267, %parallel_loop3A_287 : vector<16xi32>
        %parallel_loop3A_289 = arith.constant -65536 : i32
        %parallel_loop3A_290 = vector.broadcast %parallel_loop3A_289 : i32 to vector<16xi32>
        %parallel_loop3A_291 = arith.andi %parallel_loop3A_271, %parallel_loop3A_290 : vector<16xi32>
        %parallel_loop3A_292 = vector.bitcast %parallel_loop3A_288 : vector<16xi32> to vector<16xf32>
        %parallel_loop3A_293 = vector.bitcast %parallel_loop3A_291 : vector<16xi32> to vector<16xf32>
        %parallel_loop3A_294 = arith.subf %parallel_loop3A_293, %parallel_loop3A_292 : vector<16xf32>
        %parallel_loop3A_295 = arith.mulf %parallel_loop3A_227, %parallel_loop3A_294 : vector<16xf32>
        %parallel_loop3A_296 = arith.addf %parallel_loop3A_292, %parallel_loop3A_295 : vector<16xf32>
        %parallel_loop3A_297 = arith.index_cast %parallel_loop3A_222 : i32 to index
        %parallel_loop3A_298 = arith.constant 48 : index
        %parallel_loop3A_299 = tpu.vector_load %arg15[%parallel_loop3A_297, %parallel_loop3A_298] {strides = array<i32>} : memref<512x64xf32, #tpu.memory_space<vmem>>, vector<16xf32>,
        tpu.vector_store %arg15[%parallel_loop3A_297, %parallel_loop3A_298], %parallel_loop3A_296 {add = true, strides = array<i32>} : memref<512x64xf32, #tpu.memory_space<vmem>>, vector<16xf32>,
      } {sc.loop_unroll_factor = 4 : i64, sc.parallel_access}
      %lt3A_163 = arith.constant 63 : i32
      %lt3A_164 = arith.cmpi slt, %scan3A_112, %lt3A_163 : i32
      %convert_element_type3A_165 = arith.extui %lt3A_164 : i1 to i32
      %cond3A_166 = arith.constant 0 : i32
      %cond3A_167 = arith.cmpi ne, %convert_element_type3A_165, %cond3A_166 : i32
      scf.if %cond3A_167 {
        %dma_start3A_220 = arith.constant 128 : i32
        %dma_start3A_221 = arith.constant 0 : i32
        %dma_start3A_222 = tpu.memref_slice %arg13[%dma_start3A_220, %dma_start3A_221] : memref<512x64xbf16, #tpu.memory_space<vmem>> -> memref<128x64xbf16, #tpu.memory_space<vmem>>
        %dma_start3A_223 = arith.constant 128 : i32
        %dma_start3A_224 = tpu.memref_slice %arg10[%sub3A_114, %dma_start3A_223] : memref<2x512xi32, #tpu.memory_space<vmem>> -> memref<1x128xi32, #tpu.memory_space<vmem>>
        %dma_start3A_225 = tpu.memref_squeeze %dma_start3A_224 : memref<1x128xi32, #tpu.memory_space<vmem>> -> memref<128xi32, #tpu.memory_space<vmem>>
        %dma_start3A_226 = arith.constant 0 : i32
        %dma_start3A_227 = arith.constant 0 : i32
        %dma_start3A_228 = tpu.memref_slice %arg3[%dma_start3A_226, %dma_start3A_227] : memref<262208x64xbf16, #tpu.memory_space<hbm>> -> memref<262208x64xbf16, #tpu.memory_space<hbm>>
        tpu.enqueue_indirect_dma source(%dma_start3A_228 : memref<262208x64xbf16, #tpu.memory_space<hbm>>) target(%dma_start3A_222 : memref<128x64xbf16, #tpu.memory_space<vmem>>) offsets(%dma_start3A_225 : memref<128xi32, #tpu.memory_space<vmem>>) semaphore(%arg18 : memref<!tpu.dma_semaphore, #tpu.memory_space<semaphore_mem>>)
        %dma_start3A_229 = arith.constant 128 : i32
        %dma_start3A_230 = arith.constant 0 : i32
        %dma_start3A_231 = tpu.memref_slice %arg14[%dma_start3A_229, %dma_start3A_230] : memref<512x64xbf16, #tpu.memory_space<vmem>> -> memref<128x64xbf16, #tpu.memory_space<vmem>>
        %dma_start3A_232 = arith.constant 128 : i32
        %dma_start3A_233 = tpu.memref_slice %arg11[%sub3A_114, %dma_start3A_232] : memref<2x512xi32, #tpu.memory_space<vmem>> -> memref<1x128xi32, #tpu.memory_space<vmem>>
        %dma_start3A_234 = tpu.memref_squeeze %dma_start3A_233 : memref<1x128xi32, #tpu.memory_space<vmem>> -> memref<128xi32, #tpu.memory_space<vmem>>
        %dma_start3A_235 = arith.constant 0 : i32
        %dma_start3A_236 = arith.constant 0 : i32
        %dma_start3A_237 = tpu.memref_slice %arg3[%dma_start3A_235, %dma_start3A_236] : memref<262208x64xbf16, #tpu.memory_space<hbm>> -> memref<262208x64xbf16, #tpu.memory_space<hbm>>
        tpu.enqueue_indirect_dma source(%dma_start3A_237 : memref<262208x64xbf16, #tpu.memory_space<hbm>>) target(%dma_start3A_231 : memref<128x64xbf16, #tpu.memory_space<vmem>>) offsets(%dma_start3A_234 : memref<128xi32, #tpu.memory_space<vmem>>) semaphore(%arg19 : memref<!tpu.dma_semaphore, #tpu.memory_space<semaphore_mem>>)
      } else {
      }
      %dma_wait3A_168 = arith.constant 256 : i32
      %dma_wait3A_169 = arith.constant 0 : i32
      %dma_wait3A_170 = tpu.memref_slice %arg13[%dma_wait3A_168, %dma_wait3A_169] : memref<512x64xbf16, #tpu.memory_space<vmem>> -> memref<128x64xbf16, #tpu.memory_space<vmem>>
      %dma_wait3A_171 = arith.constant 256 : i32
      %dma_wait3A_172 = tpu.memref_slice %arg10[%rem3A_113, %dma_wait3A_171] : memref<2x512xi32, #tpu.memory_space<vmem>> -> memref<1x128xi32, #tpu.memory_space<vmem>>
      %dma_wait3A_173 = tpu.memref_squeeze %dma_wait3A_172 : memref<1x128xi32, #tpu.memory_space<vmem>> -> memref<128xi32, #tpu.memory_space<vmem>>
      %dma_wait3A_174 = arith.constant 0 : i32
      %dma_wait3A_175 = arith.constant 0 : i32
      %dma_wait3A_176 = tpu.memref_slice %arg3[%dma_wait3A_174, %dma_wait3A_175] : memref<262208x64xbf16, #tpu.memory_space<hbm>> -> memref<262208x64xbf16, #tpu.memory_space<hbm>>
      tpu.wait_indirect_dma semaphore(%arg18 : memref<!tpu.dma_semaphore, #tpu.memory_space<semaphore_mem>>) src(%dma_wait3A_176 : memref<262208x64xbf16, #tpu.memory_space<hbm>>) dst(%dma_wait3A_170 : memref<128x64xbf16, #tpu.memory_space<vmem>>)
      %dma_wait3A_177 = arith.constant 256 : i32
      %dma_wait3A_178 = arith.constant 0 : i32
      %dma_wait3A_179 = tpu.memref_slice %arg14[%dma_wait3A_177, %dma_wait3A_178] : memref<512x64xbf16, #tpu.memory_space<vmem>> -> memref<128x64xbf16, #tpu.memory_space<vmem>>
      %dma_wait3A_180 = arith.constant 256 : i32
      %dma_wait3A_181 = tpu.memref_slice %arg11[%rem3A_113, %dma_wait3A_180] : memref<2x512xi32, #tpu.memory_space<vmem>> -> memref<1x128xi32, #tpu.memory_space<vmem>>
      %dma_wait3A_182 = tpu.memref_squeeze %dma_wait3A_181 : memref<1x128xi32, #tpu.memory_space<vmem>> -> memref<128xi32, #tpu.memory_space<vmem>>
      %dma_wait3A_183 = arith.constant 0 : i32
      %dma_wait3A_184 = arith.constant 0 : i32
      %dma_wait3A_185 = tpu.memref_slice %arg3[%dma_wait3A_183, %dma_wait3A_184] : memref<262208x64xbf16, #tpu.memory_space<hbm>> -> memref<262208x64xbf16, #tpu.memory_space<hbm>>
      tpu.wait_indirect_dma semaphore(%arg19 : memref<!tpu.dma_semaphore, #tpu.memory_space<semaphore_mem>>) src(%dma_wait3A_185 : memref<262208x64xbf16, #tpu.memory_space<hbm>>) dst(%dma_wait3A_179 : memref<128x64xbf16, #tpu.memory_space<vmem>>)
      %parallel_loop3A_186 = arith.constant 0 : i32
      %parallel_loop3A_187 = arith.constant 128 : i32
      %parallel_loop3A_188 = arith.constant 1 : i32
      scf.for %parallel_loop3A_220 = %parallel_loop3A_186 to %parallel_loop3A_187 step %parallel_loop3A_188  : i32 {
        %parallel_loop3A_221 = arith.constant 256 : i32
        %parallel_loop3A_222 = arith.addi %parallel_loop3A_221, %parallel_loop3A_220 : i32
        %parallel_loop3A_223 = vector.broadcast %parallel_loop3A_222 : i32 to vector<16xi32>
        %parallel_loop3A_224 = arith.constant 0 : i32
        %parallel_loop3A_225 = tpu.memref_slice %arg12[%rem3A_113, %parallel_loop3A_224] : memref<2x512xf32, #tpu.memory_space<vmem>> -> memref<1x512xf32, #tpu.memory_space<vmem>>
        %parallel_loop3A_226 = tpu.memref_squeeze %parallel_loop3A_225 : memref<1x512xf32, #tpu.memory_space<vmem>> -> memref<512xf32, #tpu.memory_space<vmem>>
        %parallel_loop3A_227 = tpu.vector_load_idx %parallel_loop3A_226[%parallel_loop3A_223] : memref<512xf32, #tpu.memory_space<vmem>>[vector<16xi32>], vector<16xf32>,
        %parallel_loop3A_228 = arith.index_cast %parallel_loop3A_222 : i32 to index
        %parallel_loop3A_229 = arith.constant 0 : index
        %parallel_loop3A_230 = tpu.vector_load %arg13[%parallel_loop3A_228, %parallel_loop3A_229] {strides = array<i32>} : memref<512x64xbf16, #tpu.memory_space<vmem>>, vector<32xbf16>,
        %parallel_loop3A_231 = vector.bitcast %parallel_loop3A_230 : vector<32xbf16> to vector<16xi32>
        %parallel_loop3A_232 = arith.index_cast %parallel_loop3A_222 : i32 to index
        %parallel_loop3A_233 = arith.constant 0 : index
        %parallel_loop3A_234 = tpu.vector_load %arg14[%parallel_loop3A_232, %parallel_loop3A_233] {strides = array<i32>} : memref<512x64xbf16, #tpu.memory_space<vmem>>, vector<32xbf16>,
        %parallel_loop3A_235 = vector.bitcast %parallel_loop3A_234 : vector<32xbf16> to vector<16xi32>
        %parallel_loop3A_236 = arith.constant 16 : i32
        %parallel_loop3A_237 = vector.broadcast %parallel_loop3A_236 : i32 to vector<16xi32>
        %parallel_loop3A_238 = arith.shli %parallel_loop3A_231, %parallel_loop3A_237 : vector<16xi32>
        %parallel_loop3A_239 = arith.constant 16 : i32
        %parallel_loop3A_240 = vector.broadcast %parallel_loop3A_239 : i32 to vector<16xi32>
        %parallel_loop3A_241 = arith.shli %parallel_loop3A_235, %parallel_loop3A_240 : vector<16xi32>
        %parallel_loop3A_242 = vector.bitcast %parallel_loop3A_238 : vector<16xi32> to vector<16xf32>
        %parallel_loop3A_243 = vector.bitcast %parallel_loop3A_241 : vector<16xi32> to vector<16xf32>
        %parallel_loop3A_244 = arith.subf %parallel_loop3A_243, %parallel_loop3A_242 : vector<16xf32>
        %parallel_loop3A_245 = arith.mulf %parallel_loop3A_227, %parallel_loop3A_244 : vector<16xf32>
        %parallel_loop3A_246 = arith.addf %parallel_loop3A_242, %parallel_loop3A_245 : vector<16xf32>
        %parallel_loop3A_247 = arith.index_cast %parallel_loop3A_222 : i32 to index
        %parallel_loop3A_248 = arith.constant 0 : index
        %parallel_loop3A_249 = tpu.vector_load %arg15[%parallel_loop3A_247, %parallel_loop3A_248] {strides = array<i32>} : memref<512x64xf32, #tpu.memory_space<vmem>>, vector<16xf32>,
        tpu.vector_store %arg15[%parallel_loop3A_247, %parallel_loop3A_248], %parallel_loop3A_246 {add = true, strides = array<i32>} : memref<512x64xf32, #tpu.memory_space<vmem>>, vector<16xf32>,
        %parallel_loop3A_250 = arith.constant -65536 : i32
        %parallel_loop3A_251 = vector.broadcast %parallel_loop3A_250 : i32 to vector<16xi32>
        %parallel_loop3A_252 = arith.andi %parallel_loop3A_231, %parallel_loop3A_251 : vector<16xi32>
        %parallel_loop3A_253 = arith.constant -65536 : i32
        %parallel_loop3A_254 = vector.broadcast %parallel_loop3A_253 : i32 to vector<16xi32>
        %parallel_loop3A_255 = arith.andi %parallel_loop3A_235, %parallel_loop3A_254 : vector<16xi32>
        %parallel_loop3A_256 = vector.bitcast %parallel_loop3A_252 : vector<16xi32> to vector<16xf32>
        %parallel_loop3A_257 = vector.bitcast %parallel_loop3A_255 : vector<16xi32> to vector<16xf32>
        %parallel_loop3A_258 = arith.subf %parallel_loop3A_257, %parallel_loop3A_256 : vector<16xf32>
        %parallel_loop3A_259 = arith.mulf %parallel_loop3A_227, %parallel_loop3A_258 : vector<16xf32>
        %parallel_loop3A_260 = arith.addf %parallel_loop3A_256, %parallel_loop3A_259 : vector<16xf32>
        %parallel_loop3A_261 = arith.index_cast %parallel_loop3A_222 : i32 to index
        %parallel_loop3A_262 = arith.constant 16 : index
        %parallel_loop3A_263 = tpu.vector_load %arg15[%parallel_loop3A_261, %parallel_loop3A_262] {strides = array<i32>} : memref<512x64xf32, #tpu.memory_space<vmem>>, vector<16xf32>,
        tpu.vector_store %arg15[%parallel_loop3A_261, %parallel_loop3A_262], %parallel_loop3A_260 {add = true, strides = array<i32>} : memref<512x64xf32, #tpu.memory_space<vmem>>, vector<16xf32>,
        %parallel_loop3A_264 = arith.index_cast %parallel_loop3A_222 : i32 to index
        %parallel_loop3A_265 = arith.constant 32 : index
        %parallel_loop3A_266 = tpu.vector_load %arg13[%parallel_loop3A_264, %parallel_loop3A_265] {strides = array<i32>} : memref<512x64xbf16, #tpu.memory_space<vmem>>, vector<32xbf16>,
        %parallel_loop3A_267 = vector.bitcast %parallel_loop3A_266 : vector<32xbf16> to vector<16xi32>
        %parallel_loop3A_268 = arith.index_cast %parallel_loop3A_222 : i32 to index
        %parallel_loop3A_269 = arith.constant 32 : index
        %parallel_loop3A_270 = tpu.vector_load %arg14[%parallel_loop3A_268, %parallel_loop3A_269] {strides = array<i32>} : memref<512x64xbf16, #tpu.memory_space<vmem>>, vector<32xbf16>,
        %parallel_loop3A_271 = vector.bitcast %parallel_loop3A_270 : vector<32xbf16> to vector<16xi32>
        %parallel_loop3A_272 = arith.constant 16 : i32
        %parallel_loop3A_273 = vector.broadcast %parallel_loop3A_272 : i32 to vector<16xi32>
        %parallel_loop3A_274 = arith.shli %parallel_loop3A_267, %parallel_loop3A_273 : vector<16xi32>
        %parallel_loop3A_275 = arith.constant 16 : i32
        %parallel_loop3A_276 = vector.broadcast %parallel_loop3A_275 : i32 to vector<16xi32>
        %parallel_loop3A_277 = arith.shli %parallel_loop3A_271, %parallel_loop3A_276 : vector<16xi32>
        %parallel_loop3A_278 = vector.bitcast %parallel_loop3A_274 : vector<16xi32> to vector<16xf32>
        %parallel_loop3A_279 = vector.bitcast %parallel_loop3A_277 : vector<16xi32> to vector<16xf32>
        %parallel_loop3A_280 = arith.subf %parallel_loop3A_279, %parallel_loop3A_278 : vector<16xf32>
        %parallel_loop3A_281 = arith.mulf %parallel_loop3A_227, %parallel_loop3A_280 : vector<16xf32>
        %parallel_loop3A_282 = arith.addf %parallel_loop3A_278, %parallel_loop3A_281 : vector<16xf32>
        %parallel_loop3A_283 = arith.index_cast %parallel_loop3A_222 : i32 to index
        %parallel_loop3A_284 = arith.constant 32 : index
        %parallel_loop3A_285 = tpu.vector_load %arg15[%parallel_loop3A_283, %parallel_loop3A_284] {strides = array<i32>} : memref<512x64xf32, #tpu.memory_space<vmem>>, vector<16xf32>,
        tpu.vector_store %arg15[%parallel_loop3A_283, %parallel_loop3A_284], %parallel_loop3A_282 {add = true, strides = array<i32>} : memref<512x64xf32, #tpu.memory_space<vmem>>, vector<16xf32>,
        %parallel_loop3A_286 = arith.constant -65536 : i32
        %parallel_loop3A_287 = vector.broadcast %parallel_loop3A_286 : i32 to vector<16xi32>
        %parallel_loop3A_288 = arith.andi %parallel_loop3A_267, %parallel_loop3A_287 : vector<16xi32>
        %parallel_loop3A_289 = arith.constant -65536 : i32
        %parallel_loop3A_290 = vector.broadcast %parallel_loop3A_289 : i32 to vector<16xi32>
        %parallel_loop3A_291 = arith.andi %parallel_loop3A_271, %parallel_loop3A_290 : vector<16xi32>
        %parallel_loop3A_292 = vector.bitcast %parallel_loop3A_288 : vector<16xi32> to vector<16xf32>
        %parallel_loop3A_293 = vector.bitcast %parallel_loop3A_291 : vector<16xi32> to vector<16xf32>
        %parallel_loop3A_294 = arith.subf %parallel_loop3A_293, %parallel_loop3A_292 : vector<16xf32>
        %parallel_loop3A_295 = arith.mulf %parallel_loop3A_227, %parallel_loop3A_294 : vector<16xf32>
        %parallel_loop3A_296 = arith.addf %parallel_loop3A_292, %parallel_loop3A_295 : vector<16xf32>
        %parallel_loop3A_297 = arith.index_cast %parallel_loop3A_222 : i32 to index
        %parallel_loop3A_298 = arith.constant 48 : index
        %parallel_loop3A_299 = tpu.vector_load %arg15[%parallel_loop3A_297, %parallel_loop3A_298] {strides = array<i32>} : memref<512x64xf32, #tpu.memory_space<vmem>>, vector<16xf32>,
        tpu.vector_store %arg15[%parallel_loop3A_297, %parallel_loop3A_298], %parallel_loop3A_296 {add = true, strides = array<i32>} : memref<512x64xf32, #tpu.memory_space<vmem>>, vector<16xf32>,
      } {sc.loop_unroll_factor = 4 : i64, sc.parallel_access}
      %lt3A_189 = arith.constant 63 : i32
      %lt3A_190 = arith.cmpi slt, %scan3A_112, %lt3A_189 : i32
      %convert_element_type3A_191 = arith.extui %lt3A_190 : i1 to i32
      %cond3A_192 = arith.constant 0 : i32
      %cond3A_193 = arith.cmpi ne, %convert_element_type3A_191, %cond3A_192 : i32
      scf.if %cond3A_193 {
        %dma_start3A_220 = arith.constant 256 : i32
        %dma_start3A_221 = arith.constant 0 : i32
        %dma_start3A_222 = tpu.memref_slice %arg13[%dma_start3A_220, %dma_start3A_221] : memref<512x64xbf16, #tpu.memory_space<vmem>> -> memref<128x64xbf16, #tpu.memory_space<vmem>>
        %dma_start3A_223 = arith.constant 256 : i32
        %dma_start3A_224 = tpu.memref_slice %arg10[%sub3A_114, %dma_start3A_223] : memref<2x512xi32, #tpu.memory_space<vmem>> -> memref<1x128xi32, #tpu.memory_space<vmem>>
        %dma_start3A_225 = tpu.memref_squeeze %dma_start3A_224 : memref<1x128xi32, #tpu.memory_space<vmem>> -> memref<128xi32, #tpu.memory_space<vmem>>
        %dma_start3A_226 = arith.constant 0 : i32
        %dma_start3A_227 = arith.constant 0 : i32
        %dma_start3A_228 = tpu.memref_slice %arg3[%dma_start3A_226, %dma_start3A_227] : memref<262208x64xbf16, #tpu.memory_space<hbm>> -> memref<262208x64xbf16, #tpu.memory_space<hbm>>
        tpu.enqueue_indirect_dma source(%dma_start3A_228 : memref<262208x64xbf16, #tpu.memory_space<hbm>>) target(%dma_start3A_222 : memref<128x64xbf16, #tpu.memory_space<vmem>>) offsets(%dma_start3A_225 : memref<128xi32, #tpu.memory_space<vmem>>) semaphore(%arg18 : memref<!tpu.dma_semaphore, #tpu.memory_space<semaphore_mem>>)
        %dma_start3A_229 = arith.constant 256 : i32
        %dma_start3A_230 = arith.constant 0 : i32
        %dma_start3A_231 = tpu.memref_slice %arg14[%dma_start3A_229, %dma_start3A_230] : memref<512x64xbf16, #tpu.memory_space<vmem>> -> memref<128x64xbf16, #tpu.memory_space<vmem>>
        %dma_start3A_232 = arith.constant 256 : i32
        %dma_start3A_233 = tpu.memref_slice %arg11[%sub3A_114, %dma_start3A_232] : memref<2x512xi32, #tpu.memory_space<vmem>> -> memref<1x128xi32, #tpu.memory_space<vmem>>
        %dma_start3A_234 = tpu.memref_squeeze %dma_start3A_233 : memref<1x128xi32, #tpu.memory_space<vmem>> -> memref<128xi32, #tpu.memory_space<vmem>>
        %dma_start3A_235 = arith.constant 0 : i32
        %dma_start3A_236 = arith.constant 0 : i32
        %dma_start3A_237 = tpu.memref_slice %arg3[%dma_start3A_235, %dma_start3A_236] : memref<262208x64xbf16, #tpu.memory_space<hbm>> -> memref<262208x64xbf16, #tpu.memory_space<hbm>>
        tpu.enqueue_indirect_dma source(%dma_start3A_237 : memref<262208x64xbf16, #tpu.memory_space<hbm>>) target(%dma_start3A_231 : memref<128x64xbf16, #tpu.memory_space<vmem>>) offsets(%dma_start3A_234 : memref<128xi32, #tpu.memory_space<vmem>>) semaphore(%arg19 : memref<!tpu.dma_semaphore, #tpu.memory_space<semaphore_mem>>)
      } else {
      }
      %dma_wait3A_194 = arith.constant 384 : i32
      %dma_wait3A_195 = arith.constant 0 : i32
      %dma_wait3A_196 = tpu.memref_slice %arg13[%dma_wait3A_194, %dma_wait3A_195] : memref<512x64xbf16, #tpu.memory_space<vmem>> -> memref<128x64xbf16, #tpu.memory_space<vmem>>
      %dma_wait3A_197 = arith.constant 384 : i32
      %dma_wait3A_198 = tpu.memref_slice %arg10[%rem3A_113, %dma_wait3A_197] : memref<2x512xi32, #tpu.memory_space<vmem>> -> memref<1x128xi32, #tpu.memory_space<vmem>>
      %dma_wait3A_199 = tpu.memref_squeeze %dma_wait3A_198 : memref<1x128xi32, #tpu.memory_space<vmem>> -> memref<128xi32, #tpu.memory_space<vmem>>
      %dma_wait3A_200 = arith.constant 0 : i32
      %dma_wait3A_201 = arith.constant 0 : i32
      %dma_wait3A_202 = tpu.memref_slice %arg3[%dma_wait3A_200, %dma_wait3A_201] : memref<262208x64xbf16, #tpu.memory_space<hbm>> -> memref<262208x64xbf16, #tpu.memory_space<hbm>>
      tpu.wait_indirect_dma semaphore(%arg18 : memref<!tpu.dma_semaphore, #tpu.memory_space<semaphore_mem>>) src(%dma_wait3A_202 : memref<262208x64xbf16, #tpu.memory_space<hbm>>) dst(%dma_wait3A_196 : memref<128x64xbf16, #tpu.memory_space<vmem>>)
      %dma_wait3A_203 = arith.constant 384 : i32
      %dma_wait3A_204 = arith.constant 0 : i32
      %dma_wait3A_205 = tpu.memref_slice %arg14[%dma_wait3A_203, %dma_wait3A_204] : memref<512x64xbf16, #tpu.memory_space<vmem>> -> memref<128x64xbf16, #tpu.memory_space<vmem>>
      %dma_wait3A_206 = arith.constant 384 : i32
      %dma_wait3A_207 = tpu.memref_slice %arg11[%rem3A_113, %dma_wait3A_206] : memref<2x512xi32, #tpu.memory_space<vmem>> -> memref<1x128xi32, #tpu.memory_space<vmem>>
      %dma_wait3A_208 = tpu.memref_squeeze %dma_wait3A_207 : memref<1x128xi32, #tpu.memory_space<vmem>> -> memref<128xi32, #tpu.memory_space<vmem>>
      %dma_wait3A_209 = arith.constant 0 : i32
      %dma_wait3A_210 = arith.constant 0 : i32
      %dma_wait3A_211 = tpu.memref_slice %arg3[%dma_wait3A_209, %dma_wait3A_210] : memref<262208x64xbf16, #tpu.memory_space<hbm>> -> memref<262208x64xbf16, #tpu.memory_space<hbm>>
      tpu.wait_indirect_dma semaphore(%arg19 : memref<!tpu.dma_semaphore, #tpu.memory_space<semaphore_mem>>) src(%dma_wait3A_211 : memref<262208x64xbf16, #tpu.memory_space<hbm>>) dst(%dma_wait3A_205 : memref<128x64xbf16, #tpu.memory_space<vmem>>)
      %parallel_loop3A_212 = arith.constant 0 : i32
      %parallel_loop3A_213 = arith.constant 128 : i32
      %parallel_loop3A_214 = arith.constant 1 : i32
      scf.for %parallel_loop3A_220 = %parallel_loop3A_212 to %parallel_loop3A_213 step %parallel_loop3A_214  : i32 {
        %parallel_loop3A_221 = arith.constant 384 : i32
        %parallel_loop3A_222 = arith.addi %parallel_loop3A_221, %parallel_loop3A_220 : i32
        %parallel_loop3A_223 = vector.broadcast %parallel_loop3A_222 : i32 to vector<16xi32>
        %parallel_loop3A_224 = arith.constant 0 : i32
        %parallel_loop3A_225 = tpu.memref_slice %arg12[%rem3A_113, %parallel_loop3A_224] : memref<2x512xf32, #tpu.memory_space<vmem>> -> memref<1x512xf32, #tpu.memory_space<vmem>>
        %parallel_loop3A_226 = tpu.memref_squeeze %parallel_loop3A_225 : memref<1x512xf32, #tpu.memory_space<vmem>> -> memref<512xf32, #tpu.memory_space<vmem>>
        %parallel_loop3A_227 = tpu.vector_load_idx %parallel_loop3A_226[%parallel_loop3A_223] : memref<512xf32, #tpu.memory_space<vmem>>[vector<16xi32>], vector<16xf32>,
        %parallel_loop3A_228 = arith.index_cast %parallel_loop3A_222 : i32 to index
        %parallel_loop3A_229 = arith.constant 0 : index
        %parallel_loop3A_230 = tpu.vector_load %arg13[%parallel_loop3A_228, %parallel_loop3A_229] {strides = array<i32>} : memref<512x64xbf16, #tpu.memory_space<vmem>>, vector<32xbf16>,
        %parallel_loop3A_231 = vector.bitcast %parallel_loop3A_230 : vector<32xbf16> to vector<16xi32>
        %parallel_loop3A_232 = arith.index_cast %parallel_loop3A_222 : i32 to index
        %parallel_loop3A_233 = arith.constant 0 : index
        %parallel_loop3A_234 = tpu.vector_load %arg14[%parallel_loop3A_232, %parallel_loop3A_233] {strides = array<i32>} : memref<512x64xbf16, #tpu.memory_space<vmem>>, vector<32xbf16>,
        %parallel_loop3A_235 = vector.bitcast %parallel_loop3A_234 : vector<32xbf16> to vector<16xi32>
        %parallel_loop3A_236 = arith.constant 16 : i32
        %parallel_loop3A_237 = vector.broadcast %parallel_loop3A_236 : i32 to vector<16xi32>
        %parallel_loop3A_238 = arith.shli %parallel_loop3A_231, %parallel_loop3A_237 : vector<16xi32>
        %parallel_loop3A_239 = arith.constant 16 : i32
        %parallel_loop3A_240 = vector.broadcast %parallel_loop3A_239 : i32 to vector<16xi32>
        %parallel_loop3A_241 = arith.shli %parallel_loop3A_235, %parallel_loop3A_240 : vector<16xi32>
        %parallel_loop3A_242 = vector.bitcast %parallel_loop3A_238 : vector<16xi32> to vector<16xf32>
        %parallel_loop3A_243 = vector.bitcast %parallel_loop3A_241 : vector<16xi32> to vector<16xf32>
        %parallel_loop3A_244 = arith.subf %parallel_loop3A_243, %parallel_loop3A_242 : vector<16xf32>
        %parallel_loop3A_245 = arith.mulf %parallel_loop3A_227, %parallel_loop3A_244 : vector<16xf32>
        %parallel_loop3A_246 = arith.addf %parallel_loop3A_242, %parallel_loop3A_245 : vector<16xf32>
        %parallel_loop3A_247 = arith.index_cast %parallel_loop3A_222 : i32 to index
        %parallel_loop3A_248 = arith.constant 0 : index
        %parallel_loop3A_249 = tpu.vector_load %arg15[%parallel_loop3A_247, %parallel_loop3A_248] {strides = array<i32>} : memref<512x64xf32, #tpu.memory_space<vmem>>, vector<16xf32>,
        tpu.vector_store %arg15[%parallel_loop3A_247, %parallel_loop3A_248], %parallel_loop3A_246 {add = true, strides = array<i32>} : memref<512x64xf32, #tpu.memory_space<vmem>>, vector<16xf32>,
        %parallel_loop3A_250 = arith.constant -65536 : i32
        %parallel_loop3A_251 = vector.broadcast %parallel_loop3A_250 : i32 to vector<16xi32>
        %parallel_loop3A_252 = arith.andi %parallel_loop3A_231, %parallel_loop3A_251 : vector<16xi32>
        %parallel_loop3A_253 = arith.constant -65536 : i32
        %parallel_loop3A_254 = vector.broadcast %parallel_loop3A_253 : i32 to vector<16xi32>
        %parallel_loop3A_255 = arith.andi %parallel_loop3A_235, %parallel_loop3A_254 : vector<16xi32>
        %parallel_loop3A_256 = vector.bitcast %parallel_loop3A_252 : vector<16xi32> to vector<16xf32>
        %parallel_loop3A_257 = vector.bitcast %parallel_loop3A_255 : vector<16xi32> to vector<16xf32>
        %parallel_loop3A_258 = arith.subf %parallel_loop3A_257, %parallel_loop3A_256 : vector<16xf32>
        %parallel_loop3A_259 = arith.mulf %parallel_loop3A_227, %parallel_loop3A_258 : vector<16xf32>
        %parallel_loop3A_260 = arith.addf %parallel_loop3A_256, %parallel_loop3A_259 : vector<16xf32>
        %parallel_loop3A_261 = arith.index_cast %parallel_loop3A_222 : i32 to index
        %parallel_loop3A_262 = arith.constant 16 : index
        %parallel_loop3A_263 = tpu.vector_load %arg15[%parallel_loop3A_261, %parallel_loop3A_262] {strides = array<i32>} : memref<512x64xf32, #tpu.memory_space<vmem>>, vector<16xf32>,
        tpu.vector_store %arg15[%parallel_loop3A_261, %parallel_loop3A_262], %parallel_loop3A_260 {add = true, strides = array<i32>} : memref<512x64xf32, #tpu.memory_space<vmem>>, vector<16xf32>,
        %parallel_loop3A_264 = arith.index_cast %parallel_loop3A_222 : i32 to index
        %parallel_loop3A_265 = arith.constant 32 : index
        %parallel_loop3A_266 = tpu.vector_load %arg13[%parallel_loop3A_264, %parallel_loop3A_265] {strides = array<i32>} : memref<512x64xbf16, #tpu.memory_space<vmem>>, vector<32xbf16>,
        %parallel_loop3A_267 = vector.bitcast %parallel_loop3A_266 : vector<32xbf16> to vector<16xi32>
        %parallel_loop3A_268 = arith.index_cast %parallel_loop3A_222 : i32 to index
        %parallel_loop3A_269 = arith.constant 32 : index
        %parallel_loop3A_270 = tpu.vector_load %arg14[%parallel_loop3A_268, %parallel_loop3A_269] {strides = array<i32>} : memref<512x64xbf16, #tpu.memory_space<vmem>>, vector<32xbf16>,
        %parallel_loop3A_271 = vector.bitcast %parallel_loop3A_270 : vector<32xbf16> to vector<16xi32>
        %parallel_loop3A_272 = arith.constant 16 : i32
        %parallel_loop3A_273 = vector.broadcast %parallel_loop3A_272 : i32 to vector<16xi32>
        %parallel_loop3A_274 = arith.shli %parallel_loop3A_267, %parallel_loop3A_273 : vector<16xi32>
        %parallel_loop3A_275 = arith.constant 16 : i32
        %parallel_loop3A_276 = vector.broadcast %parallel_loop3A_275 : i32 to vector<16xi32>
        %parallel_loop3A_277 = arith.shli %parallel_loop3A_271, %parallel_loop3A_276 : vector<16xi32>
        %parallel_loop3A_278 = vector.bitcast %parallel_loop3A_274 : vector<16xi32> to vector<16xf32>
        %parallel_loop3A_279 = vector.bitcast %parallel_loop3A_277 : vector<16xi32> to vector<16xf32>
        %parallel_loop3A_280 = arith.subf %parallel_loop3A_279, %parallel_loop3A_278 : vector<16xf32>
        %parallel_loop3A_281 = arith.mulf %parallel_loop3A_227, %parallel_loop3A_280 : vector<16xf32>
        %parallel_loop3A_282 = arith.addf %parallel_loop3A_278, %parallel_loop3A_281 : vector<16xf32>
        %parallel_loop3A_283 = arith.index_cast %parallel_loop3A_222 : i32 to index
        %parallel_loop3A_284 = arith.constant 32 : index
        %parallel_loop3A_285 = tpu.vector_load %arg15[%parallel_loop3A_283, %parallel_loop3A_284] {strides = array<i32>} : memref<512x64xf32, #tpu.memory_space<vmem>>, vector<16xf32>,
        tpu.vector_store %arg15[%parallel_loop3A_283, %parallel_loop3A_284], %parallel_loop3A_282 {add = true, strides = array<i32>} : memref<512x64xf32, #tpu.memory_space<vmem>>, vector<16xf32>,
        %parallel_loop3A_286 = arith.constant -65536 : i32
        %parallel_loop3A_287 = vector.broadcast %parallel_loop3A_286 : i32 to vector<16xi32>
        %parallel_loop3A_288 = arith.andi %parallel_loop3A_267, %parallel_loop3A_287 : vector<16xi32>
        %parallel_loop3A_289 = arith.constant -65536 : i32
        %parallel_loop3A_290 = vector.broadcast %parallel_loop3A_289 : i32 to vector<16xi32>
        %parallel_loop3A_291 = arith.andi %parallel_loop3A_271, %parallel_loop3A_290 : vector<16xi32>
        %parallel_loop3A_292 = vector.bitcast %parallel_loop3A_288 : vector<16xi32> to vector<16xf32>
        %parallel_loop3A_293 = vector.bitcast %parallel_loop3A_291 : vector<16xi32> to vector<16xf32>
        %parallel_loop3A_294 = arith.subf %parallel_loop3A_293, %parallel_loop3A_292 : vector<16xf32>
        %parallel_loop3A_295 = arith.mulf %parallel_loop3A_227, %parallel_loop3A_294 : vector<16xf32>
        %parallel_loop3A_296 = arith.addf %parallel_loop3A_292, %parallel_loop3A_295 : vector<16xf32>
        %parallel_loop3A_297 = arith.index_cast %parallel_loop3A_222 : i32 to index
        %parallel_loop3A_298 = arith.constant 48 : index
        %parallel_loop3A_299 = tpu.vector_load %arg15[%parallel_loop3A_297, %parallel_loop3A_298] {strides = array<i32>} : memref<512x64xf32, #tpu.memory_space<vmem>>, vector<16xf32>,
        tpu.vector_store %arg15[%parallel_loop3A_297, %parallel_loop3A_298], %parallel_loop3A_296 {add = true, strides = array<i32>} : memref<512x64xf32, #tpu.memory_space<vmem>>, vector<16xf32>,
      } {sc.loop_unroll_factor = 4 : i64, sc.parallel_access}
      %lt3A_215 = arith.constant 63 : i32
      %lt3A_216 = arith.cmpi slt, %scan3A_112, %lt3A_215 : i32
      %convert_element_type3A_217 = arith.extui %lt3A_216 : i1 to i32
      %cond3A_218 = arith.constant 0 : i32
      %cond3A_219 = arith.cmpi ne, %convert_element_type3A_217, %cond3A_218 : i32
      scf.if %cond3A_219 {
        %dma_start3A_220 = arith.constant 384 : i32
        %dma_start3A_221 = arith.constant 0 : i32
        %dma_start3A_222 = tpu.memref_slice %arg13[%dma_start3A_220, %dma_start3A_221] : memref<512x64xbf16, #tpu.memory_space<vmem>> -> memref<128x64xbf16, #tpu.memory_space<vmem>>
        %dma_start3A_223 = arith.constant 384 : i32
        %dma_start3A_224 = tpu.memref_slice %arg10[%sub3A_114, %dma_start3A_223] : memref<2x512xi32, #tpu.memory_space<vmem>> -> memref<1x128xi32, #tpu.memory_space<vmem>>
        %dma_start3A_225 = tpu.memref_squeeze %dma_start3A_224 : memref<1x128xi32, #tpu.memory_space<vmem>> -> memref<128xi32, #tpu.memory_space<vmem>>
        %dma_start3A_226 = arith.constant 0 : i32
        %dma_start3A_227 = arith.constant 0 : i32
        %dma_start3A_228 = tpu.memref_slice %arg3[%dma_start3A_226, %dma_start3A_227] : memref<262208x64xbf16, #tpu.memory_space<hbm>> -> memref<262208x64xbf16, #tpu.memory_space<hbm>>
        tpu.enqueue_indirect_dma source(%dma_start3A_228 : memref<262208x64xbf16, #tpu.memory_space<hbm>>) target(%dma_start3A_222 : memref<128x64xbf16, #tpu.memory_space<vmem>>) offsets(%dma_start3A_225 : memref<128xi32, #tpu.memory_space<vmem>>) semaphore(%arg18 : memref<!tpu.dma_semaphore, #tpu.memory_space<semaphore_mem>>)
        %dma_start3A_229 = arith.constant 384 : i32
        %dma_start3A_230 = arith.constant 0 : i32
        %dma_start3A_231 = tpu.memref_slice %arg14[%dma_start3A_229, %dma_start3A_230] : memref<512x64xbf16, #tpu.memory_space<vmem>> -> memref<128x64xbf16, #tpu.memory_space<vmem>>
        %dma_start3A_232 = arith.constant 384 : i32
        %dma_start3A_233 = tpu.memref_slice %arg11[%sub3A_114, %dma_start3A_232] : memref<2x512xi32, #tpu.memory_space<vmem>> -> memref<1x128xi32, #tpu.memory_space<vmem>>
        %dma_start3A_234 = tpu.memref_squeeze %dma_start3A_233 : memref<1x128xi32, #tpu.memory_space<vmem>> -> memref<128xi32, #tpu.memory_space<vmem>>
        %dma_start3A_235 = arith.constant 0 : i32
        %dma_start3A_236 = arith.constant 0 : i32
        %dma_start3A_237 = tpu.memref_slice %arg3[%dma_start3A_235, %dma_start3A_236] : memref<262208x64xbf16, #tpu.memory_space<hbm>> -> memref<262208x64xbf16, #tpu.memory_space<hbm>>
        tpu.enqueue_indirect_dma source(%dma_start3A_237 : memref<262208x64xbf16, #tpu.memory_space<hbm>>) target(%dma_start3A_231 : memref<128x64xbf16, #tpu.memory_space<vmem>>) offsets(%dma_start3A_234 : memref<128xi32, #tpu.memory_space<vmem>>) semaphore(%arg19 : memref<!tpu.dma_semaphore, #tpu.memory_space<semaphore_mem>>)
      } else {
      }
    }
    %scan3A_108 = arith.constant 64 : i32
    %parallel_loop3A_109 = arith.constant 0 : i32
    %parallel_loop3A_110 = arith.constant 2048 : i32
    %parallel_loop3A_111 = arith.constant 1 : i32
    scf.for %parallel_loop3A_112 = %parallel_loop3A_109 to %parallel_loop3A_110 step %parallel_loop3A_111  : i32 {
      %parallel_loop3A_113 = arith.constant 5 : i32
      %parallel_loop3A_114 = arith.shrui %parallel_loop3A_112, %parallel_loop3A_113 : i32
      %parallel_loop3A_115 = arith.constant 31 : i32
      %parallel_loop3A_116 = arith.andi %parallel_loop3A_112, %parallel_loop3A_115 : i32
      %parallel_loop3A_117 = arith.constant 32 : i32
      %parallel_loop3A_118 = arith.andi %parallel_loop3A_114, %parallel_loop3A_117 : i32
      %parallel_loop3A_119 = arith.constant 1 : i32
      %parallel_loop3A_120 = arith.andi %parallel_loop3A_114, %parallel_loop3A_119 : i32
      %parallel_loop3A_121 = arith.constant 4 : i32
      %parallel_loop3A_122 = arith.shli %parallel_loop3A_120, %parallel_loop3A_121 : i32
      %parallel_loop3A_123 = arith.ori %parallel_loop3A_118, %parallel_loop3A_122 : i32
      %parallel_loop3A_124 = arith.constant 31 : i32
      %parallel_loop3A_125 = arith.andi %parallel_loop3A_114, %parallel_loop3A_124 : i32
      %parallel_loop3A_126 = arith.constant 1 : i32
      %parallel_loop3A_127 = arith.shrui %parallel_loop3A_125, %parallel_loop3A_126 : i32
      %parallel_loop3A_128 = arith.ori %parallel_loop3A_123, %parallel_loop3A_127 : i32
      %parallel_loop3A_129 = arith.constant 16 : i32
      %parallel_loop3A_130 = arith.muli %parallel_loop3A_116, %parallel_loop3A_129 : i32
      %parallel_loop3A_131 = vector.broadcast %parallel_loop3A_130 : i32 to vector<16xi32>
      %parallel_loop3A_132 = arith.addi %parallel_loop3A_131, %iota3A : vector<16xi32>
      %parallel_loop3A_133 = vector.broadcast %parallel_loop3A_128 : i32 to vector<16xi32>
      %parallel_loop3A_134 = tpu.vector_load_idx %arg15[%parallel_loop3A_132, %parallel_loop3A_133] : memref<512x64xf32, #tpu.memory_space<vmem>>[vector<16xi32>, vector<16xi32>], vector<16xf32>,
      %parallel_loop3A_135 = arith.constant 16 : i32
      %parallel_loop3A_136 = arith.muli %parallel_loop3A_116, %parallel_loop3A_135 : i32
      %parallel_loop3A_137 = arith.index_cast %parallel_loop3A_114 : i32 to index
      %parallel_loop3A_138 = arith.index_cast %parallel_loop3A_136 : i32 to index
      %parallel_loop3A_139 = tpu.vector_load %arg16[%parallel_loop3A_137, %parallel_loop3A_138] {strides = array<i32>} : memref<64x512xf32, #tpu.memory_space<vmem>>, vector<16xf32>,
      tpu.vector_store %arg16[%parallel_loop3A_137, %parallel_loop3A_138], %parallel_loop3A_134 {strides = array<i32>} : memref<64x512xf32, #tpu.memory_space<vmem>>, vector<16xf32>,
    } {sc.loop_unroll_factor = 4 : i64, sc.parallel_access}
    "tpu.region"() ({
      %run_scoped3A_112 = tpu.sem_alloc : memref<!tpu.dma_semaphore, #tpu.memory_space<semaphore_mem>>
      %dma_start3A_113 = arith.constant 0 : i32
      %dma_start3A_114 = tpu.memref_slice %arg6[%dma_start3A_113, %mul3A_2] : memref<64x16384xf32, #tpu.memory_space<hbm>> -> memref<64x512xf32, #tpu.memory_space<hbm>>
      %dma_start3A_115 = arith.constant 0 : i32
      %dma_start3A_116 = tpu.memref_slice %arg6[%dma_start3A_115, %mul3A_2] : memref<64x16384xf32, #tpu.memory_space<hbm>> -> memref<64x512xf32, #tpu.memory_space<hbm>>
      tpu.enqueue_dma source(%arg16 : memref<64x512xf32, #tpu.memory_space<vmem>>) target(%dma_start3A_116 : memref<64x512xf32, #tpu.memory_space<hbm>>) target_semaphore(%run_scoped3A_112 : memref<!tpu.dma_semaphore, #tpu.memory_space<semaphore_mem>>)
      %dma_wait3A = arith.constant 0 : i32
      %dma_wait3A_117 = tpu.memref_slice %arg6[%dma_wait3A, %mul3A_2] : memref<64x16384xf32, #tpu.memory_space<hbm>> -> memref<64x512xf32, #tpu.memory_space<hbm>>
      %dma_wait3A_118 = arith.constant 0 : i32
      %dma_wait3A_119 = tpu.memref_slice %arg6[%dma_wait3A_118, %mul3A_2] : memref<64x16384xf32, #tpu.memory_space<hbm>> -> memref<64x512xf32, #tpu.memory_space<hbm>>
      tpu.wait_dma2 semaphore(%run_scoped3A_112 : memref<!tpu.dma_semaphore, #tpu.memory_space<semaphore_mem>>) src(%arg16 : memref<64x512xf32, #tpu.memory_space<vmem>>) dst(%dma_wait3A_119 : memref<64x512xf32, #tpu.memory_space<hbm>>)
      tpu.yield
    }) : () -> ()
    return
  }
}

</mosaic_0001>

<sc_bundles>
// kernel: _sc_call.3.cloned.1.call-start
scs
__scs_entry_jumppad:
0x0: {  	(pc) =	sbr.rel $0x88, $3  }
0x1: {  	(tag) =	ssettag $0x0;
	lr =	simm.s32 $0x1  }
0x2: {  	[smem:$0x3F9D] =	sst lr;
	_ =	strace $0xD0000000  }
0x3: {  	_ = 	snop  }
0x4: {  	_ = 	snop  }
0x5: {  	_ = 	snop  }
0x6: {  	_ = 	snop  }
0x7: {  	_ = 	snop  }
__scs_overlays_trampoline_lowered:
0x8: {  	[smem:$0x3FAC] =	sst s0  }
0x9: {  	[smem:$0x3FAD] =	sst s1  }
0xa: {  	[smem:$0x3FAE] =	sst s2  }
0xb: {  	[smem:$0x3FAF] =	sst s3  }
0xc: {  	[smem:$0x3FB0] =	sst s4  }
0xd: {  	[smem:$0x3FB1] =	sst s5  }
0xe: {  	[smem:$0x3FB2] =	sst s6  }
0xf: {  	[smem:$0x3FB3] =	sst s7  }
0x10: {  	[smem:$0x3FB4] =	sst s8  }
0x11: {  	[smem:$0x3FB5] =	sst s9;
	s0 =	simm.s32 @!p0 $0x0  }
0x12: {  	s1 =	sld [smem:$0x3F9B];
	s0 =	simm.s32 @p0 $0x1  }
0x13: {  	[smem:$0x3FB6] =	sst s0;
	s0 =	simm.s32 @!p1 $0x0  }
0x14: {  	s2 =	sld [smem:$0x3F9A];
	s0 =	simm.s32 @p1 $0x1  }
0x15: {  	[smem:$0x3FB7] =	sst s0;
	s0 =	simm.s32 @!p2 $0x0  }
0x16: {  	s3 =	sld [smem:$0x3FDB];
	s0 =	simm.s32 @p2 $0x1  }
0x17: {  	s4 =	simm.s32 $0x1BF5;
	[smem:$0x3FB9] =	sst s0  }
0x18: {  	s0 =	sld [smem:$0x3F9C];
	_ =	swait.ge [sflag:s4], $0x0  }
0x19: {  	s7 =	sld [smem:$0x3F9D]  }
0x1a: {  	s8 =	sadd.s32 $0xFFFFE003, lr  }
0x1b: {  	s9 =	sadd.s32 $0xFFFFFEF7, lr;
	s5 =	simm.s32 $0xFFFFFFFF;
	p2 =	slt.u32 s8, $0xFFFFF086  }
0x1c: {  	p1 =	slt.u32 s9, $0xF7A;
	s5 =	simm.s32 @!p2 $0x0  }
0x1d: {  	s5 =	simm.s32 @p1 $0x1;
	p0 =	seq.s32 s7, s2  }
0x1e: {  	s7 =	smul.u32 @!p0 $0xF7A, s2;
	p2 =	seq.s32 @!p0 s5, $0x0  }
0x1f: {  	s9 =	smul.u32 $0xF7A, s1;
	s8 =	simm.s32 @!p0 $0x1BF5;
	p2 =	por !p2, p0  }
0x20: {  	[sflag:s8] =	ssyncset.s32 @!p0 $0xFFFFF086;
	s6 =	sadd.s32 @!p0 s3, s7;
	s7 =	simm.s32 @!p0 $0x108  }
0x21: {  	s3 =	sadd.s32 s3, s9;
	s6 =	sadd.s32 @!p0 $0x88, s6;
	s7 =	simm.s32 @p2 $0x1082  }
0x22: {  	[simem:s7], [sflag:s8] =	dma.local @!p0 [hbm:s6], $0xF7A  }
0x23: {  	s9 =	sor.u32 $0xD0000000, s2;
	s6 =	simm.s32 $0x108;
	_ =	swait.ge @!p0 [sflag:s8], $0x0  }
0x24: {  	s3 =	sadd.s32 $0x88, s3;
	s6 =	simm.s32 @!p1 $0x1082;
	[sflag:s4] =	ssyncset.s32 $0xFFFFF086  }
0x25: {  	[simem:s6], [sflag:s4] =	dma.local [hbm:s3], $0xF7A  }
0x26: {  	[smem:$0x3F9D] =	sst s1;
	(tag) =	ssettag s2;
	_ =	strace s9  }
0x27: {  	s1 =	sld [smem:$0x3FAD]  }
0x28: {  	s2 =	sld [smem:$0x3FAE]  }
0x29: {  	s4 =	sld [smem:$0x3FB0]  }
0x2a: {  	p0 =	seq.s32 s5, $0x0;
	s5 =	sld [smem:$0x3FB1]  }
0x2b: {  	s6 =	sld [smem:$0x3FB2]  }
0x2c: {  	s7 =	sld [smem:$0x3FB3]  }
0x2d: {  	s3 =	simm.s32 $0x108;
	s8 =	sld [smem:$0x3FB4]  }
0x2e: {  	s3 =	simm.s32 @!p0 $0x1082;
	s9 =	sld [smem:$0x3FB5]  }
0x2f: {  	lr =	sadd.s32 s0, s3;
	s0 =	sld [smem:$0x3FAC]  }
0x30: {  	s3 =	sld [smem:$0x3FAF]  }
0x31: {  	[smem:$0x3FB8] =	sst s10  }
0x32: {  	s10 =	sld [smem:$0x3FB6];
	_ =	sdelay $0x3  }
0x33: {  	p0 =	seq.s32 s10, $0x1;
	s10 =	sld [smem:$0x3FB8];
	_ =	sdelay $0x3  }
0x34: {  	[smem:$0x3FB8] =	sst s10  }
0x35: {  	s10 =	sld [smem:$0x3FB7];
	_ =	sdelay $0x3  }
0x36: {  	p1 =	seq.s32 s10, $0x1;
	s10 =	sld [smem:$0x3FB8];
	_ =	sdelay $0x3  }
0x37: {  	[smem:$0x3FB8] =	sst s10  }
0x38: {  	s10 =	sld [smem:$0x3FB9]  }
0x39: {  	_ = 	snop;
	(pc) =	sbr.ind lr, $3  }
0x3a: {  	_ = 	snop  }
0x3b: {  	_ = 	snop  }
0x3c: {  	p2 =	seq.s32 s10, $0x1;
	s10 =	sld [smem:$0x3FB8]  }
0x3d: {  	_ =	shalt  }
0x3e: {  	_ =	shalt  }
0x3f: {  	_ =	shalt  }
0x40: {  	_ =	shalt  }
0x41: {  	_ =	shalt  }
0x42: {  	_ =	shalt  }
0x43: {  	_ =	shalt  }
0x44: {  	_ =	shalt  }
0x45: {  	_ =	shalt  }
0x46: {  	_ =	shalt  }
0x47: {  	_ =	shalt  }
0x48: {  	_ =	shalt  }
0x49: {  	_ =	shalt  }
0x4a: {  	_ =	shalt  }
0x4b: {  	_ =	shalt  }
0x4c: {  	_ =	shalt  }
0x4d: {  	_ =	shalt  }
0x4e: {  	_ =	shalt  }
0x4f: {  	_ =	shalt  }
0x50: {  	_ =	shalt  }
0x51: {  	_ =	shalt  }
0x52: {  	_ =	shalt  }
0x53: {  	_ =	shalt  }
0x54: {  	_ =	shalt  }
0x55: {  	_ =	shalt  }
0x56: {  	_ =	shalt  }
0x57: {  	_ =	shalt  }
0x58: {  	_ =	shalt  }
0x59: {  	_ =	shalt  }
0x5a: {  	_ =	shalt  }
0x5b: {  	_ =	shalt  }
0x5c: {  	_ =	shalt  }
0x5d: {  	_ =	shalt  }
0x5e: {  	_ =	shalt  }
0x5f: {  	_ =	shalt  }
0x60: {  	_ =	shalt  }
0x61: {  	_ =	shalt  }
0x62: {  	_ =	shalt  }
0x63: {  	_ =	shalt  }
0x64: {  	_ =	shalt  }
0x65: {  	_ =	shalt  }
0x66: {  	_ =	shalt  }
0x67: {  	_ =	shalt  }
0x68: {  	_ =	shalt  }
0x69: {  	_ =	shalt  }
0x6a: {  	_ =	shalt  }
0x6b: {  	_ =	shalt  }
0x6c: {  	_ =	shalt  }
0x6d: {  	_ =	shalt  }
0x6e: {  	_ =	shalt  }
0x6f: {  	_ =	shalt  }
0x70: {  	_ =	shalt  }
0x71: {  	_ =	shalt  }
0x72: {  	_ =	shalt  }
0x73: {  	_ =	shalt  }
0x74: {  	_ =	shalt  }
0x75: {  	_ =	shalt  }
0x76: {  	_ =	shalt  }
0x77: {  	_ =	shalt  }
0x78: {  	_ =	shalt  }
0x79: {  	_ =	shalt  }
0x7a: {  	_ =	shalt  }
0x7b: {  	_ =	shalt  }
0x7c: {  	_ =	shalt  }
0x7d: {  	_ =	shalt  }
0x7e: {  	_ =	shalt  }
0x7f: {  	_ =	shalt  }
0x80: {  	_ =	shalt  }
0x81: {  	_ =	shalt  }
0x82: {  	_ =	shalt  }
0x83: {  	_ =	shalt  }
0x84: {  	_ =	shalt  }
0x85: {  	_ =	shalt  }
0x86: {  	_ =	shalt  }
0x87: {  	_ =	shalt  }
.Lfunc_end0:
.L_simem_size_0:
called_computation.1_lowered:
.L_overlay_start_0:
0x88: {  	s2 =	sld [smem:$0x3FD9]  }
0x89: {  	s3 =	sld [smem:$0x3FFE];
	_ =	sdelay $0x1  }
0x8a: {  	s1 =	srdreg.scid  }
0x8b: {  	s0 =	sand.u32 $0x1, s1  }
0x8c: {  	s17 =	sshll.u32 s0, $0xA;
	s2 =	sadd.s32 s3, s2  }
0x8d: {  	s2 =	sadd.s32 s2, s17  }
0x8e: {  	[smem:$0x3FC4] =	sst s2  }
0x8f: {  	_ = 	snop  }
0x90: {  	s2 =	sld [smem:$0x3FC7]  }
0x91: {  	s18 =	sld [smem:$0x3FC6]  }
0x92: {  	s4 =	sld [smem:$0x3FD0];
	(tm) =	ssettm $0x1  }
0x93: {  	s5 =	sld [smem:$0x3FFB];
	_ =	sdelay $0x3  }
0x94: {  	_ =	strace s5  }
0x95: {  	s5 =	sld [smem:$0x3FFC];
	_ =	sdelay $0x3  }
0x96: {  	_ =	strace s5  }
0x97: {  	s5 =	sld [smem:$0x3FFD];
	_ =	sdelay $0x3  }
0x98: {  	_ =	strace s5  }
0x99: {  	_ =	strace $0x8FFFFFFF  }
0x9a: {  	s19 =	sld [smem:$0x3FDB];
	_ =	sdelay $0x1  }
0x9b: {  	s6 =	simm.s32 $_scs_section_size  }
0x9c: {  	s7 =	simm.s32 $_size__tile_overlayer_lowered;
	s8 =	simm.s32 $_tile_overlayer_lowered  }
0x9d: {  	s22 =	simm.s32 $0x1BFF;
	s21 =	sshll.u32 s8, $0x1;
	s5 =	sadd.s32 s6, s19  }
0x9e: {  	s9 =	simm.s32 $0x0;
	s20 =	sshll.u32 s7, $0x1;
	s7 =	sadd.s32 s21, s5  }
0x9f: {  	[timem:s9], [sflag:s22] =	dma.local [hbm:s7], s20  }
0xa0: {  	_ =	swait.ge [sflag:s22], s20  }
0xa1: {  	s6 =	ssub.s32 $0x0, s20;
	[sflag:s22] =	ssyncset.done $0x0  }
0xa2: {  	[sflag:s22] =	ssyncadd.s32 s6;
	_ =	sdelay $0x1  }
0xa3: {  	s23 =	simm.s32 $0x1B8B  }
0xa4: {  	_ =	swait.ge [sflag:s23], $0x1  }
0xa5: {  	[sflag:s23] =	ssyncset.done $0x0  }
0xa6: {  	s25 =	simm.s32 $0x1B8E;
	s24 =	sld [smem:$0x3FFE];
	[sflag:s23] =	ssyncadd.s32 $0xFFFFFFFF  }
0xa7: {  	s26 =	simm.s32 $execute0_lowered;
	[smem:$0x3FD2] =	sst s25  }
0xa8: {  	s7 =	sshll.u32 s26, $0x1;
	_ =	strace $0x80000049;
	[dreg:$0x1] =	wrdreg $0xFFFFFFFF  }
0xa9: {  	s28 =	simm.s32 $_size_execute0_lowered;
	s5 =	sadd.s32 s5, s7;
	[dreg:$0x0] =	wrdreg $0x0  }
0xaa: {  	s7 =	sshll.u32 s28, $0x1;
	[dreg:$0x2] =	wrdreg s5  }
0xab: {  	[dreg:$0x3] =	wrdreg s7  }
0xac: {  	[dreg:$0x4] =	wrdreg $0xC0  }
0xad: {  	_ =	task [dreg:s9], $0x5FFFF  }
0xae: {  	[dreg:$0x1] =	wrdreg $0xFFFFFFFF  }
0xaf: {  	[dreg:$0x0] =	wrdreg $0x60  }
0xb0: {  	[dreg:$0x2] =	wrdreg s4  }
0xb1: {  	[dreg:$0x3] =	wrdreg s24  }
0xb2: {  	[dreg:$0x4] =	wrdreg s2  }
0xb3: {  	[dreg:$0x5] =	wrdreg s18  }
0xb4: {  	[dreg:$0x6] =	wrdreg $0x9  }
0xb5: {  	_ =	task.clear_ibuf [dreg:s9], $0x7FFFF;
	_ =	strace $0x90000049  }
0xb6: {  	s29 =	simm.s32 $0x9;
	_ =	strace $0x8000004B  }
0xb7: {  	_ =	swait.ge [sflag:s29], $0x1  }
0xb8: {  	[sflag:s29] =	ssyncadd.s32 $0xFFFFFFFF  }
0xb9: {  	_ =	strace $0x9000004B  }
0xba: {  	_ =	sfence  }
0xbb: {  	s30 =	sld [smem:$0x0];
	_ =	sdelay $0x2  }
0xbc: {  	s31 =	sshll.u32 s1, $0xD;
	s1 =	sshrl.u32 s1, $0x2  }
0xbd: {  	s3 =	sand.u32 $0x4000, s31;
	s1 =	sadd.s32 s1, s30  }
0xbe: {  	s0 =	sor.u32 s3, s0;
	s1 =	sshll.u32 s1, $0x11  }
0xbf: {  	s0 =	sor.u32 s1, s0  }
0xc0: {  	s0 =	sadd.s32 $0x8F2B, s0  }
0xc1: {  	[sflag:s0] =	ssyncadd.remote.s32 $0x1  }
0xc2: {  	_ =	sfence.sel $0xFFFF  }
0xc3: {  	[dreg:$0x0] =	wrdreg $0xFFFFFFFF;
	(pc) =	sbr.abs _section_cstart, $3  }
0xc4: {  	[dreg:$0x1] =	wrdreg $0xFFFFFFFF  }
0xc5: {  	_ =	task.clear_ibuf [dreg:s9], $0x2FFFF;
	_ =	strace $0x9FFFFFFF  }
0xc6: {  	(tm) =	ssettm $0x7FFFFFFF  }
0xc7: {  	_ =	shalt  }
tec
execute0_lowered:
.L_overlay_start_1:
0x0: {  	(tag) =	ssettag $0x1  }
0x1: {  	s1 =	rddreg [dreg:$0x0]  }
0x2: {  	s0 =	rddreg [dreg:$0x1]  }
0x3: {  	s2 =	srdreg.scid;
	s5 =	simm.s32 $0x0;
	s3 =	stileid.u32  }
0x4: {  	s12 =	simm.s32 $0x4;
	s13 =	simm.s32 $0x1010;
	s16 =	simm.s32 $0x80  }
0x5: {  	s31 =	simm.s32 $0x6010;
	s14 =	simm.s32 $0x3;
	s15 =	simm.s32 $0xB010  }
0x6: {  	s20 =	simm.s32 $0x0;
	s2 =	sand.u32 $0x1, s2;
	[smem:$0x7FF] =	sst s5  }
0x7: {  	s3 =	sshll.u32 s3, $0xA;
	s4 =	sshll.u32 s2, $0x9;
	s2 =	ssub.s32 $0x2, s2  }
0x8: {  	s6 =	sadd.s32 $0x100C00, s0;
	s3 =	sor.u32 s4, s3;
	s7 =	sshrl.u32 s2, $0x1  }
0x9: {  	_ =	strace $0x8000004A;
	s4 =	sshrl.u32 s3, $0x3;
	s2 =	ssub.s32 s2, s7  }
0xa: {  	s9 =	sor.u32 $0x8000, s3;
	s7 =	sadd.s32 s1, s4;
	s30 =	smax.u32 s2, $0x1  }
0xb: {  	s0 =	sadd.s32 s4, s0;
	s4 =	sadd.s32 $0x800, s7;
	[dreg:$0x7] =	wrdreg s30  }
0xc: {  	v1 =	vlaneseq.u32;
	s3 =	simm.s32 $0xA010;
	s0 =	sadd.s32 $0xA00, s0;
	[dreg:$0x5] =	wrdreg s4  }
0xd: {  	v0 =	vimm.f32 $0.0e+00;
	v1 =	vmul.u32 $0x40, v1;
	s2 =	simm.s32 $0x1;
	[dreg:$0x6] =	wrdreg s0;
	s4 =	simm.s32 $0x2  }
.LBB2_1:
0xe: {  	s0 =	rddreg [dreg:$0x2]  }
0xf: {  	[tilespmem:s5], [sflag:$0x4] =	stream.linear.gather [hbm4b:s0+s5], $0x1010, $0x38;
	[tilespmem:$0x1B010] =	vst v63  }
0x10: {  	_ =	swait.ge [sflag:s12], $0x1010  }
0x11: {  	[sflag:s12] =	ssyncset.done $0x0  }
0x12: {  	[sflag:s12] =	ssyncadd.s32 $0xFFFFEFF0  }
0x13: {  	s30 =	rddreg [dreg:$0x3]  }
0x14: {  	[tilespmem:s13], [sflag:$0x4] =	stream.linear.gather [hbm4b:s30+s5], $0x1000, $0x38;
	[tilespmem:$0x1B010] =	vst v63  }
0x15: {  	_ =	swait.ge [sflag:s12], $0x1000  }
0x16: {  	[sflag:s12] =	ssyncset.done $0x0  }
0x17: {  	s21 =	simm.s32 $0xB090;
	[sflag:s12] =	ssyncadd.s32 $0xFFFFF000  }
0x18: {  	[tilespmem:s21+$0xFFFFFF80] =	vst v0  }
0x19: {  	[tilespmem:s21+$0x70] =	vst v0  }
0x1a: {  	[tilespmem:s21+$0x60] =	vst v0  }
0x1b: {  	[tilespmem:s21+$0x50] =	vst v0  }
0x1c: {  	[tilespmem:s21+$0x40] =	vst v0  }
0x1d: {  	[tilespmem:s21+$0x30] =	vst v0  }
0x1e: {  	[tilespmem:s21+$0x20] =	vst v0  }
0x1f: {  	[tilespmem:s21+$0x10] =	vst v0  }
0x20: {  	[tilespmem:s21+$0x0] =	vst v0  }
0x21: {  	[tilespmem:s21+$0xFFFFFFF0] =	vst v0  }
0x22: {  	[tilespmem:s21+$0xFFFFFFE0] =	vst v0  }
0x23: {  	[tilespmem:s21+$0xFFFFFFD0] =	vst v0  }
0x24: {  	[tilespmem:s21+$0xFFFFFFC0] =	vst v0  }
0x25: {  	[tilespmem:s21+$0xFFFFFFB0] =	vst v0  }
0x26: {  	s0 =	simm.s32 $0x0;
	[tilespmem:s21+$0xFFFFFFA0] =	vst v0  }
.LBB2_2:
0x27: {  	s0 =	sadd.s32 $0x4, s0;
	[tilespmem:s21+$0xFFFFFF90] =	vst v0;
	s21 =	sadd.s32 $0x100, s21  }
0x28: {  	[tilespmem:s21+$0xFFFFFF80] =	vst v0;
	p0 =	slt.u32 s0, $0x1FC  }
0x29: {  	[tilespmem:s21+$0x70] =	vst v0  }
0x2a: {  	[tilespmem:s21+$0x60] =	vst v0  }
0x2b: {  	[tilespmem:s21+$0x50] =	vst v0  }
0x2c: {  	[tilespmem:s21+$0x40] =	vst v0  }
0x2d: {  	[tilespmem:s21+$0x30] =	vst v0  }
0x2e: {  	[tilespmem:s21+$0x20] =	vst v0  }
0x2f: {  	[tilespmem:s21+$0x10] =	vst v0  }
0x30: {  	[tilespmem:s21+$0x0] =	vst v0  }
0x31: {  	[tilespmem:s21+$0xFFFFFFF0] =	vst v0  }
.Ltmp0:
0x32: {  	[tilespmem:s21+$0xFFFFFFE0] =	vst v0;
	(pc) =	sbr.rel @p0 .LBB2_2-.Ltmp0, $4  }
0x33: {  	[tilespmem:s21+$0xFFFFFFD0] =	vst v0  }
0x34: {  	[tilespmem:s21+$0xFFFFFFC0] =	vst v0  }
0x35: {  	[tilespmem:s21+$0xFFFFFFB0] =	vst v0  }
0x36: {  	[tilespmem:s21+$0xFFFFFFA0] =	vst v0  }
0x37: {  	[tilespmem:s21+$0xFFFFFF90] =	vst v0;
	s0 =	simm.s32 $0x0;
	s8 =	simm.s32 $0x2010  }
0x38: {  	[tilespmem:s8], [sflag:$0x4] =	stream.linear.gather [hbm4b:s7+s0], $0x200, $0x38;
	[tilespmem:$0x1B010] =	vst v63  }
0x39: {  	_ =	swait.ge [sflag:s12], $0x200  }
0x3a: {  	s10 =	simm.s32 $0x2210;
	[sflag:s12] =	ssyncset.done $0x0  }
0x3b: {  	s24 =	simm.s32 $0x0;
	s30 =	rddreg [dreg:$0x5];
	[sflag:s12] =	ssyncadd.s32 $0xFFFFFE00  }
0x3c: {  	[tilespmem:s10], [sflag:$0x1] =	stream.linear.gather [hbm4b:s30+s0], $0x200, $0x38;
	[tilespmem:$0x1B010] =	vst v63  }
0x3d: {  	v8 =	vld [tilespmem:s24+$0x2010];
	_ =	sdelay $0x4  }
0x3e: {  	v2 =	vand.u32 $0x7FFFFFFF, v8  }
0x3f: {  	v2 =	vsub.f32 $0.0e+00, v2;
	_ =	sdelay $0x1  }
0x40: {  	v2 =	vmul.f32 $1.442695020e+00, v2;
	_ =	sdelay $0x1  }
0x41: {  	(erf) = vpow2.f32 v2  }
0x42: {  	s23 =	simm.s32 $0x10  }
0x43: {  	v4 =	vld [tilespmem:s23+$0x2010];
	_ =	sdelay $0x4  }
0x44: {  	v2 =	vand.u32 $0x7FFFFFFF, v4  }
0x45: {  	v2 =	vsub.f32 $0.0e+00, v2  }
0x46: {  	v3 =	vpop (erf)  }
0x47: {  	v2 =	vmul.f32 $1.442695020e+00, v2;
	v5 =	vmul.f32 $5.000000000e-01, v3  }
0x48: {  	s21 =	simm.s32 $0x20  }
0x49: {  	(erf) = vpow2.f32 v2;
	v3 =	vld [tilespmem:s21+$0x2010];
	v2 =	vsub.f32 $1.000000000e+00, v5  }
0x4a: {  	vm0 =	vgt.f32 v8, $0.0e+00  }
0x4b: {  	v2 =	vsel vm0, v2, v5  }
0x4c: {  	v2 =	vmul.f32 $4.096000000e+03, v2;
	_ =	sdelay $0x1  }
0x4d: {  	v5 =	vand.u32 $0x7FFFFFFF, v3;
	v2 =	vtrunc.f32 v2  }
0x4e: {  	v5 =	vsub.f32 $0.0e+00, v5;
	v2 =	vcvt.f32.s32 v2;
	_ =	sdelay $0x1  }
0x4f: {  	v5 =	vmul.f32 $1.442695020e+00, v5;
	vm13 =	vgt.s32 v2, $0x0  }
0x50: {  	s22 =	simm.s32 $0x30;
	v6 =	vpop (erf);
	v2 =	vnsel vm13, $0x0, v2  }
0x51: {  	v6 =	vmul.f32 $5.000000000e-01, v6;
	(erf) = vpow2.f32 v5;
	v5 =	vmin.u32 v2, $0xFFF;
	v2 =	vld [tilespmem:s22+$0x2010];
	_ =	sdelay $0x1  }
0x52: {  	v7 =	vsub.f32 $1.000000000e+00, v6  }
0x53: {  	vm14 =	vgt.f32 v4, $0.0e+00  }
0x54: {  	v6 =	vsel vm14, v7, v6  }
0x55: {  	v6 =	vmul.f32 $4.096000000e+03, v6;
	v7 =	vand.u32 $0x7FFFFFFF, v2  }
0x56: {  	v7 =	vsub.f32 $0.0e+00, v7  }
0x57: {  	v6 =	vtrunc.f32 v6;
	v9 =	vld.idx.msk [tilespmem:v5+s5+$0x0], $0xffff  }
0x58: {  	v10 =	vcvt.f32.s32 v6  }
0x59: {  	v6 =	vld.idx.msk [tilespmem:v5+s13+$0x0], $0xffff  }
0x5a: {  	v11 =	vshll.u32 v5, $0x6;
	vm15 =	vgt.s32 v10, $0x0;
	v5 =	vmul.f32 $1.442695020e+00, v7;
	v7 =	vpop (erf)  }
0x5b: {  	[tilespmem:s24+$0x2410] =	vst v11;
	v11 =	vadd.s32 $0x40, v11;
	v10 =	vnsel vm15, $0x0, v10;
	v7 =	vmul.f32 $5.000000000e-01, v7  }
0x5c: {  	s25 =	simm.s32 $0x40;
	s26 =	simm.s32 $0x140;
	[tilespmem:s24+$0x2810] =	vst v11;
	(erf) = vpow2.f32 v5;
	v5 =	vmin.u32 v10, $0xFFF;
	v8 =	vsub.f32 v8, v9  }
.LBB2_4:
0x5d: {  	p0 =	sne.s32 s26, $0x7C0;
	v9 =	vsub.f32 $1.000000000e+00, v7;
	v10 =	vmov v2;
	v2 =	vld [tilespmem:s25+$0x2010]  }
0x5e: {  	vm0 =	vgt.f32 v3, $0.0e+00;
	v6 =	vmul.f32 v6, v8  }
0x5f: {  	v7 =	vsel vm0, v9, v7  }
0x60: {  	v7 =	vmul.f32 $4.096000000e+03, v7;
	[tilespmem:s24+$0x2C10] =	vst v6;
	s24 =	smov.u32 s23;
	s23 =	smov.u32 s21;
	s21 =	smov.u32 s22  }
0x61: {  	s22 =	smov.u32 s25;
	v8 =	vld.idx.msk [tilespmem:v5+s5+$0x0], $0xffff  }
0x62: {  	v9 =	vshll.u32 v5, $0x6;
	v6 =	vand.u32 $0x7FFFFFFF, v2;
	v7 =	vtrunc.f32 v7  }
.Ltmp1:
0x63: {  	v11 =	vsub.f32 $0.0e+00, v6;
	v12 =	vcvt.f32.s32 v7;
	v6 =	vld.idx.msk [tilespmem:v5+s13+$0x0], $0xffff;
	[tilespmem:s24+$0x2410] =	vst v9;
	v5 =	vadd.s32 $0x40, v9;
	(pc) =	sbr.rel @p0 .LBB2_4-.Ltmp1, $4  }
0x64: {  	[tilespmem:s24+$0x2810] =	vst v5  }
0x65: {  	v5 =	vmul.f32 $1.442695020e+00, v11;
	v7 =	vpop (erf);
	vm0 =	vgt.s32 v12, $0x0  }
0x66: {  	v7 =	vmul.f32 $5.000000000e-01, v7;
	v9 =	vnsel vm0, $0x0, v12  }
0x67: {  	s25 =	sshra.s32 s26, $0x2;
	s26 =	sadd.s32 $0x40, s26;
	v8 =	vsub.f32 v4, v8;
	v4 =	vmovc v3;
	v3 =	vmovc v10;
	(erf) = vpow2.f32 v5;
	v5 =	vmin.u32 v9, $0xFFF  }
0x68: {  	v9 =	vld [tilespmem:s25+$0x2010];
	_ =	sdelay $0x1  }
0x69: {  	v10 =	vsub.f32 $1.000000000e+00, v7  }
0x6a: {  	vm0 =	vgt.f32 v3, $0.0e+00  }
0x6b: {  	v6 =	vmul.f32 v6, v8;
	v7 =	vsel vm0, v10, v7  }
0x6c: {  	v7 =	vmul.f32 $4.096000000e+03, v7;
	v52 =	vand.u32 $0x7FFFFFFF, v9  }
0x6d: {  	[tilespmem:s24+$0x2C10] =	vst v6;
	v53 =	vsub.f32 $0.0e+00, v52  }
0x6e: {  	v54 =	vld.idx.msk [tilespmem:v5+s5+$0x0], $0xffff;
	v7 =	vtrunc.f32 v7  }
0x6f: {  	v7 =	vcvt.f32.s32 v7;
	v6 =	vmul.f32 $1.442695020e+00, v53  }
0x70: {  	v55 =	vld.idx.msk [tilespmem:v5+s13+$0x0], $0xffff;
	v11 =	vpop (erf)  }
0x71: {  	vm11 =	vgt.s32 v7, $0x0;
	v56 =	vmul.f32 $5.000000000e-01, v11;
	(erf) = vpow2.f32 v6  }
0x72: {  	v7 =	vnsel vm11, $0x0, v7  }
0x73: {  	v4 =	vsub.f32 v4, v54;
	v7 =	vmin.u32 v7, $0xFFF;
	v57 =	vsub.f32 $1.000000000e+00, v56  }
0x74: {  	v58 =	vshll.u32 v5, $0x6;
	vm12 =	vgt.f32 v2, $0.0e+00  }
0x75: {  	[tilespmem:s23+$0x2410] =	vst v58;
	v5 =	vadd.s32 $0x40, v58;
	v4 =	vmul.f32 v55, v4;
	v6 =	vsel vm12, v57, v56  }
0x76: {  	[tilespmem:s23+$0x2810] =	vst v5;
	v59 =	vmul.f32 $4.096000000e+03, v6  }
0x77: {  	[tilespmem:s23+$0x2C10] =	vst v4  }
0x78: {  	v4 =	vld.idx.msk [tilespmem:v7+s5+$0x0], $0xffff;
	v5 =	vtrunc.f32 v59  }
0x79: {  	v5 =	vcvt.f32.s32 v5  }
0x7a: {  	v60 =	vld.idx.msk [tilespmem:v7+s13+$0x0], $0xffff;
	v61 =	vpop (erf)  }
0x7b: {  	vm13 =	vgt.s32 v5, $0x0;
	v8 =	vmul.f32 $5.000000000e-01, v61  }
0x7c: {  	v5 =	vnsel vm13, $0x0, v5  }
0x7d: {  	v3 =	vsub.f32 v3, v4;
	v5 =	vmin.u32 v5, $0xFFF;
	v62 =	vsub.f32 $1.000000000e+00, v8  }
0x7e: {  	vm14 =	vgt.f32 v9, $0.0e+00;
	v7 =	vshll.u32 v7, $0x6  }
0x7f: {  	[tilespmem:s21+$0x2410] =	vst v7;
	v7 =	vadd.s32 $0x40, v7;
	v3 =	vmul.f32 v60, v3;
	v4 =	vsel vm14, v62, v8  }
0x80: {  	[tilespmem:s21+$0x2810] =	vst v7;
	v4 =	vmul.f32 $4.096000000e+03, v4  }
0x81: {  	[tilespmem:s21+$0x2C10] =	vst v3  }
0x82: {  	v3 =	vld.idx.msk [tilespmem:v5+s5+$0x0], $0xffff;
	v4 =	vtrunc.f32 v4  }
0x83: {  	v4 =	vcvt.f32.s32 v4  }
0x84: {  	v63 =	vld.idx.msk [tilespmem:v5+s13+$0x0], $0xffff  }
0x85: {  	vm15 =	vgt.s32 v4, $0x0  }
0x86: {  	v4 =	vnsel vm15, $0x0, v4  }
0x87: {  	v2 =	vsub.f32 v2, v3;
	v4 =	vmin.u32 v4, $0xFFF  }
0x88: {  	v3 =	vshll.u32 v5, $0x6  }
0x89: {  	[tilespmem:s22+$0x2410] =	vst v3;
	v3 =	vadd.s32 $0x40, v3;
	v2 =	vmul.f32 v63, v2  }
0x8a: {  	[tilespmem:s22+$0x2810] =	vst v3  }
0x8b: {  	[tilespmem:s22+$0x2C10] =	vst v2  }
0x8c: {  	v2 =	vld.idx.msk [tilespmem:v4+s5+$0x0], $0xffff;
	_ =	sdelay $0x1  }
0x8d: {  	v3 =	vld.idx.msk [tilespmem:v4+s13+$0x0], $0xffff;
	_ =	sdelay $0x2  }
0x8e: {  	v2 =	vsub.f32 v9, v2  }
0x8f: {  	v4 =	vshll.u32 v4, $0x6  }
0x90: {  	[tilespmem:s25+$0x2410] =	vst v4;
	v4 =	vadd.s32 $0x40, v4;
	v2 =	vmul.f32 v3, v2  }
0x91: {  	[tilespmem:s25+$0x2810] =	vst v4  }
0x92: {  	s0 =	simm.s32 $0x2410;
	s8 =	simm.s32 $0x3010;
	[tilespmem:s25+$0x2C10] =	vst v2  }
0x93: {  	[tilespmem:s8], [sflag:$0x2] =	stream.indirect.gather [hbm4b:s6+s16], $0x20, s0, s16, $0xb8;
	[tilespmem:$0x1B010] =	vst v63  }
0x94: {  	s17 =	simm.s32 $0x2810;
	s18 =	simm.s32 $0x7010  }
0x95: {  	[tilespmem:s18], [sflag:$0x3] =	stream.indirect.gather [hbm4b:s6+s16], $0x20, s17, s16, $0xb8;
	[tilespmem:$0x1B010] =	vst v63  }
0x96: {  	s19 =	simm.s32 $0x2490;
	s21 =	simm.s32 $0x4010  }
0x97: {  	[tilespmem:s21], [sflag:$0x2] =	stream.indirect.gather [hbm4b:s6+s16], $0x20, s19, s16, $0xb8;
	[tilespmem:$0x1B010] =	vst v63  }
0x98: {  	s23 =	simm.s32 $0x8010;
	s22 =	simm.s32 $0x2890  }
0x99: {  	[tilespmem:s23], [sflag:$0x3] =	stream.indirect.gather [hbm4b:s6+s16], $0x20, s22, s16, $0xb8;
	[tilespmem:$0x1B010] =	vst v63  }
0x9a: {  	s24 =	simm.s32 $0x2510;
	s25 =	simm.s32 $0x5010  }
0x9b: {  	[tilespmem:s25], [sflag:$0x2] =	stream.indirect.gather [hbm4b:s6+s16], $0x20, s24, s16, $0xb8;
	[tilespmem:$0x1B010] =	vst v63  }
0x9c: {  	s26 =	simm.s32 $0x2910;
	s28 =	simm.s32 $0x9010  }
0x9d: {  	[tilespmem:s28], [sflag:$0x3] =	stream.indirect.gather [hbm4b:s6+s16], $0x20, s26, s16, $0xb8;
	[tilespmem:$0x1B010] =	vst v63  }
0x9e: {  	s29 =	simm.s32 $0x2590  }
0x9f: {  	[tilespmem:s31], [sflag:$0x2] =	stream.indirect.gather [hbm4b:s6+s16], $0x20, s29, s16, $0xb8;
	[tilespmem:$0x1B010] =	vst v63  }
0xa0: {  	s30 =	simm.s32 $0x2990;
	p0 =	por $0x1, $0x1;
	s21 =	simm.s32 $0x0  }
0xa1: {  	[tilespmem:s3], [sflag:$0x3] =	stream.indirect.gather [hbm4b:s6+s16], $0x20, s30, s16, $0xb8;
	[tilespmem:$0x1B010] =	vst v63  }
.LBB2_6:
0xa2: {  	p1 =	seq.s32 s21, $0x3F  }
.Ltmp2:
0xa3: {  	_ = 	snop;
	(pc) =	sbr.rel @p1 .LBB2_10-.Ltmp2, $2  }
0xa4: {  	_ =	sdelay $0x2  }
0xa5: {  	s23 =	sand.u32 $0x1, s21  }
0xa6: {  	s0 =	simm.s32 $0x1  }
0xa7: {  	s0 =	simm.s32 @!p0 $0x0  }
0xa8: {  	p2 =	sgt.u32 s21, $0x3D;
	_ =	swait.ge [sflag:s2], $0x200;
	s0 =	sshll.u32 s0, $0x9  }
0xa9: {  	s25 =	sadd.s32 $0x1, s21;
	s22 =	sshll.u32 @!p2 s21, $0xE;
	s17 =	sor.u32 $0x2010, s0  }
0xaa: {  	[sflag:s2] =	ssyncset.done $0x0;
	s26 =	simm.s32 @!p2 $0x0;
	s22 =	sadd.s32 @!p2 s9, s22;
	v7 =	vmov s17  }
0xab: {  	[sflag:s2] =	ssyncadd.s32 $0xFFFFFE00;
	s22 =	sshrl.u32 @!p2 s22, $0x3;
	s17 =	sshll.u32 @!p2 s23, $0x9  }
0xac: {  	s24 =	sor.u32 $0x2C10, s0;
	s22 =	sadd.s32 @!p2 s1, s22;
	s17 =	sor.u32 @!p2 $0x2010, s17  }
0xad: {  	v2 =	vmov s25;
	[tilespmem:s17], [sflag:$0x1] =	stream.linear.gather @!p2 [hbm4b:s22+s26], $0x200, $0x38;
	[tilespmem:$0x1B010] =	vst v63  }
0xae: {  	v3 =	vadd.s32 $0x40, v2;
	s30 =	sor.u32 $0x2410, s0;
	s0 =	sor.u32 $0x2810, s0;
	s22 =	simm.s32 $0x0  }
0xaf: {  	v6 =	vmov s24;
	v5 =	vmov s30;
	v4 =	vmov s0;
	s24 =	simm.s32 $0x40;
	v8 =	vld.idx.msk [tilespmem:v7+s22+$0x0 ss:$0x1], $0xffff  }
.LBB2_8:
0xb0: {  	p2 =	sne.s32 s24, $0x7C0;
	_ =	sdelay $0x3  }
0xb1: {  	v9 =	vand.u32 $0x7FFFFFFF, v8  }
0xb2: {  	v9 =	vsub.f32 $0.0e+00, v9;
	_ =	sdelay $0x1  }
0xb3: {  	v9 =	vmul.f32 $1.442695020e+00, v9;
	_ =	sdelay $0x1  }
0xb4: {  	(erf) = vpow2.f32 v9;
	_ =	sdelay $0x8  }
0xb5: {  	v9 =	vpop (erf)  }
0xb6: {  	v9 =	vmul.f32 $5.000000000e-01, v9;
	_ =	sdelay $0x1  }
0xb7: {  	v10 =	vsub.f32 $1.000000000e+00, v9  }
0xb8: {  	vm0 =	vgt.f32 v8, $0.0e+00  }
0xb9: {  	v9 =	vsel vm0, v10, v9  }
0xba: {  	v9 =	vmul.f32 $4.096000000e+03, v9;
	_ =	sdelay $0x1  }
0xbb: {  	v9 =	vtrunc.f32 v9  }
0xbc: {  	v9 =	vcvt.f32.s32 v9;
	_ =	sdelay $0x1  }
0xbd: {  	vm0 =	vgt.s32 v9, $0x0  }
0xbe: {  	v9 =	vnsel vm0, $0x0, v9  }
0xbf: {  	v9 =	vmin.u32 v9, $0xFFF;
	_ =	sdelay $0x4  }
0xc0: {  	v10 =	vld.idx.msk [tilespmem:v9+s5+$0x0], $0xffff;
	_ =	sdelay $0x1  }
0xc1: {  	v11 =	vld.idx.msk [tilespmem:v9+s13+$0x0], $0xffff;
	_ =	sdelay $0x3  }
0xc2: {  	v8 =	vsub.f32 v8, v10;
	_ =	sdelay $0x1  }
0xc3: {  	v8 =	vmul.f32 v11, v8  }
0xc4: {  	v9 =	vshll.u32 v9, $0x6  }
.Ltmp3:
0xc5: {  	[tilespmem:v6+s22+$0x0 ss:$0x1] =	vst.idx.msk $0xffff, v8;
	v8 =	vadd.s32 v2, v9;
	(pc) =	sbr.rel @p2 .LBB2_8-.Ltmp3, $4  }
0xc6: {  	[tilespmem:v5+s22+$0x0 ss:$0x1] =	vst.idx.msk $0xffff, v8;
	v8 =	vadd.s32 v3, v9  }
0xc7: {  	[tilespmem:v4+s22+$0x0 ss:$0x1] =	vst.idx.msk $0xffff, v8;
	s22 =	sshra.s32 s24, $0x2  }
0xc8: {  	v8 =	vld.idx.msk [tilespmem:v7+s22+$0x0 ss:$0x1], $0xffff  }
0xc9: {  	s24 =	sadd.s32 $0x40, s24  }
0xca: {  	_ =	sdelay $0x2  }
0xcb: {  	v7 =	vand.u32 $0x7FFFFFFF, v8  }
0xcc: {  	v7 =	vsub.f32 $0.0e+00, v7;
	_ =	sdelay $0x1  }
0xcd: {  	v7 =	vmul.f32 $1.442695020e+00, v7;
	_ =	sdelay $0x1  }
0xce: {  	(erf) = vpow2.f32 v7;
	_ =	sdelay $0x8  }
0xcf: {  	v7 =	vpop (erf)  }
0xd0: {  	v7 =	vmul.f32 $5.000000000e-01, v7;
	_ =	sdelay $0x1  }
0xd1: {  	v9 =	vsub.f32 $1.000000000e+00, v7  }
0xd2: {  	vm0 =	vgt.f32 v8, $0.0e+00  }
0xd3: {  	v7 =	vsel vm0, v9, v7  }
0xd4: {  	v7 =	vmul.f32 $4.096000000e+03, v7;
	_ =	sdelay $0x1  }
0xd5: {  	v7 =	vtrunc.f32 v7  }
0xd6: {  	v7 =	vcvt.f32.s32 v7;
	_ =	sdelay $0x1  }
0xd7: {  	vm15 =	vgt.s32 v7, $0x0  }
0xd8: {  	v7 =	vnsel vm15, $0x0, v7  }
0xd9: {  	v7 =	vmin.u32 v7, $0xFFF;
	_ =	sdelay $0x4  }
0xda: {  	v62 =	vld.idx.msk [tilespmem:v7+s5+$0x0], $0xffff;
	_ =	sdelay $0x1  }
0xdb: {  	v10 =	vld.idx.msk [tilespmem:v7+s13+$0x0], $0xffff;
	_ =	sdelay $0x2  }
0xdc: {  	v63 =	vsub.f32 v8, v62;
	_ =	sdelay $0x1  }
0xdd: {  	v8 =	vmul.f32 v10, v63  }
0xde: {  	v7 =	vshll.u32 v7, $0x6  }
0xdf: {  	v2 =	vadd.s32 v2, v7;
	[tilespmem:v6+s22+$0x0 ss:$0x1] =	vst.idx.msk $0xffff, v8  }
0xe0: {  	[tilespmem:v5+s22+$0x0 ss:$0x1] =	vst.idx.msk $0xffff, v2;
	v2 =	vadd.s32 v3, v7  }
0xe1: {  	[tilespmem:v4+s22+$0x0 ss:$0x1] =	vst.idx.msk $0xffff, v2  }
.LBB2_10:
0xe2: {  	_ =	swait.ge [sflag:s4], $0x1000  }
0xe3: {  	s8 =	simm.s32 $0x2;
	[sflag:s4] =	ssyncset.done $0x0  }
0xe4: {  	v3 =	vmov s8;
	[sflag:s4] =	ssyncadd.s32 $0xFFFFF000  }
0xe5: {  	v3 =	vand.u32 $0xFFFFFFFE, v3;
	_ =	swait.ge [sflag:s14], $0x1000  }
0xe6: {  	v3 =	vbroadcast v3, $0x0;
	[sflag:s14] =	ssyncset.done $0x0  }
0xe7: {  	s28 =	simm.s32 $0x3050;
	[sflag:s14] =	ssyncadd.s32 $0xFFFFF000  }
0xe8: {  	s0 =	simm.s32 $0x0;
	s26 =	simm.s32 $0x7050;
	v4 =	vld [tilespmem:s28+$0x0]  }
0xe9: {  	s11 =	simm.s32 $0x1;
	v2 =	vmov s0;
	v5 =	vld [tilespmem:s26+$0x0]  }
0xea: {  	s10 =	sshll.u32 s23, $0x9;
	v6 =	vmov s11;
	v2 =	vand.u32 $0xFFFFFFFC, v2;
	v9 =	vld [tilespmem:s26+$0xFFFFFFC0]  }
0xeb: {  	s22 =	sor.u32 $0x2C10, s10;
	v6 =	vand.u32 $0xFFFFFFFD, v6;
	v2 =	vbroadcast v2, $0x0;
	v12 =	vld [tilespmem:s28+$0xFFFFFFE0]  }
0xec: {  	v7 =	vld.idx.msk [tilespmem:v3+s22+$0x0], $0xffff;
	v3 =	vbroadcast v6, $0x0  }
0xed: {  	s17 =	simm.s32 $0x3;
	v6 =	vld [tilespmem:s28+$0xFFFFFFC0]  }
0xee: {  	v8 =	vmov s17;
	v14 =	vld [tilespmem:s28+$0x20];
	v10 =	vshll.u32 v4, $0x10;
	v11 =	vshll.u32 v5, $0x10  }
0xef: {  	v13 =	vand.u32 $0xFFFF0000, v4;
	v4 =	vand.u32 $0xFFFF0000, v5;
	v5 =	vld [tilespmem:s26+$0xFFFFFFE0];
	v11 =	vsub.f32 v11, v10  }
0xf0: {  	v16 =	vld [tilespmem:s26+$0x20];
	v4 =	vsub.f32 v4, v13  }
0xf1: {  	v2 =	vld.idx.msk [tilespmem:v2+s22+$0x0], $0xffff;
	v18 =	vshll.u32 v9, $0x10;
	v9 =	vand.u32 $0xFFFF0000, v9;
	v11 =	vmul.f32 v11, v7  }
0xf2: {  	v15 =	vshll.u32 v6, $0x10;
	v6 =	vand.u32 $0xFFFF0000, v6;
	v17 =	vmul.f32 v4, v7;
	v4 =	vld.idx.msk [tilespmem:v3+s22+$0x0], $0xffff  }
0xf3: {  	v3 =	vld.idx.msk [tilespmem:v8+s22+$0x0], $0xffff;
	v8 =	vshll.u32 v12, $0x10;
	v9 =	vsub.f32 v9, v6;
	v10 =	vadd.f32 v10, v11  }
0xf4: {  	s24 =	simm.s32 $0xB100;
	v11 =	vand.u32 $0xFFFF0000, v12;
	v12 =	vadd.f32 v13, v17;
	v13 =	vshll.u32 v5, $0x10  }
0xf5: {  	v5 =	vand.u32 $0xFFFF0000, v5;
	v17 =	vsub.f32 v18, v15;
	v13 =	vsub.f32 v13, v8;
	[tilespmem:s24+$0xFFFFFF90] =	vst.add.f32.msk $0xffff, v10  }
0xf6: {  	v5 =	vsub.f32 v5, v11;
	v9 =	vmul.f32 v9, v2;
	v10 =	vshll.u32 v14, $0x10;
	[tilespmem:s24+$0xFFFFFFA0] =	vst.add.f32.msk $0xffff, v12  }
0xf7: {  	v14 =	vand.u32 $0xFFFF0000, v14;
	v12 =	vshll.u32 v16, $0x10;
	v16 =	vand.u32 $0xFFFF0000, v16;
	v18 =	vld [tilespmem:s28+$0x10]  }
0xf8: {  	v19 =	vld [tilespmem:s26+$0x10];
	v16 =	vsub.f32 v16, v14;
	v13 =	vmul.f32 v13, v4  }
0xf9: {  	v12 =	vsub.f32 v12, v10;
	v6 =	vadd.f32 v6, v9;
	v5 =	vmul.f32 v5, v4  }
0xfa: {  	v17 =	vmul.f32 v17, v2;
	v9 =	vmul.f32 v16, v3;
	v8 =	vadd.f32 v8, v13  }
0xfb: {  	v12 =	vmul.f32 v12, v3;
	[tilespmem:s24+$0xFFFFFF20] =	vst.add.f32.msk $0xffff, v6;
	v5 =	vadd.f32 v11, v5  }
0xfc: {  	v15 =	vadd.f32 v15, v17;
	v9 =	vadd.f32 v14, v9;
	[tilespmem:s24+$0xFFFFFF50] =	vst.add.f32.msk $0xffff, v8  }
0xfd: {  	v8 =	vadd.f32 v10, v12;
	[tilespmem:s24+$0xFFFFFF60] =	vst.add.f32.msk $0xffff, v5;
	v5 =	vand.u32 $0xFFFF0000, v18;
	v10 =	vand.u32 $0xFFFF0000, v19  }
0xfe: {  	[tilespmem:s24+$0xFFFFFF10] =	vst.add.f32.msk $0xffff, v15;
	v11 =	vshll.u32 v19, $0x10;
	v6 =	vsub.f32 v10, v5;
	v10 =	vshll.u32 v18, $0x10  }
0xff: {  	[tilespmem:s24+$0xFFFFFFD0] =	vst.add.f32.msk $0xffff, v8;
	v8 =	vsub.f32 v11, v10  }
0x100: {  	[tilespmem:s24+$0xFFFFFFE0] =	vst.add.f32.msk $0xffff, v9;
	v6 =	vmul.f32 v6, v7  }
0x101: {  	s18 =	simm.s32 $0x4;
	v9 =	vld [tilespmem:s28+$0xFFFFFFF0];
	v7 =	vmul.f32 v8, v7  }
0x102: {  	s19 =	simm.s32 $0x5;
	v18 =	vld [tilespmem:s28+$0xFFFFFFD0];
	v5 =	vadd.f32 v5, v6;
	v6 =	vmov s18  }
0x103: {  	s25 =	simm.s32 $0x7;
	v8 =	vld [tilespmem:s26+$0xFFFFFFF0];
	v19 =	vadd.f32 v10, v7;
	v6 =	vand.u32 $0xFFFFFFFC, v6;
	v7 =	vmov s19  }
0x104: {  	v12 =	vmov s25;
	[tilespmem:s24+$0xFFFFFFC0] =	vst.add.f32.msk $0xffff, v5;
	v15 =	vbroadcast v6, $0x0;
	v5 =	vand.u32 $0xFFFFFFFD, v7  }
0x105: {  	s30 =	simm.s32 $0x6;
	v11 =	vld [tilespmem:s26+$0xFFFFFFD0];
	v16 =	vbroadcast v5, $0x0  }
0x106: {  	v10 =	vld [tilespmem:s28+$0x30];
	v7 =	vshll.u32 v9, $0x10;
	v6 =	vmov s30  }
0x107: {  	v5 =	vand.u32 $0xFFFF0000, v9;
	v9 =	vld [tilespmem:s26+$0x30];
	v17 =	vand.u32 $0xFFFFFFFE, v6;
	v6 =	vand.u32 $0xFFFF0000, v18  }
0x108: {  	s23 =	sxor.u32 $0x1, s23;
	s29 =	simm.s32 $0x8;
	s25 =	simm.s32 $0xB100;
	[tilespmem:s24+$0xFFFFFFB0] =	vst.add.f32.msk $0xffff, v19;
	v14 =	vshll.u32 v8, $0x10;
	v13 =	vand.u32 $0xFFFF0000, v8;
	v8 =	vshll.u32 v18, $0x10  }
.LBB2_11:
0x109: {  	p2 =	slt.u32 s29, $0x7C;
	v17 =	vbroadcast v17, $0x0;
	v12 =	vld.idx.msk [tilespmem:v12+s22+$0x0], $0xffff;
	v14 =	vsub.f32 v14, v7;
	v13 =	vsub.f32 v13, v5  }
0x10a: {  	v15 =	vld.idx.msk [tilespmem:v15+s22+$0x0], $0xffff;
	v18 =	vshll.u32 v11, $0x10;
	v11 =	vand.u32 $0xFFFF0000, v11  }
0x10b: {  	s28 =	sadd.s32 $0x80, s28;
	v16 =	vld.idx.msk [tilespmem:v16+s22+$0x0], $0xffff;
	v18 =	vsub.f32 v18, v8;
	v19 =	vshll.u32 v10, $0x10;
	v10 =	vand.u32 $0xFFFF0000, v10  }
0x10c: {  	s26 =	sadd.s32 $0x80, s26;
	v11 =	vsub.f32 v11, v6;
	v20 =	vld [tilespmem:s28+$0x0];
	v21 =	vshll.u32 v9, $0x10;
	v9 =	vand.u32 $0xFFFF0000, v9  }
0x10d: {  	v14 =	vmul.f32 v14, v4;
	v22 =	vld [tilespmem:s26+$0x0];
	v21 =	vsub.f32 v21, v19;
	v9 =	vsub.f32 v9, v10  }
0x10e: {  	v24 =	vmul.f32 v13, v4;
	v18 =	vmul.f32 v18, v2;
	v23 =	vld [tilespmem:s28+$0xFFFFFFC0]  }
0x10f: {  	v7 =	vadd.f32 v7, v14;
	v13 =	vld.idx.msk [tilespmem:v17+s22+$0x0], $0xffff;
	v17 =	vmul.f32 v11, v2;
	v11 =	vmul.f32 v21, v3  }
0x110: {  	v5 =	vadd.f32 v5, v24;
	v8 =	vadd.f32 v8, v18;
	v9 =	vmul.f32 v9, v3;
	v3 =	vmovc v12;
	v14 =	vld [tilespmem:s26+$0xFFFFFFC0]  }
0x111: {  	v2 =	vmovc v15;
	v4 =	vmov v16;
	v12 =	vld [tilespmem:s28+$0xFFFFFFE0];
	v6 =	vadd.f32 v6, v17;
	v11 =	vadd.f32 v19, v11  }
0x112: {  	v16 =	vshll.u32 v20, $0x10;
	v9 =	vadd.f32 v10, v9;
	v15 =	vld [tilespmem:s26+$0xFFFFFFE0];
	v17 =	vshll.u32 v22, $0x10  }
0x113: {  	v18 =	vand.u32 $0xFFFF0000, v22;
	v10 =	vsub.f32 v17, v16;
	v17 =	vand.u32 $0xFFFF0000, v20;
	v19 =	vld [tilespmem:s28+$0x20]  }
0x114: {  	v20 =	vshll.u32 v23, $0x10;
	v21 =	vand.u32 $0xFFFF0000, v23;
	v18 =	vsub.f32 v18, v17;
	v22 =	vld [tilespmem:s26+$0x20]  }
0x115: {  	v23 =	vshll.u32 v14, $0x10;
	v14 =	vand.u32 $0xFFFF0000, v14;
	v10 =	vmul.f32 v10, v13;
	[tilespmem:s24+$0xFFFFFF70] =	vst.add.f32.msk $0xffff, v7  }
0x116: {  	v7 =	vshll.u32 v12, $0x10;
	v12 =	vand.u32 $0xFFFF0000, v12;
	v18 =	vmul.f32 v18, v13;
	[tilespmem:s24+$0xFFFFFF80] =	vst.add.f32.msk $0xffff, v5  }
0x117: {  	v5 =	vshll.u32 v15, $0x10;
	v15 =	vand.u32 $0xFFFF0000, v15;
	v10 =	vadd.f32 v16, v10;
	[tilespmem:s24+$0xFFFFFF30] =	vst.add.f32.msk $0xffff, v8  }
0x118: {  	s24 =	sadd.s32 $0x100, s24;
	v8 =	vadd.f32 v17, v18;
	v16 =	vshll.u32 v19, $0x10;
	v17 =	vand.u32 $0xFFFF0000, v19;
	[tilespmem:s25+$0xFFFFFF40] =	vst.add.f32.msk $0xffff, v6  }
0x119: {  	v6 =	vsub.f32 v23, v20;
	[tilespmem:s24+$0xFFFFFF90] =	vst.add.f32.msk $0xffff, v10;
	v10 =	vshll.u32 v22, $0x10;
	v18 =	vand.u32 $0xFFFF0000, v22  }
0x11a: {  	v14 =	vsub.f32 v14, v21;
	v5 =	vsub.f32 v5, v7;
	[tilespmem:s24+$0xFFFFFFA0] =	vst.add.f32.msk $0xffff, v8  }
0x11b: {  	v6 =	vmul.f32 v6, v2;
	v8 =	vsub.f32 v15, v12;
	v10 =	vsub.f32 v10, v16;
	v15 =	vld [tilespmem:s28+$0x10]  }
0x11c: {  	v14 =	vmul.f32 v14, v2;
	v5 =	vmul.f32 v5, v4;
	v18 =	vsub.f32 v18, v17;
	v19 =	vld [tilespmem:s26+$0x10]  }
0x11d: {  	v6 =	vadd.f32 v20, v6;
	v8 =	vmul.f32 v8, v4;
	v10 =	vmul.f32 v10, v3;
	[tilespmem:s25+$0xFFFFFFF0] =	vst.add.f32.msk $0xffff, v11  }
0x11e: {  	v5 =	vadd.f32 v7, v5;
	v7 =	vmul.f32 v18, v3;
	v11 =	vadd.f32 v21, v14;
	[tilespmem:s25+$0x0] =	vst.add.f32.msk $0xffff, v9;
	s25 =	smov.u32 s24  }
0x11f: {  	[tilespmem:s24+$0xFFFFFF10] =	vst.add.f32.msk $0xffff, v6;
	v6 =	vadd.f32 v12, v8;
	v8 =	vadd.f32 v16, v10  }
0x120: {  	v7 =	vadd.f32 v17, v7;
	[tilespmem:s24+$0xFFFFFF50] =	vst.add.f32.msk $0xffff, v5;
	v5 =	vshll.u32 v15, $0x10  }
0x121: {  	v9 =	vand.u32 $0xFFFF0000, v15;
	[tilespmem:s24+$0xFFFFFF60] =	vst.add.f32.msk $0xffff, v6;
	v6 =	vshll.u32 v19, $0x10;
	v10 =	vand.u32 $0xFFFF0000, v19  }
0x122: {  	[tilespmem:s24+$0xFFFFFF20] =	vst.add.f32.msk $0xffff, v11;
	v6 =	vsub.f32 v6, v5;
	v10 =	vsub.f32 v10, v9  }
0x123: {  	[tilespmem:s24+$0xFFFFFFD0] =	vst.add.f32.msk $0xffff, v8  }
0x124: {  	v6 =	vmul.f32 v6, v13;
	v8 =	vmul.f32 v10, v13;
	[tilespmem:s24+$0xFFFFFFE0] =	vst.add.f32.msk $0xffff, v7  }
0x125: {  	v10 =	vld [tilespmem:s28+$0xFFFFFFF0]  }
0x126: {  	s0 =	sadd.s32 $0x1, s29;
	v7 =	vmov s29;
	v13 =	vld [tilespmem:s26+$0xFFFFFFF0];
	v18 =	vadd.f32 v5, v6;
	v5 =	vadd.f32 v9, v8  }
0x127: {  	v6 =	vand.u32 $0xFFFFFFFC, v7;
	v7 =	vmov s0;
	s0 =	sadd.s32 $0x3, s29;
	v19 =	vld [tilespmem:s28+$0xFFFFFFD0]  }
.Ltmp4:
0x128: {  	v15 =	vbroadcast v6, $0x0;
	v6 =	vand.u32 $0xFFFFFFFD, v7;
	v12 =	vmov s0;
	[tilespmem:s24+$0xFFFFFFC0] =	vst.add.f32.msk $0xffff, v5;
	(pc) =	sbr.rel @p2 .LBB2_11-.Ltmp4, $4  }
0x129: {  	v16 =	vbroadcast v6, $0x0;
	v11 =	vld [tilespmem:s26+$0xFFFFFFD0]  }
0x12a: {  	s0 =	sadd.s32 $0x2, s29;
	v7 =	vshll.u32 v10, $0x10;
	v5 =	vand.u32 $0xFFFF0000, v10;
	v10 =	vld [tilespmem:s28+$0x30]  }
0x12b: {  	v6 =	vmov s0;
	v14 =	vshll.u32 v13, $0x10;
	v13 =	vand.u32 $0xFFFF0000, v13;
	v9 =	vld [tilespmem:s26+$0x30]  }
0x12c: {  	s29 =	sadd.s32 $0x4, s29;
	v17 =	vand.u32 $0xFFFFFFFE, v6;
	v8 =	vshll.u32 v19, $0x10;
	v6 =	vand.u32 $0xFFFF0000, v19;
	[tilespmem:s24+$0xFFFFFFB0] =	vst.add.f32.msk $0xffff, v18  }
0x12d: {  	s29 =	sadd.s32 $0x80, s28  }
0x12e: {  	s28 =	sadd.s32 $0x80, s26;
	v18 =	vld [tilespmem:s29+$0x0]  }
0x12f: {  	v19 =	vld [tilespmem:s28+$0x0]  }
0x130: {  	v20 =	vld [tilespmem:s29+$0xFFFFFFC0]  }
0x131: {  	v21 =	vld [tilespmem:s28+$0xFFFFFFC0]  }
0x132: {  	v22 =	vld [tilespmem:s29+$0xFFFFFFE0]  }
0x133: {  	v17 =	vbroadcast v17, $0x0;
	v23 =	vld [tilespmem:s28+$0xFFFFFFE0]  }
0x134: {  	v27 =	vld [tilespmem:s29+$0x20]  }
0x135: {  	v30 =	vld [tilespmem:s28+$0x20];
	v24 =	vshll.u32 v18, $0x10  }
0x136: {  	v15 =	vld.idx.msk [tilespmem:v15+s22+$0x0], $0xffff;
	v25 =	vshll.u32 v19, $0x10;
	v18 =	vand.u32 $0xFFFF0000, v18;
	v19 =	vand.u32 $0xFFFF0000, v19  }
0x137: {  	v16 =	vld.idx.msk [tilespmem:v16+s22+$0x0], $0xffff;
	v26 =	vshll.u32 v20, $0x10;
	v28 =	vshll.u32 v21, $0x10;
	v29 =	vshll.u32 v22, $0x10  }
0x138: {  	v12 =	vld.idx.msk [tilespmem:v12+s22+$0x0], $0xffff;
	v58 =	vshll.u32 v23, $0x10;
	v20 =	vand.u32 $0xFFFF0000, v20;
	v21 =	vand.u32 $0xFFFF0000, v21  }
0x139: {  	v17 =	vld.idx.msk [tilespmem:v17+s22+$0x0], $0xffff;
	v22 =	vand.u32 $0xFFFF0000, v22;
	v23 =	vand.u32 $0xFFFF0000, v23;
	v61 =	vshll.u32 v27, $0x10  }
0x13a: {  	v27 =	vand.u32 $0xFFFF0000, v27;
	v63 =	vand.u32 $0xFFFF0000, v30;
	v23 =	vsub.f32 v23, v22  }
0x13b: {  	v62 =	vshll.u32 v30, $0x10;
	v21 =	vsub.f32 v21, v20;
	v31 =	vsub.f32 v63, v27  }
0x13c: {  	v25 =	vsub.f32 v25, v24;
	v28 =	vsub.f32 v28, v26;
	v23 =	vmul.f32 v23, v16  }
0x13d: {  	v19 =	vsub.f32 v19, v18;
	v30 =	vmul.f32 v21, v15;
	v21 =	vmul.f32 v31, v12  }
0x13e: {  	v60 =	vmul.f32 v28, v15;
	v25 =	vmul.f32 v25, v17;
	v34 =	vadd.f32 v22, v23  }
0x13f: {  	s10 =	sadd.s32 $0x100, s24;
	v28 =	vsub.f32 v62, v61;
	v19 =	vmul.f32 v19, v17;
	v21 =	vadd.f32 v27, v21  }
0x140: {  	v24 =	vadd.f32 v24, v25;
	[tilespmem:s10+$0xFFFFFF60] =	vst.add.f32.msk $0xffff, v34  }
0x141: {  	v32 =	vmul.f32 v28, v12;
	v18 =	vadd.f32 v18, v19;
	[tilespmem:s10+$0xFFFFFFE0] =	vst.add.f32.msk $0xffff, v21  }
0x142: {  	v25 =	vadd.f32 v26, v60;
	[tilespmem:s10+$0xFFFFFF90] =	vst.add.f32.msk $0xffff, v24  }
0x143: {  	v59 =	vsub.f32 v58, v29;
	v35 =	vadd.f32 v61, v32;
	[tilespmem:s10+$0xFFFFFFA0] =	vst.add.f32.msk $0xffff, v18  }
0x144: {  	[tilespmem:s10+$0xFFFFFF10] =	vst.add.f32.msk $0xffff, v25  }
0x145: {  	v14 =	vsub.f32 v14, v7;
	v19 =	vmul.f32 v59, v16;
	[tilespmem:s10+$0xFFFFFFD0] =	vst.add.f32.msk $0xffff, v35  }
0x146: {  	v13 =	vsub.f32 v13, v5;
	v36 =	vshll.u32 v11, $0x10;
	v33 =	vld [tilespmem:s29+$0x10]  }
0x147: {  	v11 =	vand.u32 $0xFFFF0000, v11;
	v14 =	vmul.f32 v14, v4;
	v19 =	vadd.f32 v29, v19;
	v37 =	vld [tilespmem:s28+$0x10]  }
0x148: {  	v4 =	vmul.f32 v13, v4;
	v38 =	vshll.u32 v10, $0x10;
	v18 =	vadd.f32 v20, v30;
	v46 =	vld [tilespmem:s28+$0x30]  }
0x149: {  	v10 =	vand.u32 $0xFFFF0000, v10;
	v39 =	vshll.u32 v9, $0x10;
	[tilespmem:s10+$0xFFFFFF50] =	vst.add.f32.msk $0xffff, v19;
	v19 =	vsub.f32 v36, v8  }
0x14a: {  	v11 =	vsub.f32 v11, v6;
	v9 =	vand.u32 $0xFFFF0000, v9;
	[tilespmem:s10+$0xFFFFFF20] =	vst.add.f32.msk $0xffff, v18;
	v18 =	vsub.f32 v39, v38  }
0x14b: {  	v9 =	vsub.f32 v9, v10;
	v7 =	vadd.f32 v7, v14;
	v43 =	vld [tilespmem:s28+$0xFFFFFFF0];
	v19 =	vmul.f32 v19, v2  }
0x14c: {  	v4 =	vadd.f32 v5, v4;
	v5 =	vld [tilespmem:s29+$0xFFFFFFD0];
	v2 =	vmul.f32 v11, v2;
	v18 =	vmul.f32 v18, v3  }
0x14d: {  	v44 =	vld [tilespmem:s28+$0xFFFFFFD0];
	v3 =	vmul.f32 v9, v3;
	v11 =	vshll.u32 v33, $0x10;
	v40 =	vshll.u32 v37, $0x10  }
0x14e: {  	v20 =	vand.u32 $0xFFFF0000, v33;
	v8 =	vadd.f32 v8, v19;
	v2 =	vadd.f32 v6, v2  }
0x14f: {  	[tilespmem:s24+$0xFFFFFF80] =	vst.add.f32.msk $0xffff, v4;
	v41 =	vand.u32 $0xFFFF0000, v37;
	v13 =	vadd.f32 v38, v18;
	v3 =	vadd.f32 v10, v3  }
0x150: {  	v42 =	vld [tilespmem:s29+$0xFFFFFFF0];
	v51 =	vand.u32 $0xFFFF0000, v46;
	v14 =	vsub.f32 v40, v11;
	v21 =	vsub.f32 v41, v20  }
0x151: {  	v10 =	vld [tilespmem:s29+$0x30];
	v45 =	vshll.u32 v43, $0x10;
	v4 =	vand.u32 $0xFFFF0000, v43;
	v47 =	vshll.u32 v5, $0x10  }
0x152: {  	v5 =	vand.u32 $0xFFFF0000, v5;
	[tilespmem:s24+$0xFFFFFF30] =	vst.add.f32.msk $0xffff, v8;
	v48 =	vshll.u32 v44, $0x10;
	v6 =	vmul.f32 v14, v17  }
0x153: {  	v9 =	vmul.f32 v21, v17;
	[tilespmem:s25+$0xFFFFFF40] =	vst.add.f32.msk $0xffff, v2;
	v2 =	vand.u32 $0xFFFF0000, v44;
	v49 =	vsub.f32 v48, v47  }
0x154: {  	[tilespmem:s25+$0x0] =	vst.add.f32.msk $0xffff, v3;
	v3 =	vshll.u32 v46, $0x10;
	v2 =	vsub.f32 v2, v5;
	v6 =	vadd.f32 v11, v6  }
0x155: {  	[tilespmem:s24+$0xFFFFFF70] =	vst.add.f32.msk $0xffff, v7;
	v7 =	vadd.f32 v20, v9;
	v9 =	vshll.u32 v42, $0x10;
	v11 =	vand.u32 $0xFFFF0000, v42  }
0x156: {  	v50 =	vshll.u32 v10, $0x10;
	v8 =	vsub.f32 v45, v9;
	v2 =	vmul.f32 v2, v15  }
0x157: {  	v10 =	vand.u32 $0xFFFF0000, v10;
	v4 =	vsub.f32 v4, v11;
	[tilespmem:s10+$0xFFFFFFC0] =	vst.add.f32.msk $0xffff, v7;
	v7 =	vmul.f32 v49, v15  }
0x158: {  	[tilespmem:s25+$0xFFFFFFF0] =	vst.add.f32.msk $0xffff, v13;
	v3 =	vsub.f32 v3, v50;
	v8 =	vmul.f32 v8, v16;
	v2 =	vadd.f32 v5, v2  }
0x159: {  	[tilespmem:s10+$0xFFFFFFB0] =	vst.add.f32.msk $0xffff, v6;
	v6 =	vsub.f32 v51, v10;
	v4 =	vmul.f32 v4, v16;
	v7 =	vadd.f32 v47, v7  }
0x15a: {  	v3 =	vmul.f32 v3, v12;
	v8 =	vadd.f32 v9, v8;
	[tilespmem:s10+$0xFFFFFF40] =	vst.add.f32.msk $0xffff, v2  }
0x15b: {  	v6 =	vmul.f32 v6, v12;
	v4 =	vadd.f32 v11, v4;
	[tilespmem:s10+$0xFFFFFF30] =	vst.add.f32.msk $0xffff, v7  }
0x15c: {  	v3 =	vadd.f32 v50, v3;
	[tilespmem:s10+$0xFFFFFF70] =	vst.add.f32.msk $0xffff, v8  }
0x15d: {  	[tilespmem:s10+$0xFFFFFF80] =	vst.add.f32.msk $0xffff, v4;
	v4 =	vadd.f32 v10, v6  }
0x15e: {  	s24 =	sshll.u32 @!p1 s23, $0x9;
	[tilespmem:s10+$0xFFFFFFF0] =	vst.add.f32.msk $0xffff, v3  }
0x15f: {  	s17 =	simm.s32 @!p1 $0x80;
	s0 =	sor.u32 @!p1 $0x2410, s24;
	s25 =	simm.s32 @!p1 $0x3010;
	[tilespmem:s10+$0x0] =	vst.add.f32.msk $0xffff, v4  }
0x160: {  	[tilespmem:s25], [sflag:$0x2] =	stream.indirect.gather @!p1 [hbm4b:s6+s17], $0x20, s0, s17, $0xb8;
	[tilespmem:$0x1B010] =	vst v63  }
0x161: {  	s0 =	sor.u32 @!p1 $0x2810, s24;
	s25 =	simm.s32 @!p1 $0x7010  }
0x162: {  	[tilespmem:s25], [sflag:$0x3] =	stream.indirect.gather @!p1 [hbm4b:s6+s17], $0x20, s0, s17, $0xb8;
	[tilespmem:$0x1B010] =	vst v63  }
0x163: {  	s11 =	simm.s32 $0x82;
	_ =	swait.ge [sflag:s4], $0x1000  }
0x164: {  	v2 =	vmov s11;
	[sflag:s4] =	ssyncset.done $0x0  }
0x165: {  	v2 =	vand.u32 $0xFFFFFFFE, v2;
	[sflag:s4] =	ssyncadd.s32 $0xFFFFF000  }
0x166: {  	v2 =	vbroadcast v2, $0x0;
	_ =	swait.ge [sflag:s14], $0x1000  }
0x167: {  	[sflag:s14] =	ssyncset.done $0x0  }
0x168: {  	s26 =	simm.s32 $0x4080;
	[sflag:s14] =	ssyncadd.s32 $0xFFFFF000  }
0x169: {  	s25 =	simm.s32 $0x8080;
	v3 =	vld [tilespmem:s26+$0xFFFFFFD0]  }
0x16a: {  	s17 =	simm.s32 $0x80;
	v4 =	vld [tilespmem:s25+$0xFFFFFFD0]  }
0x16b: {  	v5 =	vmov s17;
	v6 =	vld [tilespmem:s26+$0xFFFFFF90]  }
0x16c: {  	s18 =	simm.s32 $0x81;
	v5 =	vand.u32 $0xFFFFFFFC, v5;
	v8 =	vld.idx.msk [tilespmem:v2+s22+$0x0], $0xffff  }
0x16d: {  	s19 =	simm.s32 $0x83;
	v7 =	vmov s18;
	v5 =	vbroadcast v5, $0x0;
	v9 =	vld [tilespmem:s25+$0xFFFFFF90]  }
0x16e: {  	v2 =	vand.u32 $0xFFFFFFFD, v7;
	v7 =	vmov s19;
	v53 =	vld [tilespmem:s25+$0xFFFFFFB0]  }
0x16f: {  	v55 =	vld [tilespmem:s26+$0xFFFFFFF0];
	v10 =	vbroadcast v2, $0x0;
	v52 =	vshll.u32 v3, $0x10;
	v2 =	vshll.u32 v4, $0x10  }
0x170: {  	v57 =	vld [tilespmem:s25+$0xFFFFFFF0];
	v54 =	vand.u32 $0xFFFF0000, v3;
	v3 =	vand.u32 $0xFFFF0000, v4;
	v2 =	vsub.f32 v2, v52  }
0x171: {  	v3 =	vsub.f32 v3, v54  }
0x172: {  	v11 =	vld [tilespmem:s26+$0xFFFFFFB0];
	v56 =	vshll.u32 v6, $0x10;
	v6 =	vand.u32 $0xFFFF0000, v6;
	v58 =	vmul.f32 v2, v8  }
0x173: {  	v4 =	vld.idx.msk [tilespmem:v5+s22+$0x0], $0xffff;
	v5 =	vshll.u32 v9, $0x10;
	v9 =	vand.u32 $0xFFFF0000, v9;
	v59 =	vmul.f32 v3, v8  }
0x174: {  	v13 =	vand.u32 $0xFFFF0000, v53;
	v60 =	vshll.u32 v55, $0x10;
	v2 =	vld.idx.msk [tilespmem:v7+s22+$0x0], $0xffff;
	v12 =	vadd.f32 v52, v58  }
0x175: {  	s28 =	simm.s32 $0xD010;
	v15 =	vand.u32 $0xFFFF0000, v55;
	v61 =	vshll.u32 v57, $0x10;
	v3 =	vld.idx.msk [tilespmem:v10+s22+$0x0], $0xffff;
	v14 =	vadd.f32 v54, v59  }
0x176: {  	v17 =	vand.u32 $0xFFFF0000, v57;
	v5 =	vsub.f32 v5, v56;
	v9 =	vsub.f32 v9, v6;
	[tilespmem:s28+$0x80] =	vst.add.f32.msk $0xffff, v12  }
0x177: {  	v7 =	vshll.u32 v11, $0x10;
	v11 =	vand.u32 $0xFFFF0000, v11;
	v10 =	vshll.u32 v53, $0x10;
	[tilespmem:s28+$0x90] =	vst.add.f32.msk $0xffff, v14  }
0x178: {  	v10 =	vsub.f32 v10, v7;
	v13 =	vsub.f32 v13, v11;
	v5 =	vmul.f32 v5, v4;
	v14 =	vld [tilespmem:s26+$0xFFFFFFE0]  }
0x179: {  	v17 =	vsub.f32 v17, v15;
	v9 =	vmul.f32 v9, v4;
	v12 =	vsub.f32 v61, v60;
	v62 =	vld [tilespmem:s25+$0xFFFFFFE0]  }
0x17a: {  	v5 =	vadd.f32 v56, v5;
	v10 =	vmul.f32 v10, v3;
	v13 =	vmul.f32 v13, v3  }
0x17b: {  	v6 =	vadd.f32 v6, v9;
	v9 =	vmul.f32 v17, v2;
	v12 =	vmul.f32 v12, v2  }
0x17c: {  	[tilespmem:s28+$0x0] =	vst.add.f32.msk $0xffff, v5;
	v7 =	vadd.f32 v7, v10;
	v10 =	vadd.f32 v11, v13  }
0x17d: {  	[tilespmem:s28+$0x10] =	vst.add.f32.msk $0xffff, v6;
	v9 =	vadd.f32 v15, v9;
	v11 =	vadd.f32 v60, v12;
	v5 =	vshll.u32 v14, $0x10  }
0x17e: {  	[tilespmem:s28+$0x40] =	vst.add.f32.msk $0xffff, v7;
	v7 =	vshll.u32 v62, $0x10;
	v6 =	vand.u32 $0xFFFF0000, v14;
	v63 =	vand.u32 $0xFFFF0000, v62  }
0x17f: {  	[tilespmem:s28+$0x50] =	vst.add.f32.msk $0xffff, v10;
	v7 =	vsub.f32 v7, v5;
	v10 =	vsub.f32 v63, v6  }
0x180: {  	[tilespmem:s28+$0xD0] =	vst.add.f32.msk $0xffff, v9  }
0x181: {  	s30 =	simm.s32 $0x0;
	s29 =	simm.s32 $0xD010;
	[tilespmem:s28+$0xC0] =	vst.add.f32.msk $0xffff, v11;
	v7 =	vmul.f32 v7, v8;
	v8 =	vmul.f32 v10, v8  }
.LBB2_13:
0x182: {  	s0 =	sadd.s32 $0x84, s30;
	v9 =	vld [tilespmem:s26+$0xFFFFFFA0]  }
0x183: {  	v10 =	vmov s0;
	s0 =	sadd.s32 $0x85, s30;
	v11 =	vld [tilespmem:s25+$0xFFFFFFA0];
	v5 =	vadd.f32 v5, v7;
	v6 =	vadd.f32 v6, v8  }
0x184: {  	v7 =	vand.u32 $0xFFFFFFFC, v10;
	v8 =	vmov s0;
	s0 =	sadd.s32 $0x87, s30;
	v10 =	vld [tilespmem:s26+$0xFFFFFFC0]  }
0x185: {  	v7 =	vbroadcast v7, $0x0;
	v8 =	vand.u32 $0xFFFFFFFD, v8;
	v12 =	vmov s0;
	[tilespmem:s28+$0xB0] =	vst.add.f32.msk $0xffff, v6  }
0x186: {  	v6 =	vbroadcast v8, $0x0;
	v8 =	vld [tilespmem:s25+$0xFFFFFFC0]  }
0x187: {  	s0 =	sadd.s32 $0x86, s30;
	v13 =	vshll.u32 v9, $0x10;
	v9 =	vand.u32 $0xFFFF0000, v9;
	v14 =	vld [tilespmem:s26+$0x0]  }
0x188: {  	v15 =	vmov s0;
	v16 =	vshll.u32 v11, $0x10;
	v11 =	vand.u32 $0xFFFF0000, v11;
	v17 =	vld [tilespmem:s25+$0x0]  }
0x189: {  	s30 =	sadd.s32 $0x4, s30;
	v15 =	vand.u32 $0xFFFFFFFE, v15;
	v18 =	vshll.u32 v10, $0x10;
	v10 =	vand.u32 $0xFFFF0000, v10;
	[tilespmem:s28+$0xA0] =	vst.add.f32.msk $0xffff, v5  }
0x18a: {  	p2 =	slt.u32 s30, $0x7C;
	v5 =	vbroadcast v15, $0x0;
	v15 =	vsub.f32 v16, v13;
	v11 =	vsub.f32 v11, v9;
	v12 =	vld.idx.msk [tilespmem:v12+s22+$0x0], $0xffff  }
0x18b: {  	v7 =	vld.idx.msk [tilespmem:v7+s22+$0x0], $0xffff;
	v16 =	vshll.u32 v8, $0x10;
	v8 =	vand.u32 $0xFFFF0000, v8  }
0x18c: {  	s26 =	sadd.s32 $0x80, s26;
	v6 =	vld.idx.msk [tilespmem:v6+s22+$0x0], $0xffff;
	v16 =	vsub.f32 v16, v18;
	v19 =	vshll.u32 v14, $0x10;
	v14 =	vand.u32 $0xFFFF0000, v14  }
0x18d: {  	s25 =	sadd.s32 $0x80, s25;
	v8 =	vsub.f32 v8, v10;
	v20 =	vld [tilespmem:s26+$0xFFFFFFD0];
	v21 =	vshll.u32 v17, $0x10;
	v17 =	vand.u32 $0xFFFF0000, v17  }
0x18e: {  	v15 =	vmul.f32 v15, v4;
	v22 =	vld [tilespmem:s25+$0xFFFFFFD0];
	v21 =	vsub.f32 v21, v19;
	v17 =	vsub.f32 v17, v14  }
0x18f: {  	v24 =	vmul.f32 v11, v4;
	v11 =	vmul.f32 v16, v3;
	v23 =	vld [tilespmem:s26+$0xFFFFFF90]  }
0x190: {  	v25 =	vmul.f32 v8, v3;
	v16 =	vld.idx.msk [tilespmem:v5+s22+$0x0], $0xffff;
	v5 =	vadd.f32 v13, v15;
	v8 =	vmul.f32 v21, v2  }
0x191: {  	v9 =	vadd.f32 v9, v24;
	v11 =	vadd.f32 v18, v11;
	v15 =	vmul.f32 v17, v2;
	v2 =	vmovc v12;
	v13 =	vld [tilespmem:s25+$0xFFFFFF90]  }
0x192: {  	v10 =	vadd.f32 v10, v25;
	v4 =	vmovc v7;
	v3 =	vmov v6;
	v12 =	vld [tilespmem:s26+$0xFFFFFFB0];
	v8 =	vadd.f32 v19, v8  }
0x193: {  	v7 =	vshll.u32 v20, $0x10;
	v14 =	vadd.f32 v14, v15;
	v6 =	vld [tilespmem:s25+$0xFFFFFFB0];
	v17 =	vshll.u32 v22, $0x10  }
0x194: {  	v18 =	vand.u32 $0xFFFF0000, v22;
	v15 =	vsub.f32 v17, v7;
	v17 =	vand.u32 $0xFFFF0000, v20;
	v19 =	vld [tilespmem:s26+$0xFFFFFFF0]  }
0x195: {  	v20 =	vshll.u32 v23, $0x10;
	v21 =	vand.u32 $0xFFFF0000, v23;
	v18 =	vsub.f32 v18, v17;
	v22 =	vld [tilespmem:s25+$0xFFFFFFF0]  }
0x196: {  	v23 =	vshll.u32 v13, $0x10;
	v13 =	vand.u32 $0xFFFF0000, v13;
	v15 =	vmul.f32 v15, v16;
	[tilespmem:s28+$0x20] =	vst.add.f32.msk $0xffff, v5  }
0x197: {  	v5 =	vshll.u32 v12, $0x10;
	v12 =	vand.u32 $0xFFFF0000, v12;
	v18 =	vmul.f32 v18, v16;
	[tilespmem:s28+$0x30] =	vst.add.f32.msk $0xffff, v9  }
0x198: {  	v9 =	vshll.u32 v6, $0x10;
	v6 =	vand.u32 $0xFFFF0000, v6;
	v7 =	vadd.f32 v7, v15;
	[tilespmem:s28+$0x60] =	vst.add.f32.msk $0xffff, v11  }
0x199: {  	s28 =	sadd.s32 $0x100, s28;
	v11 =	vadd.f32 v17, v18;
	v15 =	vshll.u32 v19, $0x10;
	v17 =	vand.u32 $0xFFFF0000, v19;
	[tilespmem:s29+$0x70] =	vst.add.f32.msk $0xffff, v10  }
0x19a: {  	v10 =	vsub.f32 v23, v20;
	[tilespmem:s28+$0x80] =	vst.add.f32.msk $0xffff, v7;
	v7 =	vshll.u32 v22, $0x10;
	v18 =	vand.u32 $0xFFFF0000, v22  }
0x19b: {  	v13 =	vsub.f32 v13, v21;
	v9 =	vsub.f32 v9, v5;
	[tilespmem:s28+$0x90] =	vst.add.f32.msk $0xffff, v11  }
0x19c: {  	v6 =	vsub.f32 v6, v12;
	v10 =	vmul.f32 v10, v4;
	v7 =	vsub.f32 v7, v15;
	v11 =	vld [tilespmem:s26+$0xFFFFFFE0]  }
0x19d: {  	v13 =	vmul.f32 v13, v4;
	v9 =	vmul.f32 v9, v3;
	v18 =	vsub.f32 v18, v17;
	v19 =	vld [tilespmem:s25+$0xFFFFFFE0]  }
0x19e: {  	v6 =	vmul.f32 v6, v3;
	v10 =	vadd.f32 v20, v10;
	v7 =	vmul.f32 v7, v2;
	[tilespmem:s29+$0xE0] =	vst.add.f32.msk $0xffff, v8  }
0x19f: {  	v9 =	vadd.f32 v5, v9;
	v8 =	vadd.f32 v21, v13;
	v13 =	vmul.f32 v18, v2;
	[tilespmem:s29+$0xF0] =	vst.add.f32.msk $0xffff, v14;
	s29 =	smov.u32 s28  }
0x1a0: {  	v7 =	vadd.f32 v15, v7;
	[tilespmem:s28+$0x0] =	vst.add.f32.msk $0xffff, v10;
	v10 =	vadd.f32 v12, v6  }
.Ltmp5:
0x1a1: {  	v12 =	vadd.f32 v17, v13;
	[tilespmem:s28+$0x10] =	vst.add.f32.msk $0xffff, v8;
	v5 =	vshll.u32 v11, $0x10;
	(pc) =	sbr.rel @p2 .LBB2_13-.Ltmp5, $4  }
0x1a2: {  	v6 =	vand.u32 $0xFFFF0000, v11;
	[tilespmem:s28+$0x40] =	vst.add.f32.msk $0xffff, v9;
	v8 =	vshll.u32 v19, $0x10;
	v9 =	vand.u32 $0xFFFF0000, v19  }
0x1a3: {  	[tilespmem:s28+$0x50] =	vst.add.f32.msk $0xffff, v10;
	v8 =	vsub.f32 v8, v5;
	v9 =	vsub.f32 v9, v6  }
0x1a4: {  	[tilespmem:s28+$0xC0] =	vst.add.f32.msk $0xffff, v7  }
0x1a5: {  	v7 =	vmul.f32 v8, v16;
	v8 =	vmul.f32 v9, v16;
	[tilespmem:s28+$0xD0] =	vst.add.f32.msk $0xffff, v12  }
0x1a6: {  	v9 =	vld [tilespmem:s26+$0xFFFFFFA0]  }
0x1a7: {  	v10 =	vld [tilespmem:s25+$0xFFFFFFA0]  }
0x1a8: {  	v11 =	vld [tilespmem:s26+$0xFFFFFFC0]  }
0x1a9: {  	v12 =	vld [tilespmem:s25+$0xFFFFFFC0]  }
0x1aa: {  	v13 =	vld [tilespmem:s26+$0x0]  }
0x1ab: {  	v14 =	vld [tilespmem:s25+$0x0]  }
0x1ac: {  	v5 =	vadd.f32 v5, v7;
	v6 =	vadd.f32 v6, v8;
	v7 =	vshll.u32 v9, $0x10  }
0x1ad: {  	v8 =	vand.u32 $0xFFFF0000, v9;
	v9 =	vshll.u32 v10, $0x10;
	v10 =	vand.u32 $0xFFFF0000, v10  }
0x1ae: {  	v15 =	vshll.u32 v11, $0x10;
	v11 =	vand.u32 $0xFFFF0000, v11;
	v16 =	vshll.u32 v12, $0x10  }
0x1af: {  	v12 =	vand.u32 $0xFFFF0000, v12;
	v17 =	vshll.u32 v13, $0x10;
	v9 =	vsub.f32 v9, v7  }
0x1b0: {  	v13 =	vand.u32 $0xFFFF0000, v13;
	v18 =	vshll.u32 v14, $0x10;
	v10 =	vsub.f32 v10, v8  }
0x1b1: {  	[tilespmem:s28+$0xB0] =	vst.add.f32.msk $0xffff, v6;
	v14 =	vand.u32 $0xFFFF0000, v14;
	v16 =	vsub.f32 v16, v15;
	v9 =	vmul.f32 v9, v4  }
0x1b2: {  	[tilespmem:s28+$0xA0] =	vst.add.f32.msk $0xffff, v5;
	v6 =	vsub.f32 v18, v17;
	v5 =	vsub.f32 v14, v13;
	v4 =	vmul.f32 v10, v4  }
0x1b3: {  	v12 =	vsub.f32 v12, v11;
	v10 =	vmul.f32 v16, v3;
	v7 =	vadd.f32 v7, v9  }
0x1b4: {  	v6 =	vmul.f32 v6, v2;
	v2 =	vmul.f32 v5, v2;
	v4 =	vadd.f32 v8, v4  }
0x1b5: {  	v3 =	vmul.f32 v12, v3;
	v8 =	vadd.f32 v15, v10;
	[tilespmem:s28+$0x20] =	vst.add.f32.msk $0xffff, v7  }
0x1b6: {  	v2 =	vadd.f32 v13, v2;
	[tilespmem:s28+$0x30] =	vst.add.f32.msk $0xffff, v4  }
0x1b7: {  	v3 =	vadd.f32 v11, v3;
	[tilespmem:s28+$0x60] =	vst.add.f32.msk $0xffff, v8  }
0x1b8: {  	v4 =	vadd.f32 v17, v6;
	[tilespmem:s29+$0xF0] =	vst.add.f32.msk $0xffff, v2  }
0x1b9: {  	[tilespmem:s29+$0x70] =	vst.add.f32.msk $0xffff, v3  }
0x1ba: {  	s0 =	sor.u32 @!p1 $0x2490, s24;
	s17 =	simm.s32 @!p1 $0x80;
	s25 =	simm.s32 @!p1 $0x4010;
	[tilespmem:s29+$0xE0] =	vst.add.f32.msk $0xffff, v4  }
0x1bb: {  	[tilespmem:s25], [sflag:$0x2] =	stream.indirect.gather @!p1 [hbm4b:s6+s17], $0x20, s0, s17, $0xb8;
	[tilespmem:$0x1B010] =	vst v63  }
0x1bc: {  	s0 =	sor.u32 @!p1 $0x2890, s24;
	s25 =	simm.s32 @!p1 $0x8010  }
0x1bd: {  	[tilespmem:s25], [sflag:$0x3] =	stream.indirect.gather @!p1 [hbm4b:s6+s17], $0x20, s0, s17, $0xb8;
	[tilespmem:$0x1B010] =	vst v63  }
0x1be: {  	s11 =	simm.s32 $0x102;
	_ =	swait.ge [sflag:s4], $0x1000  }
0x1bf: {  	v2 =	vmov s11;
	[sflag:s4] =	ssyncset.done $0x0  }
0x1c0: {  	v2 =	vand.u32 $0xFFFFFFFE, v2;
	[sflag:s4] =	ssyncadd.s32 $0xFFFFF000  }
0x1c1: {  	v2 =	vbroadcast v2, $0x0;
	_ =	swait.ge [sflag:s14], $0x1000  }
0x1c2: {  	[sflag:s14] =	ssyncset.done $0x0  }
0x1c3: {  	s26 =	simm.s32 $0x5080;
	[sflag:s14] =	ssyncadd.s32 $0xFFFFF000  }
0x1c4: {  	s25 =	simm.s32 $0x9080;
	v3 =	vld [tilespmem:s26+$0xFFFFFFD0]  }
0x1c5: {  	s17 =	simm.s32 $0x100;
	v4 =	vld [tilespmem:s25+$0xFFFFFFD0]  }
0x1c6: {  	v5 =	vmov s17;
	v6 =	vld [tilespmem:s26+$0xFFFFFF90]  }
0x1c7: {  	s18 =	simm.s32 $0x101;
	v5 =	vand.u32 $0xFFFFFFFC, v5;
	v8 =	vld.idx.msk [tilespmem:v2+s22+$0x0], $0xffff  }
0x1c8: {  	s19 =	simm.s32 $0x103;
	v7 =	vmov s18;
	v5 =	vbroadcast v5, $0x0;
	v9 =	vld [tilespmem:s25+$0xFFFFFF90]  }
0x1c9: {  	v2 =	vand.u32 $0xFFFFFFFD, v7;
	v7 =	vmov s19;
	v54 =	vld [tilespmem:s25+$0xFFFFFFB0]  }
0x1ca: {  	v56 =	vld [tilespmem:s26+$0xFFFFFFF0];
	v10 =	vbroadcast v2, $0x0;
	v53 =	vshll.u32 v3, $0x10;
	v2 =	vshll.u32 v4, $0x10  }
0x1cb: {  	v58 =	vld [tilespmem:s25+$0xFFFFFFF0];
	v55 =	vand.u32 $0xFFFF0000, v3;
	v3 =	vand.u32 $0xFFFF0000, v4;
	v2 =	vsub.f32 v2, v53  }
0x1cc: {  	v3 =	vsub.f32 v3, v55  }
0x1cd: {  	v11 =	vld [tilespmem:s26+$0xFFFFFFB0];
	v57 =	vshll.u32 v6, $0x10;
	v6 =	vand.u32 $0xFFFF0000, v6;
	v59 =	vmul.f32 v2, v8  }
0x1ce: {  	v4 =	vld.idx.msk [tilespmem:v5+s22+$0x0], $0xffff;
	v5 =	vshll.u32 v9, $0x10;
	v9 =	vand.u32 $0xFFFF0000, v9;
	v19 =	vmul.f32 v3, v8  }
0x1cf: {  	v13 =	vand.u32 $0xFFFF0000, v54;
	v60 =	vshll.u32 v56, $0x10;
	v2 =	vld.idx.msk [tilespmem:v7+s22+$0x0], $0xffff;
	v12 =	vadd.f32 v53, v59  }
0x1d0: {  	s28 =	simm.s32 $0xF010;
	v15 =	vand.u32 $0xFFFF0000, v56;
	v61 =	vshll.u32 v58, $0x10;
	v3 =	vld.idx.msk [tilespmem:v10+s22+$0x0], $0xffff;
	v14 =	vadd.f32 v55, v19  }
0x1d1: {  	v17 =	vand.u32 $0xFFFF0000, v58;
	v5 =	vsub.f32 v5, v57;
	v9 =	vsub.f32 v9, v6;
	[tilespmem:s28+$0x80] =	vst.add.f32.msk $0xffff, v12  }
0x1d2: {  	v7 =	vshll.u32 v11, $0x10;
	v11 =	vand.u32 $0xFFFF0000, v11;
	v10 =	vshll.u32 v54, $0x10;
	[tilespmem:s28+$0x90] =	vst.add.f32.msk $0xffff, v14  }
0x1d3: {  	v10 =	vsub.f32 v10, v7;
	v13 =	vsub.f32 v13, v11;
	v5 =	vmul.f32 v5, v4;
	v14 =	vld [tilespmem:s26+$0xFFFFFFE0]  }
0x1d4: {  	v17 =	vsub.f32 v17, v15;
	v9 =	vmul.f32 v9, v4;
	v12 =	vsub.f32 v61, v60;
	v62 =	vld [tilespmem:s25+$0xFFFFFFE0]  }
0x1d5: {  	v5 =	vadd.f32 v57, v5;
	v10 =	vmul.f32 v10, v3;
	v13 =	vmul.f32 v13, v3  }
0x1d6: {  	v6 =	vadd.f32 v6, v9;
	v9 =	vmul.f32 v17, v2;
	v12 =	vmul.f32 v12, v2  }
0x1d7: {  	[tilespmem:s28+$0x0] =	vst.add.f32.msk $0xffff, v5;
	v7 =	vadd.f32 v7, v10;
	v10 =	vadd.f32 v11, v13  }
0x1d8: {  	[tilespmem:s28+$0x10] =	vst.add.f32.msk $0xffff, v6;
	v9 =	vadd.f32 v15, v9;
	v11 =	vadd.f32 v60, v12;
	v5 =	vshll.u32 v14, $0x10  }
0x1d9: {  	[tilespmem:s28+$0x40] =	vst.add.f32.msk $0xffff, v7;
	v7 =	vshll.u32 v62, $0x10;
	v6 =	vand.u32 $0xFFFF0000, v14;
	v63 =	vand.u32 $0xFFFF0000, v62  }
0x1da: {  	[tilespmem:s28+$0x50] =	vst.add.f32.msk $0xffff, v10;
	v7 =	vsub.f32 v7, v5;
	v10 =	vsub.f32 v63, v6  }
0x1db: {  	[tilespmem:s28+$0xD0] =	vst.add.f32.msk $0xffff, v9  }
0x1dc: {  	s30 =	simm.s32 $0x0;
	s29 =	simm.s32 $0xF010;
	[tilespmem:s28+$0xC0] =	vst.add.f32.msk $0xffff, v11;
	v7 =	vmul.f32 v7, v8;
	v8 =	vmul.f32 v10, v8  }
.LBB2_15:
0x1dd: {  	s0 =	sadd.s32 $0x104, s30;
	v9 =	vld [tilespmem:s26+$0xFFFFFFA0]  }
0x1de: {  	v10 =	vmov s0;
	s0 =	sadd.s32 $0x105, s30;
	v11 =	vld [tilespmem:s25+$0xFFFFFFA0];
	v5 =	vadd.f32 v5, v7;
	v6 =	vadd.f32 v6, v8  }
0x1df: {  	v7 =	vand.u32 $0xFFFFFFFC, v10;
	v8 =	vmov s0;
	s0 =	sadd.s32 $0x107, s30;
	v10 =	vld [tilespmem:s26+$0xFFFFFFC0]  }
0x1e0: {  	v7 =	vbroadcast v7, $0x0;
	v8 =	vand.u32 $0xFFFFFFFD, v8;
	v12 =	vmov s0;
	[tilespmem:s28+$0xB0] =	vst.add.f32.msk $0xffff, v6  }
0x1e1: {  	v6 =	vbroadcast v8, $0x0;
	v8 =	vld [tilespmem:s25+$0xFFFFFFC0]  }
0x1e2: {  	s0 =	sadd.s32 $0x106, s30;
	v13 =	vshll.u32 v9, $0x10;
	v9 =	vand.u32 $0xFFFF0000, v9;
	v14 =	vld [tilespmem:s26+$0x0]  }
0x1e3: {  	v15 =	vmov s0;
	v16 =	vshll.u32 v11, $0x10;
	v11 =	vand.u32 $0xFFFF0000, v11;
	v17 =	vld [tilespmem:s25+$0x0]  }
0x1e4: {  	s30 =	sadd.s32 $0x4, s30;
	v15 =	vand.u32 $0xFFFFFFFE, v15;
	v18 =	vshll.u32 v10, $0x10;
	v10 =	vand.u32 $0xFFFF0000, v10;
	[tilespmem:s28+$0xA0] =	vst.add.f32.msk $0xffff, v5  }
0x1e5: {  	p2 =	slt.u32 s30, $0x7C;
	v5 =	vbroadcast v15, $0x0;
	v15 =	vsub.f32 v16, v13;
	v11 =	vsub.f32 v11, v9;
	v12 =	vld.idx.msk [tilespmem:v12+s22+$0x0], $0xffff  }
0x1e6: {  	v7 =	vld.idx.msk [tilespmem:v7+s22+$0x0], $0xffff;
	v16 =	vshll.u32 v8, $0x10;
	v8 =	vand.u32 $0xFFFF0000, v8  }
0x1e7: {  	s26 =	sadd.s32 $0x80, s26;
	v6 =	vld.idx.msk [tilespmem:v6+s22+$0x0], $0xffff;
	v16 =	vsub.f32 v16, v18;
	v19 =	vshll.u32 v14, $0x10;
	v14 =	vand.u32 $0xFFFF0000, v14  }
0x1e8: {  	s25 =	sadd.s32 $0x80, s25;
	v8 =	vsub.f32 v8, v10;
	v20 =	vld [tilespmem:s26+$0xFFFFFFD0];
	v21 =	vshll.u32 v17, $0x10;
	v17 =	vand.u32 $0xFFFF0000, v17  }
0x1e9: {  	v15 =	vmul.f32 v15, v4;
	v22 =	vld [tilespmem:s25+$0xFFFFFFD0];
	v21 =	vsub.f32 v21, v19;
	v17 =	vsub.f32 v17, v14  }
0x1ea: {  	v24 =	vmul.f32 v11, v4;
	v11 =	vmul.f32 v16, v3;
	v23 =	vld [tilespmem:s26+$0xFFFFFF90]  }
0x1eb: {  	v25 =	vmul.f32 v8, v3;
	v16 =	vld.idx.msk [tilespmem:v5+s22+$0x0], $0xffff;
	v5 =	vadd.f32 v13, v15;
	v8 =	vmul.f32 v21, v2  }
0x1ec: {  	v9 =	vadd.f32 v9, v24;
	v11 =	vadd.f32 v18, v11;
	v15 =	vmul.f32 v17, v2;
	v2 =	vmovc v12;
	v13 =	vld [tilespmem:s25+$0xFFFFFF90]  }
0x1ed: {  	v10 =	vadd.f32 v10, v25;
	v4 =	vmovc v7;
	v3 =	vmov v6;
	v12 =	vld [tilespmem:s26+$0xFFFFFFB0];
	v8 =	vadd.f32 v19, v8  }
0x1ee: {  	v7 =	vshll.u32 v20, $0x10;
	v14 =	vadd.f32 v14, v15;
	v6 =	vld [tilespmem:s25+$0xFFFFFFB0];
	v17 =	vshll.u32 v22, $0x10  }
0x1ef: {  	v18 =	vand.u32 $0xFFFF0000, v22;
	v15 =	vsub.f32 v17, v7;
	v17 =	vand.u32 $0xFFFF0000, v20;
	v19 =	vld [tilespmem:s26+$0xFFFFFFF0]  }
0x1f0: {  	v20 =	vshll.u32 v23, $0x10;
	v21 =	vand.u32 $0xFFFF0000, v23;
	v18 =	vsub.f32 v18, v17;
	v22 =	vld [tilespmem:s25+$0xFFFFFFF0]  }
0x1f1: {  	v23 =	vshll.u32 v13, $0x10;
	v13 =	vand.u32 $0xFFFF0000, v13;
	v15 =	vmul.f32 v15, v16;
	[tilespmem:s28+$0x20] =	vst.add.f32.msk $0xffff, v5  }
0x1f2: {  	v5 =	vshll.u32 v12, $0x10;
	v12 =	vand.u32 $0xFFFF0000, v12;
	v18 =	vmul.f32 v18, v16;
	[tilespmem:s28+$0x30] =	vst.add.f32.msk $0xffff, v9  }
0x1f3: {  	v9 =	vshll.u32 v6, $0x10;
	v6 =	vand.u32 $0xFFFF0000, v6;
	v7 =	vadd.f32 v7, v15;
	[tilespmem:s28+$0x60] =	vst.add.f32.msk $0xffff, v11  }
0x1f4: {  	s28 =	sadd.s32 $0x100, s28;
	v11 =	vadd.f32 v17, v18;
	v15 =	vshll.u32 v19, $0x10;
	v17 =	vand.u32 $0xFFFF0000, v19;
	[tilespmem:s29+$0x70] =	vst.add.f32.msk $0xffff, v10  }
0x1f5: {  	v10 =	vsub.f32 v23, v20;
	[tilespmem:s28+$0x80] =	vst.add.f32.msk $0xffff, v7;
	v7 =	vshll.u32 v22, $0x10;
	v18 =	vand.u32 $0xFFFF0000, v22  }
0x1f6: {  	v13 =	vsub.f32 v13, v21;
	v9 =	vsub.f32 v9, v5;
	[tilespmem:s28+$0x90] =	vst.add.f32.msk $0xffff, v11  }
0x1f7: {  	v6 =	vsub.f32 v6, v12;
	v10 =	vmul.f32 v10, v4;
	v7 =	vsub.f32 v7, v15;
	v11 =	vld [tilespmem:s26+$0xFFFFFFE0]  }
0x1f8: {  	v13 =	vmul.f32 v13, v4;
	v9 =	vmul.f32 v9, v3;
	v18 =	vsub.f32 v18, v17;
	v19 =	vld [tilespmem:s25+$0xFFFFFFE0]  }
0x1f9: {  	v6 =	vmul.f32 v6, v3;
	v10 =	vadd.f32 v20, v10;
	v7 =	vmul.f32 v7, v2;
	[tilespmem:s29+$0xE0] =	vst.add.f32.msk $0xffff, v8  }
0x1fa: {  	v9 =	vadd.f32 v5, v9;
	v8 =	vadd.f32 v21, v13;
	v13 =	vmul.f32 v18, v2;
	[tilespmem:s29+$0xF0] =	vst.add.f32.msk $0xffff, v14;
	s29 =	smov.u32 s28  }
0x1fb: {  	v7 =	vadd.f32 v15, v7;
	[tilespmem:s28+$0x0] =	vst.add.f32.msk $0xffff, v10;
	v10 =	vadd.f32 v12, v6  }
.Ltmp6:
0x1fc: {  	v12 =	vadd.f32 v17, v13;
	[tilespmem:s28+$0x10] =	vst.add.f32.msk $0xffff, v8;
	v5 =	vshll.u32 v11, $0x10;
	(pc) =	sbr.rel @p2 .LBB2_15-.Ltmp6, $4  }
0x1fd: {  	v6 =	vand.u32 $0xFFFF0000, v11;
	[tilespmem:s28+$0x40] =	vst.add.f32.msk $0xffff, v9;
	v8 =	vshll.u32 v19, $0x10;
	v9 =	vand.u32 $0xFFFF0000, v19  }
0x1fe: {  	[tilespmem:s28+$0x50] =	vst.add.f32.msk $0xffff, v10;
	v8 =	vsub.f32 v8, v5;
	v9 =	vsub.f32 v9, v6  }
0x1ff: {  	[tilespmem:s28+$0xC0] =	vst.add.f32.msk $0xffff, v7  }
0x200: {  	v7 =	vmul.f32 v8, v16;
	v8 =	vmul.f32 v9, v16;
	[tilespmem:s28+$0xD0] =	vst.add.f32.msk $0xffff, v12  }
0x201: {  	v9 =	vld [tilespmem:s26+$0xFFFFFFA0]  }
0x202: {  	v10 =	vld [tilespmem:s25+$0xFFFFFFA0]  }
0x203: {  	v11 =	vld [tilespmem:s26+$0xFFFFFFC0]  }
0x204: {  	v12 =	vld [tilespmem:s25+$0xFFFFFFC0]  }
0x205: {  	v13 =	vld [tilespmem:s26+$0x0]  }
0x206: {  	v14 =	vld [tilespmem:s25+$0x0]  }
0x207: {  	v5 =	vadd.f32 v5, v7;
	v6 =	vadd.f32 v6, v8;
	v7 =	vshll.u32 v9, $0x10  }
0x208: {  	v8 =	vand.u32 $0xFFFF0000, v9;
	v9 =	vshll.u32 v10, $0x10;
	v10 =	vand.u32 $0xFFFF0000, v10  }
0x209: {  	v15 =	vshll.u32 v11, $0x10;
	v11 =	vand.u32 $0xFFFF0000, v11;
	v16 =	vshll.u32 v12, $0x10  }
0x20a: {  	v12 =	vand.u32 $0xFFFF0000, v12;
	v17 =	vshll.u32 v13, $0x10;
	v9 =	vsub.f32 v9, v7  }
0x20b: {  	v13 =	vand.u32 $0xFFFF0000, v13;
	v18 =	vshll.u32 v14, $0x10;
	v10 =	vsub.f32 v10, v8  }
0x20c: {  	[tilespmem:s28+$0xB0] =	vst.add.f32.msk $0xffff, v6;
	v14 =	vand.u32 $0xFFFF0000, v14;
	v16 =	vsub.f32 v16, v15;
	v9 =	vmul.f32 v9, v4  }
0x20d: {  	[tilespmem:s28+$0xA0] =	vst.add.f32.msk $0xffff, v5;
	v6 =	vsub.f32 v18, v17;
	v5 =	vsub.f32 v14, v13;
	v4 =	vmul.f32 v10, v4  }
0x20e: {  	v12 =	vsub.f32 v12, v11;
	v10 =	vmul.f32 v16, v3;
	v7 =	vadd.f32 v7, v9  }
0x20f: {  	v6 =	vmul.f32 v6, v2;
	v2 =	vmul.f32 v5, v2;
	v4 =	vadd.f32 v8, v4  }
0x210: {  	v3 =	vmul.f32 v12, v3;
	v8 =	vadd.f32 v15, v10;
	[tilespmem:s28+$0x20] =	vst.add.f32.msk $0xffff, v7  }
0x211: {  	v2 =	vadd.f32 v13, v2;
	[tilespmem:s28+$0x30] =	vst.add.f32.msk $0xffff, v4  }
0x212: {  	v3 =	vadd.f32 v11, v3;
	[tilespmem:s28+$0x60] =	vst.add.f32.msk $0xffff, v8  }
0x213: {  	v4 =	vadd.f32 v17, v6;
	[tilespmem:s29+$0xF0] =	vst.add.f32.msk $0xffff, v2  }
0x214: {  	[tilespmem:s29+$0x70] =	vst.add.f32.msk $0xffff, v3  }
0x215: {  	s0 =	sor.u32 @!p1 $0x2510, s24;
	s17 =	simm.s32 @!p1 $0x80;
	s25 =	simm.s32 @!p1 $0x5010;
	[tilespmem:s29+$0xE0] =	vst.add.f32.msk $0xffff, v4  }
0x216: {  	[tilespmem:s25], [sflag:$0x2] =	stream.indirect.gather @!p1 [hbm4b:s6+s17], $0x20, s0, s17, $0xb8;
	[tilespmem:$0x1B010] =	vst v63  }
0x217: {  	s0 =	sor.u32 @!p1 $0x2910, s24;
	s24 =	simm.s32 @!p1 $0x9010  }
0x218: {  	[tilespmem:s24], [sflag:$0x3] =	stream.indirect.gather @!p1 [hbm4b:s6+s17], $0x20, s0, s17, $0xb8;
	[tilespmem:$0x1B010] =	vst v63  }
0x219: {  	s18 =	simm.s32 $0x182;
	_ =	swait.ge [sflag:s4], $0x1000  }
0x21a: {  	v2 =	vmov s18;
	[sflag:s4] =	ssyncset.done $0x0  }
0x21b: {  	v2 =	vand.u32 $0xFFFFFFFE, v2;
	[sflag:s4] =	ssyncadd.s32 $0xFFFFF000  }
0x21c: {  	v2 =	vbroadcast v2, $0x0;
	_ =	swait.ge [sflag:s14], $0x1000  }
0x21d: {  	[sflag:s14] =	ssyncset.done $0x0  }
0x21e: {  	s25 =	simm.s32 $0x6080;
	[sflag:s14] =	ssyncadd.s32 $0xFFFFF000  }
0x21f: {  	s24 =	simm.s32 $0xA080;
	v3 =	vld [tilespmem:s25+$0xFFFFFFD0]  }
0x220: {  	s19 =	simm.s32 $0x180;
	v4 =	vld [tilespmem:s24+$0xFFFFFFD0]  }
0x221: {  	v5 =	vmov s19;
	v6 =	vld [tilespmem:s25+$0xFFFFFF90]  }
0x222: {  	s26 =	simm.s32 $0x181;
	v5 =	vand.u32 $0xFFFFFFFC, v5;
	v8 =	vld.idx.msk [tilespmem:v2+s22+$0x0], $0xffff  }
0x223: {  	s30 =	simm.s32 $0x183;
	v5 =	vbroadcast v5, $0x0;
	v7 =	vmov s26;
	v9 =	vld [tilespmem:s24+$0xFFFFFF90]  }
0x224: {  	v2 =	vand.u32 $0xFFFFFFFD, v7;
	v7 =	vmov s30;
	v54 =	vld [tilespmem:s24+$0xFFFFFFB0]  }
0x225: {  	v56 =	vld [tilespmem:s25+$0xFFFFFFF0];
	v10 =	vbroadcast v2, $0x0;
	v53 =	vshll.u32 v3, $0x10;
	v2 =	vshll.u32 v4, $0x10  }
0x226: {  	v58 =	vld [tilespmem:s24+$0xFFFFFFF0];
	v55 =	vand.u32 $0xFFFF0000, v3;
	v3 =	vand.u32 $0xFFFF0000, v4;
	v2 =	vsub.f32 v2, v53  }
0x227: {  	v3 =	vsub.f32 v3, v55  }
0x228: {  	v11 =	vld [tilespmem:s25+$0xFFFFFFB0];
	v57 =	vshll.u32 v6, $0x10;
	v6 =	vand.u32 $0xFFFF0000, v6;
	v59 =	vmul.f32 v2, v8  }
0x229: {  	v4 =	vld.idx.msk [tilespmem:v5+s22+$0x0], $0xffff;
	v5 =	vshll.u32 v9, $0x10;
	v9 =	vand.u32 $0xFFFF0000, v9;
	v19 =	vmul.f32 v3, v8  }
0x22a: {  	v13 =	vand.u32 $0xFFFF0000, v54;
	v60 =	vshll.u32 v56, $0x10;
	v2 =	vld.idx.msk [tilespmem:v7+s22+$0x0], $0xffff;
	v12 =	vadd.f32 v53, v59  }
0x22b: {  	s26 =	simm.s32 $0x11010;
	v15 =	vand.u32 $0xFFFF0000, v56;
	v61 =	vshll.u32 v58, $0x10;
	v3 =	vld.idx.msk [tilespmem:v10+s22+$0x0], $0xffff;
	v14 =	vadd.f32 v55, v19  }
0x22c: {  	v17 =	vand.u32 $0xFFFF0000, v58;
	v5 =	vsub.f32 v5, v57;
	v9 =	vsub.f32 v9, v6;
	[tilespmem:s26+$0x80] =	vst.add.f32.msk $0xffff, v12  }
0x22d: {  	v7 =	vshll.u32 v11, $0x10;
	v11 =	vand.u32 $0xFFFF0000, v11;
	v10 =	vshll.u32 v54, $0x10;
	[tilespmem:s26+$0x90] =	vst.add.f32.msk $0xffff, v14  }
0x22e: {  	v10 =	vsub.f32 v10, v7;
	v13 =	vsub.f32 v13, v11;
	v5 =	vmul.f32 v5, v4;
	v14 =	vld [tilespmem:s25+$0xFFFFFFE0]  }
0x22f: {  	v17 =	vsub.f32 v17, v15;
	v9 =	vmul.f32 v9, v4;
	v12 =	vsub.f32 v61, v60;
	v62 =	vld [tilespmem:s24+$0xFFFFFFE0]  }
0x230: {  	v5 =	vadd.f32 v57, v5;
	v10 =	vmul.f32 v10, v3;
	v13 =	vmul.f32 v13, v3  }
0x231: {  	v6 =	vadd.f32 v6, v9;
	v9 =	vmul.f32 v17, v2;
	v12 =	vmul.f32 v12, v2  }
0x232: {  	[tilespmem:s26+$0x0] =	vst.add.f32.msk $0xffff, v5;
	v7 =	vadd.f32 v7, v10;
	v10 =	vadd.f32 v11, v13  }
0x233: {  	[tilespmem:s26+$0x10] =	vst.add.f32.msk $0xffff, v6;
	v9 =	vadd.f32 v15, v9;
	v11 =	vadd.f32 v60, v12;
	v5 =	vshll.u32 v14, $0x10  }
0x234: {  	[tilespmem:s26+$0x40] =	vst.add.f32.msk $0xffff, v7;
	v7 =	vshll.u32 v62, $0x10;
	v6 =	vand.u32 $0xFFFF0000, v14;
	v63 =	vand.u32 $0xFFFF0000, v62  }
0x235: {  	[tilespmem:s26+$0x50] =	vst.add.f32.msk $0xffff, v10;
	v7 =	vsub.f32 v7, v5;
	v10 =	vsub.f32 v63, v6  }
0x236: {  	[tilespmem:s26+$0xD0] =	vst.add.f32.msk $0xffff, v9  }
0x237: {  	s28 =	simm.s32 $0x11010;
	s29 =	simm.s32 $0x0;
	[tilespmem:s26+$0xC0] =	vst.add.f32.msk $0xffff, v11;
	v7 =	vmul.f32 v7, v8;
	v8 =	vmul.f32 v10, v8  }
.LBB2_17:
0x238: {  	s0 =	sadd.s32 $0x184, s29;
	v9 =	vld [tilespmem:s25+$0xFFFFFFA0]  }
0x239: {  	v10 =	vmov s0;
	s0 =	sadd.s32 $0x185, s29;
	v11 =	vld [tilespmem:s24+$0xFFFFFFA0];
	v5 =	vadd.f32 v5, v7;
	v6 =	vadd.f32 v6, v8  }
0x23a: {  	v7 =	vand.u32 $0xFFFFFFFC, v10;
	v8 =	vmov s0;
	s0 =	sadd.s32 $0x187, s29;
	v10 =	vld [tilespmem:s25+$0xFFFFFFC0]  }
0x23b: {  	v7 =	vbroadcast v7, $0x0;
	v8 =	vand.u32 $0xFFFFFFFD, v8;
	v12 =	vmov s0;
	[tilespmem:s26+$0xB0] =	vst.add.f32.msk $0xffff, v6  }
0x23c: {  	v6 =	vbroadcast v8, $0x0;
	v8 =	vld [tilespmem:s24+$0xFFFFFFC0]  }
0x23d: {  	s0 =	sadd.s32 $0x186, s29;
	v13 =	vshll.u32 v9, $0x10;
	v9 =	vand.u32 $0xFFFF0000, v9;
	v14 =	vld [tilespmem:s25+$0x0]  }
0x23e: {  	v15 =	vmov s0;
	v16 =	vshll.u32 v11, $0x10;
	v11 =	vand.u32 $0xFFFF0000, v11;
	v17 =	vld [tilespmem:s24+$0x0]  }
0x23f: {  	s29 =	sadd.s32 $0x4, s29;
	v15 =	vand.u32 $0xFFFFFFFE, v15;
	v18 =	vshll.u32 v10, $0x10;
	v10 =	vand.u32 $0xFFFF0000, v10;
	[tilespmem:s26+$0xA0] =	vst.add.f32.msk $0xffff, v5  }
0x240: {  	p2 =	slt.u32 s29, $0x7C;
	v5 =	vbroadcast v15, $0x0;
	v15 =	vsub.f32 v16, v13;
	v11 =	vsub.f32 v11, v9;
	v12 =	vld.idx.msk [tilespmem:v12+s22+$0x0], $0xffff  }
0x241: {  	v7 =	vld.idx.msk [tilespmem:v7+s22+$0x0], $0xffff;
	v16 =	vshll.u32 v8, $0x10;
	v8 =	vand.u32 $0xFFFF0000, v8  }
0x242: {  	s25 =	sadd.s32 $0x80, s25;
	v6 =	vld.idx.msk [tilespmem:v6+s22+$0x0], $0xffff;
	v16 =	vsub.f32 v16, v18;
	v19 =	vshll.u32 v14, $0x10;
	v14 =	vand.u32 $0xFFFF0000, v14  }
0x243: {  	s24 =	sadd.s32 $0x80, s24;
	v8 =	vsub.f32 v8, v10;
	v20 =	vld [tilespmem:s25+$0xFFFFFFD0];
	v21 =	vshll.u32 v17, $0x10;
	v17 =	vand.u32 $0xFFFF0000, v17  }
0x244: {  	v15 =	vmul.f32 v15, v4;
	v22 =	vld [tilespmem:s24+$0xFFFFFFD0];
	v21 =	vsub.f32 v21, v19;
	v17 =	vsub.f32 v17, v14  }
0x245: {  	v24 =	vmul.f32 v11, v4;
	v11 =	vmul.f32 v16, v3;
	v23 =	vld [tilespmem:s25+$0xFFFFFF90]  }
0x246: {  	v25 =	vmul.f32 v8, v3;
	v16 =	vld.idx.msk [tilespmem:v5+s22+$0x0], $0xffff;
	v5 =	vadd.f32 v13, v15;
	v8 =	vmul.f32 v21, v2  }
0x247: {  	v9 =	vadd.f32 v9, v24;
	v11 =	vadd.f32 v18, v11;
	v15 =	vmul.f32 v17, v2;
	v2 =	vmovc v12;
	v13 =	vld [tilespmem:s24+$0xFFFFFF90]  }
0x248: {  	v10 =	vadd.f32 v10, v25;
	v4 =	vmovc v7;
	v3 =	vmov v6;
	v12 =	vld [tilespmem:s25+$0xFFFFFFB0];
	v8 =	vadd.f32 v19, v8  }
0x249: {  	v7 =	vshll.u32 v20, $0x10;
	v14 =	vadd.f32 v14, v15;
	v6 =	vld [tilespmem:s24+$0xFFFFFFB0];
	v17 =	vshll.u32 v22, $0x10  }
0x24a: {  	v18 =	vand.u32 $0xFFFF0000, v22;
	v15 =	vsub.f32 v17, v7;
	v17 =	vand.u32 $0xFFFF0000, v20;
	v19 =	vld [tilespmem:s25+$0xFFFFFFF0]  }
0x24b: {  	v20 =	vshll.u32 v23, $0x10;
	v21 =	vand.u32 $0xFFFF0000, v23;
	v18 =	vsub.f32 v18, v17;
	v22 =	vld [tilespmem:s24+$0xFFFFFFF0]  }
0x24c: {  	v23 =	vshll.u32 v13, $0x10;
	v13 =	vand.u32 $0xFFFF0000, v13;
	v15 =	vmul.f32 v15, v16;
	[tilespmem:s26+$0x20] =	vst.add.f32.msk $0xffff, v5  }
0x24d: {  	v5 =	vshll.u32 v12, $0x10;
	v12 =	vand.u32 $0xFFFF0000, v12;
	v18 =	vmul.f32 v18, v16;
	[tilespmem:s26+$0x30] =	vst.add.f32.msk $0xffff, v9  }
0x24e: {  	v9 =	vshll.u32 v6, $0x10;
	v6 =	vand.u32 $0xFFFF0000, v6;
	v7 =	vadd.f32 v7, v15;
	[tilespmem:s26+$0x60] =	vst.add.f32.msk $0xffff, v11  }
0x24f: {  	s26 =	sadd.s32 $0x100, s26;
	v11 =	vadd.f32 v17, v18;
	v15 =	vshll.u32 v19, $0x10;
	v17 =	vand.u32 $0xFFFF0000, v19;
	[tilespmem:s28+$0x70] =	vst.add.f32.msk $0xffff, v10  }
0x250: {  	v10 =	vsub.f32 v23, v20;
	[tilespmem:s26+$0x80] =	vst.add.f32.msk $0xffff, v7;
	v7 =	vshll.u32 v22, $0x10;
	v18 =	vand.u32 $0xFFFF0000, v22  }
0x251: {  	v13 =	vsub.f32 v13, v21;
	v9 =	vsub.f32 v9, v5;
	[tilespmem:s26+$0x90] =	vst.add.f32.msk $0xffff, v11  }
0x252: {  	v6 =	vsub.f32 v6, v12;
	v10 =	vmul.f32 v10, v4;
	v7 =	vsub.f32 v7, v15;
	v11 =	vld [tilespmem:s25+$0xFFFFFFE0]  }
0x253: {  	v13 =	vmul.f32 v13, v4;
	v9 =	vmul.f32 v9, v3;
	v18 =	vsub.f32 v18, v17;
	v19 =	vld [tilespmem:s24+$0xFFFFFFE0]  }
0x254: {  	v6 =	vmul.f32 v6, v3;
	v10 =	vadd.f32 v20, v10;
	v7 =	vmul.f32 v7, v2;
	[tilespmem:s28+$0xE0] =	vst.add.f32.msk $0xffff, v8  }
0x255: {  	v9 =	vadd.f32 v5, v9;
	v8 =	vadd.f32 v21, v13;
	v13 =	vmul.f32 v18, v2;
	[tilespmem:s28+$0xF0] =	vst.add.f32.msk $0xffff, v14;
	s28 =	smov.u32 s26  }
0x256: {  	v7 =	vadd.f32 v15, v7;
	[tilespmem:s26+$0x0] =	vst.add.f32.msk $0xffff, v10;
	v10 =	vadd.f32 v12, v6  }
.Ltmp7:
0x257: {  	v12 =	vadd.f32 v17, v13;
	[tilespmem:s26+$0x10] =	vst.add.f32.msk $0xffff, v8;
	v5 =	vshll.u32 v11, $0x10;
	(pc) =	sbr.rel @p2 .LBB2_17-.Ltmp7, $4  }
0x258: {  	v6 =	vand.u32 $0xFFFF0000, v11;
	[tilespmem:s26+$0x40] =	vst.add.f32.msk $0xffff, v9;
	v8 =	vshll.u32 v19, $0x10;
	v9 =	vand.u32 $0xFFFF0000, v19  }
0x259: {  	[tilespmem:s26+$0x50] =	vst.add.f32.msk $0xffff, v10;
	v8 =	vsub.f32 v8, v5;
	v9 =	vsub.f32 v9, v6  }
0x25a: {  	[tilespmem:s26+$0xC0] =	vst.add.f32.msk $0xffff, v7  }
0x25b: {  	v7 =	vmul.f32 v8, v16;
	v8 =	vmul.f32 v9, v16;
	[tilespmem:s26+$0xD0] =	vst.add.f32.msk $0xffff, v12  }
0x25c: {  	v9 =	vld [tilespmem:s25+$0xFFFFFFA0]  }
0x25d: {  	v10 =	vld [tilespmem:s24+$0xFFFFFFA0]  }
0x25e: {  	v11 =	vld [tilespmem:s25+$0xFFFFFFC0]  }
0x25f: {  	v12 =	vld [tilespmem:s24+$0xFFFFFFC0]  }
0x260: {  	v13 =	vld [tilespmem:s25+$0x0]  }
0x261: {  	v14 =	vld [tilespmem:s24+$0x0];
	v5 =	vadd.f32 v5, v7;
	v6 =	vadd.f32 v6, v8  }
0x262: {  	v54 =	vshll.u32 v9, $0x10;
	v55 =	vand.u32 $0xFFFF0000, v9;
	v56 =	vshll.u32 v10, $0x10  }
0x263: {  	v10 =	vand.u32 $0xFFFF0000, v10;
	v15 =	vshll.u32 v11, $0x10;
	v11 =	vand.u32 $0xFFFF0000, v11  }
0x264: {  	v16 =	vshll.u32 v12, $0x10;
	v12 =	vand.u32 $0xFFFF0000, v12;
	v9 =	vsub.f32 v56, v54  }
0x265: {  	v17 =	vshll.u32 v13, $0x10;
	v13 =	vand.u32 $0xFFFF0000, v13;
	v10 =	vsub.f32 v10, v55  }
0x266: {  	v58 =	vshll.u32 v14, $0x10;
	v16 =	vsub.f32 v16, v15;
	v9 =	vmul.f32 v9, v4  }
0x267: {  	v14 =	vand.u32 $0xFFFF0000, v14;
	v59 =	vsub.f32 v58, v17;
	v57 =	vmul.f32 v10, v4  }
0x268: {  	[tilespmem:s26+$0xB0] =	vst.add.f32.msk $0xffff, v6;
	v61 =	vsub.f32 v14, v13;
	v60 =	vmul.f32 v16, v3;
	v7 =	vadd.f32 v54, v9  }
0x269: {  	[tilespmem:s26+$0xA0] =	vst.add.f32.msk $0xffff, v5;
	v12 =	vsub.f32 v12, v11;
	v6 =	vmul.f32 v59, v2;
	v4 =	vadd.f32 v55, v57  }
0x26a: {  	v2 =	vmul.f32 v61, v2;
	v62 =	vadd.f32 v15, v60;
	[tilespmem:s26+$0x20] =	vst.add.f32.msk $0xffff, v7  }
.Ltmp8:
0x26b: {  	v3 =	vmul.f32 v12, v3;
	v63 =	vadd.f32 v17, v6;
	[tilespmem:s26+$0x30] =	vst.add.f32.msk $0xffff, v4;
	(pc) =	sbr.rel @p1 .LBB2_19-.Ltmp8, $4  }
0x26c: {  	v2 =	vadd.f32 v13, v2;
	[tilespmem:s26+$0x60] =	vst.add.f32.msk $0xffff, v62  }
0x26d: {  	v3 =	vadd.f32 v11, v3;
	[tilespmem:s28+$0xE0] =	vst.add.f32.msk $0xffff, v63  }
0x26e: {  	[tilespmem:s28+$0xF0] =	vst.add.f32.msk $0xffff, v2  }
0x26f: {  	[tilespmem:s28+$0x70] =	vst.add.f32.msk $0xffff, v3  }
.Ltmp9:
0x270: {  	s0 =	sshll.u32 s23, $0x9;
	(pc) =	sbr.rel .LBB2_6-.Ltmp9, $4  }
0x271: {  	s17 =	sor.u32 $0x2590, s0  }
0x272: {  	[tilespmem:s31], [sflag:$0x2] =	stream.indirect.gather [hbm4b:s6+s16], $0x20, s17, s16, $0xb8;
	[tilespmem:$0x1B010] =	vst v63  }
0x273: {  	s21 =	sadd.s32 $0x1, s21;
	p0 =	por !p0, !p0;
	s0 =	sor.u32 $0x2990, s0  }
0x274: {  	[tilespmem:s3], [sflag:$0x3] =	stream.indirect.gather [hbm4b:s6+s16], $0x20, s0, s16, $0xb8;
	[tilespmem:$0x1B010] =	vst v63  }
.LBB2_19:
0x275: {  	s0 =	simm.s32 $0x0  }
0x276: {  	s17 =	simm.s32 $0x0;
	s21 =	simm.s32 $0x0;
	s0 =	sand.u32 $0x1C0, s0  }
0x277: {  	s22 =	simm.s32 $0x0;
	s17 =	sand.u32 $0x20, s17;
	s21 =	sand.u32 $0xF, s21;
	v2 =	vmov s0  }
0x278: {  	s22 =	sand.u32 $0x10, s22;
	s17 =	sor.u32 s17, s21;
	s23 =	sor.u32 $0x10, s0;
	v2 =	vshll.u32 v2, $0x6  }
0x279: {  	s24 =	sor.u32 $0x30, s0;
	s17 =	sor.u32 s22, s17;
	v3 =	vmov s23;
	v2 =	vor.u32 v1, v2  }
0x27a: {  	s25 =	sor.u32 $0x20, s0;
	v4 =	vmov s24;
	v3 =	vshll.u32 v3, $0x6;
	v2 =	vor.u32 s17, v2  }
0x27b: {  	s26 =	simm.s32 $0x0;
	v5 =	vmov s25;
	v4 =	vshll.u32 v4, $0x6;
	v3 =	vor.u32 v1, v3  }
0x27c: {  	s8 =	simm.s32 $0x0;
	s21 =	sand.u32 $0x3FFFFE00, s26;
	v5 =	vshll.u32 v5, $0x6;
	v4 =	vor.u32 v1, v4;
	v3 =	vor.u32 s17, v3  }
0x27d: {  	s10 =	simm.s32 $0x0;
	s26 =	sadd.s32 $0x13010, s21;
	s21 =	simm.s32 $0x40;
	v5 =	vor.u32 v1, v5;
	v6 =	vor.u32 s17, v4  }
0x27e: {  	s28 =	simm.s32 $0x2;
	s11 =	sand.u32 $0xF, s10;
	s19 =	sand.u32 $0x1C0, s21;
	v5 =	vor.u32 s17, v5  }
0x27f: {  	s28 =	sand.u32 $0x10, s28;
	s18 =	sor.u32 s0, s26;
	s22 =	sor.u32 $0x30, s19;
	v9 =	vld.idx.msk [tilespmem:v2+s15+$0x0], $0xffff;
	v2 =	vmov s19  }
0x280: {  	s0 =	sand.u32 $0x20, s8;
	s30 =	sadd.s32 s23, s26;
	s8 =	sor.u32 $0x10, s19;
	v7 =	vmov s22;
	v2 =	vshll.u32 v2, $0x6  }
0x281: {  	s0 =	sor.u32 s0, s11;
	s10 =	sor.u32 $0x20, s19;
	v4 =	vmov s8;
	s17 =	simm.s32 $0x40;
	v7 =	vshll.u32 v7, $0x6;
	v8 =	vor.u32 v1, v2;
	v2 =	vld.idx.msk [tilespmem:v3+s15+$0x0], $0xffff  }
0x282: {  	s29 =	sor.u32 s25, s26;
	s28 =	sor.u32 s28, s0;
	v11 =	vmov s10;
	v10 =	vshll.u32 v4, $0x6;
	s25 =	sand.u32 $0x3FFFFE00, s17;
	v7 =	vor.u32 v1, v7;
	v3 =	vld.idx.msk [tilespmem:v6+s15+$0x0], $0xffff  }
0x283: {  	s23 =	simm.s32 $0x4;
	s0 =	sadd.s32 s24, s26;
	s17 =	sadd.s32 $0x13010, s25;
	v5 =	vld.idx.msk [tilespmem:v5+s15+$0x0], $0xffff;
	v6 =	vor.u32 v1, v10;
	v4 =	vor.u32 s28, v8;
	v8 =	vshll.u32 v11, $0x6  }
0x284: {  	s24 =	sor.u32 s19, s17;
	s26 =	sadd.s32 s8, s17;
	s25 =	sor.u32 s10, s17;
	v7 =	vor.u32 s28, v7;
	v6 =	vor.u32 s28, v6;
	v8 =	vor.u32 v1, v8;
	[tilespmem:s18+$0x0] =	vst v9  }
.LBB2_20:
0x285: {  	s23 =	sadd.s32 $0x4, s23  }
0x286: {  	v8 =	vor.u32 s28, v8;
	s8 =	sadd.s32 s22, s17;
	s21 =	sadd.s32 $0x40, s21;
	[tilespmem:s30+$0x0] =	vst v2;
	s10 =	sshrl.u32 s23, $0x5  }
0x287: {  	s17 =	sshrl.u32 s23, $0x1;
	s18 =	sshrl.u32 s23, $0x6;
	[tilespmem:s0+$0x0] =	vst v3;
	p0 =	slt.u32 s23, $0x7FC  }
0x288: {  	s0 =	sand.u32 $0x20, s10;
	s10 =	sand.u32 $0xF, s18;
	s18 =	sand.u32 $0x1C0, s21;
	v9 =	vld.idx.msk [tilespmem:v4+s15+$0x0], $0xffff;
	[tilespmem:s29+$0x0] =	vst v5  }
0x289: {  	v3 =	vmov s18;
	s19 =	sor.u32 $0x10, s18;
	s11 =	sor.u32 $0x20, s18;
	s22 =	sor.u32 $0x30, s18;
	v2 =	vld.idx.msk [tilespmem:v6+s15+$0x0], $0xffff  }
.Ltmp10:
0x28a: {  	s17 =	sand.u32 $0x10, s17;
	s0 =	sor.u32 s0, s10;
	v4 =	vshll.u32 v3, $0x6;
	v5 =	vmov s19;
	v6 =	vmov s22;
	v3 =	vld.idx.msk [tilespmem:v7+s15+$0x0], $0xffff;
	(pc) =	sbr.rel @p0 .LBB2_20-.Ltmp10, $4  }
0x28b: {  	s28 =	sor.u32 s17, s0;
	s0 =	sshll.u32 s23, $0x4;
	v10 =	vmov s11;
	v4 =	vor.u32 v1, v4;
	v7 =	vshll.u32 v5, $0x6;
	v5 =	vld.idx.msk [tilespmem:v8+s15+$0x0], $0xffff  }
0x28c: {  	s30 =	smov.u32 s26;
	s10 =	sand.u32 $0x3FFFFE00, s0;
	v8 =	vshll.u32 v6, $0x6;
	s0 =	smov.u32 s8;
	v4 =	vor.u32 s28, v4;
	v7 =	vor.u32 v1, v7  }
0x28d: {  	s29 =	smov.u32 s25;
	s17 =	sadd.s32 $0x13010, s10;
	v6 =	vor.u32 s28, v7;
	v7 =	vshll.u32 v10, $0x6;
	v10 =	vor.u32 v1, v8  }
0x28e: {  	s26 =	sadd.s32 s19, s17;
	s25 =	sor.u32 s11, s17;
	v8 =	vor.u32 v1, v7;
	v7 =	vor.u32 s28, v10;
	[tilespmem:s24+$0x0] =	vst v9;
	s24 =	sor.u32 s18, s17  }
0x28f: {  	_ =	sdelay $0x1  }
0x290: {  	v8 =	vor.u32 s28, v8;
	_ =	sdelay $0x1  }
0x291: {  	v4 =	vld.idx.msk [tilespmem:v4+s15+$0x0], $0xffff  }
0x292: {  	v6 =	vld.idx.msk [tilespmem:v6+s15+$0x0], $0xffff  }
0x293: {  	[tilespmem:s30+$0x0] =	vst v2;
	v2 =	vld.idx.msk [tilespmem:v7+s15+$0x0], $0xffff  }
0x294: {  	[tilespmem:s0+$0x0] =	vst v3;
	v3 =	vld.idx.msk [tilespmem:v8+s15+$0x0], $0xffff  }
0x295: {  	[tilespmem:s29+$0x0] =	vst v5  }
0x296: {  	[tilespmem:s24+$0x0] =	vst v4  }
0x297: {  	s29 =	sadd.s32 s22, s17;
	[tilespmem:s26+$0x0] =	vst v6  }
0x298: {  	[tilespmem:s29+$0x0] =	vst v2  }
0x299: {  	s8 =	simm.s32 $0x200;
	[tilespmem:s25+$0x0] =	vst v3  }
0x29a: {  	s10 =	simm.s32 $0x4000;
	s11 =	simm.s32 $0x13010;
	s0 =	rddreg [dreg:$0x6]  }
0x29b: {  	[hbm4b:s0+s8] =	stream.strided.scatter [tilespmem:s11], [sflag:$0x4], $0x8000, s10, s8, $0x38;
	[tilespmem:$0x1B010] =	vst v63  }
0x29c: {  	_ =	swait.ge [sflag:s12], $0x8000  }
0x29d: {  	s20 =	sadd.s32 $0x1, s20;
	s30 =	rddreg [dreg:$0x7]  }
0x29e: {  	p0 =	sne.s32 s20, s30  }
.Ltmp11:
0x29f: {  	_ = 	snop;
	(pc) =	sbr.rel @p0 .LBB2_1-.Ltmp11, $3  }
0x2a0: {  	_ =	sdelay $0x1  }
0x2a1: {  	[sflag:s12] =	ssyncset.done $0x0  }
0x2a2: {  	[sflag:s12] =	ssyncadd.s32 $0xFFFF8000  }
0x2a3: {  	_ =	sfence.sel $0x180000  }
0x2a4: {  	[bflag:$0x0] =	sbarrier.arrive $0xFFFF  }
0x2a5: {  	_ =	strace $0x9000004A  }
0x2a6: {  	s0 =	stileid.u32;
	[bflag:$0x2] =	sbarrier.arrive $0xFFFF  }
0x2a7: {  	p0 =	sne.s32 s0, $0x0;
	s0 =	rddreg [dreg:$0x4]  }
0x2a8: {  	s0 =	sadd.s32 @!p0 $0x100000, s0  }
0x2a9: {  	[sflag:s0] =	ssyncadd.tile.s32 @!p0 $0x1;
	_ =	shalt  }
.Lfunc_end2:
_tile_overlayer_lowered:
.L_overlay_start_2:
0x2aa: {  	(tag) =	ssettag $0x2  }
0x2ab: {  	s0 =	rddreg [dreg:$0x0];
	s2 =	stileid.u32  }
0x2ac: {  	s1 =	rddreg [dreg:$0x1];
	p0 =	sne.s32 s2, $0x0  }
0x2ad: {  	s3 =	rddreg [dreg:$0x2];
	[bflag:$0x3] =	sbarrier.arrive $0xFFFF;
	s2 =	simm.s32 @!p0 $0x1C04  }
0x2ae: {  	[timem:s3], [sflag:s2] =	dma.local @!p0 [hbm:s0], s1  }
0x2af: {  	s0 =	simm.s32 @!p0 $0x4  }
0x2b0: {  	_ =	swait.ge @!p0 [sflag:s0], s1  }
0x2b1: {  	s1 =	ssub.s32 @!p0 $0x0, s1;
	[sflag:s0] =	ssyncset.done @!p0 $0x0  }
0x2b2: {  	[sflag:s0] =	ssyncadd.s32 @!p0 s1  }
0x2b3: {  	[bflag:$0x3] =	sbarrier.arrive $0xFFFF  }
0x2b4: {  	_ =	shalt  }

// kernel: sparse-core-data-format-call.cloned.1.call-start
scs
called_computation_lowered:
.L_overlay_start_0:
0x0: {  	s1 =	sld [smem:$0x3FD9]  }
0x1: {  	s2 =	sld [smem:$0x3FFE];
	_ =	sdelay $0x1  }
0x2: {  	s3 =	srdreg.scid  }
0x3: {  	s0 =	sand.u32 $0x1, s3  }
0x4: {  	s17 =	sshll.u32 s0, $0xA;
	s1 =	sadd.s32 s2, s1  }
0x5: {  	s1 =	sadd.s32 s1, s17  }
0x6: {  	[smem:$0x3FC4] =	sst s1  }
0x7: {  	_ = 	snop  }
0x8: {  	(tm) =	ssettm $0x1  }
0x9: {  	s18 =	sld [smem:$0x3FFB];
	_ =	sdelay $0x3  }
0xa: {  	_ =	strace s18  }
0xb: {  	s1 =	sld [smem:$0x3FFC];
	_ =	sdelay $0x3  }
0xc: {  	_ =	strace s1  }
0xd: {  	s1 =	sld [smem:$0x3FFD];
	_ =	sdelay $0x3  }
0xe: {  	_ =	strace s1  }
0xf: {  	_ =	strace $0x8FFFFFFF  }
0x10: {  	s19 =	sld [smem:$0x3FDB];
	_ =	sdelay $0x1  }
0x11: {  	s20 =	simm.s32 $_scs_section_size  }
0x12: {  	s4 =	simm.s32 $_size__tile_overlayer_lowered;
	s5 =	simm.s32 $_tile_overlayer_lowered  }
0x13: {  	s23 =	simm.s32 $0x1BFF;
	s22 =	sshll.u32 s5, $0x1;
	s1 =	sadd.s32 s20, s19  }
0x14: {  	s6 =	simm.s32 $0x0;
	s21 =	sshll.u32 s4, $0x1;
	s4 =	sadd.s32 s22, s1  }
0x15: {  	[timem:s6], [sflag:s23] =	dma.local [hbm:s4], s21  }
0x16: {  	_ =	swait.ge [sflag:s23], s21  }
0x17: {  	s2 =	ssub.s32 $0x0, s21;
	[sflag:s23] =	ssyncset.done $0x0  }
0x18: {  	[sflag:s23] =	ssyncadd.s32 s2;
	_ =	sdelay $0x1  }
0x19: {  	s24 =	simm.s32 $0x1B8B  }
0x1a: {  	_ =	swait.ge [sflag:s24], $0x1  }
0x1b: {  	[sflag:s24] =	ssyncset.done $0x0  }
0x1c: {  	s26 =	simm.s32 $0x1B8E;
	s25 =	sld [smem:$0x3FFE];
	[sflag:s24] =	ssyncadd.s32 $0xFFFFFFFF  }
0x1d: {  	s27 =	simm.s32 $execute0_lowered;
	[smem:$0x3FD2] =	sst s26  }
0x1e: {  	s4 =	sshll.u32 s27, $0x1;
	_ =	strace $0x80000046;
	[dreg:$0x1] =	wrdreg $0xFFFFFFFF  }
0x1f: {  	s28 =	simm.s32 $_size_execute0_lowered;
	s1 =	sadd.s32 s1, s4;
	[dreg:$0x0] =	wrdreg $0x0  }
0x20: {  	s4 =	sshll.u32 s28, $0x1;
	[dreg:$0x2] =	wrdreg s1  }
0x21: {  	[dreg:$0x3] =	wrdreg s4  }
0x22: {  	[dreg:$0x4] =	wrdreg $0xC0  }
0x23: {  	_ =	task [dreg:s6], $0x5FFFF  }
0x24: {  	[dreg:$0x1] =	wrdreg $0xFFFFFFFF  }
0x25: {  	[dreg:$0x0] =	wrdreg $0x60  }
0x26: {  	[dreg:$0x2] =	wrdreg s25  }
0x27: {  	[dreg:$0x3] =	wrdreg $0x9  }
0x28: {  	_ =	task.clear_ibuf [dreg:s6], $0x4FFFF;
	_ =	strace $0x90000046  }
0x29: {  	s29 =	simm.s32 $0x9;
	_ =	strace $0x80000048  }
0x2a: {  	_ =	swait.ge [sflag:s29], $0x1  }
0x2b: {  	[sflag:s29] =	ssyncadd.s32 $0xFFFFFFFF  }
0x2c: {  	_ =	strace $0x90000048  }
0x2d: {  	_ =	sfence  }
0x2e: {  	s30 =	sld [smem:$0x0];
	_ =	sdelay $0x2  }
0x2f: {  	s31 =	sshll.u32 s3, $0xD;
	s3 =	sshrl.u32 s3, $0x2  }
0x30: {  	s2 =	sand.u32 $0x4000, s31;
	s1 =	sadd.s32 s3, s30  }
0x31: {  	s0 =	sor.u32 s2, s0;
	s1 =	sshll.u32 s1, $0x11  }
0x32: {  	s0 =	sor.u32 s1, s0  }
0x33: {  	s0 =	sadd.s32 $0x8F2B, s0  }
0x34: {  	[sflag:s0] =	ssyncadd.remote.s32 $0x1  }
0x35: {  	_ =	sfence.sel $0xFFFF  }
0x36: {  	[dreg:$0x0] =	wrdreg $0xFFFFFFFF;
	(pc) =	sbr.abs _section_cstart, $3  }
0x37: {  	[dreg:$0x1] =	wrdreg $0xFFFFFFFF  }
0x38: {  	_ =	task.clear_ibuf [dreg:s6], $0x2FFFF;
	_ =	strace $0x9FFFFFFF  }
0x39: {  	(tm) =	ssettm $0x7FFFFFFF  }
tec
execute0_lowered:
.L_overlay_start_1:
0x0: {  	(tag) =	ssettag $0x1  }
0x1: {  	s0 =	srdreg.scid  }
0x2: {  	s5 =	rddreg [dreg:$0x0];
	s1 =	stileid.u32;
	s4 =	simm.s32 $0x1  }
0x3: {  	s6 =	simm.s32 $0x2;
	s8 =	simm.s32 $0x0;
	s2 =	sshll.u32 s0, $0x4  }
0x4: {  	s9 =	simm.s32 $0x0;
	s13 =	simm.s32 $0x0;
	s2 =	sand.u32 $0x10, s2  }
.Ltmp0:
0x5: {  	s10 =	simm.s32 $0x0;
	s3 =	sor.u32 s1, s2;
	(pc) =	sbr.rel .LBB1_1-.Ltmp0, $4  }
0x6: {  	s0 =	rddreg [dreg:$0x1];
	_ =	strace $0x80000047;
	s3 =	sshll.u32 s3, $0x4  }
0x7: {  	s12 =	simm.s32 $0x0;
	[sflag:s4] =	ssyncpa.u1 $0x0;
	s7 =	ssub.s32 $0x2000, s3  }
0x8: {  	s2 =	sadd.s32 $0xA00, s5;
	[sflag:s6] =	ssyncpa.u1 $0x0;
	s6 =	sshrl.u32 s7, $0x9  }
0x9: {  	s5 =	sadd.s32 $0x100C00, s5;
	s11 =	smov.u32 s3;
	s7 =	sadd.s32 $0x2, s6  }
.LBB1_7:
0xa: {  	s15 =	sshll.u32 s12, $0xF  }
0xb: {  	s15 =	sand.u32 $0x8000, s15  }
0xc: {  	s16 =	sshll.u32 s10, $0x7;
	s15 =	sshrl.u32 s15, $0x1  }
0xd: {  	s16 =	sadd.s32 s5, s16;
	s15 =	sor.u32 $0x8000, s15  }
0xe: {  	[hbm4b:s16+s8] =	stream.linear.scatter [tilespmem:s15], [sflag:$0x2], s14, $0x38;
	[tilespmem:$0x10000] =	vst v63  }
.LBB1_8:
0xf: {  	p0 =	slt.u32 s12, $0x2  }
0x10: {  	p1 =	sgt.s32 @!p0 s13, $0x1FF2  }
0x11: {  	s14 =	smov.u32 s13;
	s15 =	sshra.s32 @!p0 s13, $0x1F;
	p1 =	por !p1, p0  }
0x12: {  	s13 =	sand.u32 @!p0 s15, s13;
	s14 =	simm.s32 @p1 $0x1FF2  }
0x13: {  	s13 =	ssub.s32 @!p0 s14, s13  }
0x14: {  	s13 =	sadd.s32 @!p0 $0xFFFFE00E, s13  }
0x15: {  	s14 =	sshll.u32 @!p0 s13, $0xC  }
0x16: {  	p1 =	sgt.s32 @!p0 s13, $0xF;
	s13 =	ssub.s32 @!p0 $0x10000, s14  }
0x17: {  	s15 =	sadd.s32 $0x200, s11;
	p1 =	por !p1, p0;
	s13 =	sshrl.u32 @!p0 s13, $0x2  }
0x18: {  	s13 =	simm.s32 @!p1 $0x0;
	p1 =	sgt.s32 s15, $0x2001  }
0x19: {  	s15 =	smov.u32 @p1 s3;
	p1 =	sne.s32 s12, s7  }
.Ltmp1:
0x1a: {  	_ = 	snop;
	(pc) =	sbr.rel @!p1 .LBB1_9-.Ltmp1, $4  }
0x1b: {  	s14 =	simm.s32 @!p0 $0x2  }
0x1c: {  	s9 =	sadd.s32 $0x8000, s9;
	_ =	swait.ge @!p0 [sflag:s14], s13;
	s16 =	ssub.s32 @!p0 $0x0, s13  }
0x1d: {  	s13 =	smov.u32 s10;
	s12 =	sadd.s32 $0x1, s12;
	[sflag:s14] =	ssyncset.done @!p0 $0x0  }
0x1e: {  	s10 =	smov.u32 s11;
	s11 =	smov.u32 s15;
	[sflag:s14] =	ssyncadd.s32 @!p0 s16  }
.LBB1_1:
0x1f: {  	p0 =	sgt.u32 s12, s6  }
0x20: {  	p1 =	sgt.s32 @!p0 s11, $0x1FF2  }
0x21: {  	s14 =	smov.u32 s11;
	s15 =	sshra.s32 @!p0 s11, $0x1F;
	p1 =	por !p1, p0  }
0x22: {  	s15 =	sand.u32 @!p0 s15, s11;
	s14 =	simm.s32 @p1 $0x1FF2  }
0x23: {  	s14 =	ssub.s32 @!p0 s14, s15  }
0x24: {  	s14 =	sadd.s32 @!p0 $0xFFFFE00E, s14  }
0x25: {  	s16 =	sshll.u32 @!p0 s11, $0x7;
	s17 =	simm.s32 @!p0 $0x0;
	s15 =	sshll.u32 @!p0 s14, $0xC  }
0x26: {  	p1 =	sgt.s32 @!p0 s14, $0xF;
	s14 =	ssub.s32 @!p0 $0x10000, s15;
	s15 =	sxor.u32 @!p0 $0xFFFFFFFF, s12  }
0x27: {  	p1 =	por !p1, p0;
	s14 =	sshrl.u32 @!p0 s14, $0x2;
	s15 =	sshll.u32 @!p0 s15, $0xE  }
0x28: {  	s16 =	sadd.s32 @!p0 s2, s16;
	s14 =	simm.s32 @!p1 $0x0;
	s15 =	sand.u32 @!p0 $0x4000, s15  }
0x29: {  	[tilespmem:s15], [sflag:$0x1] =	stream.linear.gather @!p0 [hbm4b:s16+s17], s14, $0x38;
	[tilespmem:$0x10000] =	vst v63  }
0x2a: {  	p0 =	seq.s32 s12, $0x0  }
0x2b: {  	p1 =	sge.u32 @!p0 s12, s7  }
0x2c: {  	p0 =	por p0, p1  }
.Ltmp2:
0x2d: {  	_ = 	snop;
	(pc) =	sbr.rel @p0 .LBB1_8-.Ltmp2, $1  }
0x2e: {  	_ =	sdelay $0x3  }
0x2f: {  	p0 =	sgt.s32 s10, $0x1FF2;
	s14 =	smov.u32 s10;
	s15 =	sshra.s32 s10, $0x1F  }
0x30: {  	s14 =	simm.s32 @!p0 $0x1FF2;
	s15 =	sand.u32 s15, s10  }
0x31: {  	s14 =	ssub.s32 s14, s15  }
0x32: {  	s16 =	sadd.s32 $0x10, s10;
	s14 =	sadd.s32 $0xFFFFE00E, s14  }
0x33: {  	p1 =	slt.s32 s16, $0x2002;
	s30 =	sshll.u32 s14, $0xC  }
0x34: {  	s16 =	simm.s32 @!p1 $0x2002;
	s15 =	ssub.s32 $0x10000, s30  }
0x35: {  	p0 =	sgt.s32 s14, $0xF;
	s14 =	sshrl.u32 s15, $0x2;
	s15 =	ssub.s32 s16, s10  }
0x36: {  	s14 =	simm.s32 @p0 $0x0;
	p0 =	slt.s32 s15, $0x1  }
.Ltmp3:
0x37: {  	_ = 	snop;
	(pc) =	sbr.rel @p0 .LBB1_7-.Ltmp3, $4  }
0x38: {  	_ = 	snop  }
0x39: {  	_ =	swait.ge [sflag:s4], s14  }
0x3a: {  	s31 =	ssub.s32 $0x0, s14;
	[sflag:s4] =	ssyncset.done $0x0  }
0x3b: {  	[sflag:s4] =	ssyncadd.s32 s31  }
0x3c: {  	s16 =	sshrl.u32 s9, $0x1  }
0x3d: {  	s17 =	sand.u32 $0x4000, s16  }
0x3e: {  	s18 =	simm.s32 $0x0;
	s16 =	sor.u32 $0x200, s17;
	s17 =	sor.u32 $0x8080, s17  }
.LBB1_4:
0x3f: {  	v0 =	vld [tilespmem:s16+$0xFFFFFE70]  }
0x40: {  	v1 =	vld [tilespmem:s16+$0x70]  }
0x41: {  	v2 =	vld [tilespmem:s16+$0x0]  }
0x42: {  	v3 =	vld [tilespmem:s16+$0xFFFFFE10]  }
0x43: {  	v4 =	vld [tilespmem:s16+$0x10]  }
0x44: {  	v5 =	vld [tilespmem:s16+$0xFFFFFE20]  }
0x45: {  	v7 =	vld [tilespmem:s16+$0x20]  }
0x46: {  	v11 =	vld [tilespmem:s16+$0x30];
	v6 =	vunpack.i.l.s16.s32 v0;
	v8 =	vunpack.i.u.s16.s32 v0;
	v9 =	vunpack.i.u.s16.s32 v1  }
0x47: {  	v10 =	vunpack.i.l.s16.s32 v1;
	v0 =	vunpack.i.u.s16.s32 v2;
	v1 =	vunpack.i.l.s16.s32 v2;
	v2 =	vld [tilespmem:s16+$0xFFFFFE30]  }
0x48: {  	v8 =	vpack.i.b32.b16 v9, v8;
	v9 =	vunpack.i.u.s16.s32 v3;
	v3 =	vunpack.i.l.s16.s32 v3  }
0x49: {  	v12 =	vld [tilespmem:s16+$0xFFFFFE40];
	v6 =	vpack.i.b32.b16 v10, v6;
	[tilespmem:s17+$0x70] =	vst v8;
	v8 =	vunpack.i.u.s16.s32 v4;
	v4 =	vunpack.i.l.s16.s32 v4  }
0x4a: {  	v13 =	vld [tilespmem:s16+$0x40];
	v10 =	vunpack.i.u.s16.s32 v5;
	v5 =	vunpack.i.l.s16.s32 v5;
	[tilespmem:s17+$0xFFFFFFF0] =	vst v6;
	v3 =	vpack.i.b32.b16 v4, v3  }
0x4b: {  	v6 =	vunpack.i.l.s16.s32 v7;
	v4 =	vld [tilespmem:s16+$0xFFFFFE50];
	[tilespmem:s17+$0xFFFFFF90] =	vst v3;
	v3 =	vpack.i.b32.b16 v8, v9;
	v8 =	vunpack.i.u.s16.s32 v7  }
0x4c: {  	v7 =	vunpack.i.l.s16.s32 v11;
	[tilespmem:s17+$0x10] =	vst v3;
	v3 =	vpack.i.b32.b16 v6, v5;
	v9 =	vunpack.i.u.s16.s32 v2;
	v6 =	vld [tilespmem:s16+$0x50]  }
0x4d: {  	v5 =	vunpack.i.l.s16.s32 v2;
	v2 =	vld [tilespmem:s16+$0xFFFFFE60];
	[tilespmem:s17+$0xFFFFFFA0] =	vst v3;
	v3 =	vpack.i.b32.b16 v8, v10;
	v10 =	vunpack.i.u.s16.s32 v11  }
0x4e: {  	s21 =	simm.s32 $0x0;
	v11 =	vpack.i.b32.b16 v7, v5;
	v7 =	vunpack.i.u.s16.s32 v12;
	v8 =	vunpack.i.l.s16.s32 v12;
	[tilespmem:s17+$0x20] =	vst v3;
	v3 =	vld [tilespmem:s16+$0x60]  }
0x4f: {  	s22 =	sadd.s32 $0x80, s16;
	s20 =	smov.u32 s17;
	s19 =	smov.u32 s17;
	v5 =	vld [tilespmem:s16+$0xFFFFFE00];
	[tilespmem:s17+$0xFFFFFFB0] =	vst v11;
	v10 =	vpack.i.b32.b16 v10, v9;
	v9 =	vunpack.i.u.s16.s32 v13;
	v11 =	vunpack.i.l.s16.s32 v13  }
.LBB1_5:
0x50: {  	v12 =	vld [tilespmem:s22+$0xFFFFFE70];
	[tilespmem:s20+$0x30] =	vst v10;
	v8 =	vpack.i.b32.b16 v11, v8;
	v10 =	vunpack.i.u.s16.s32 v4;
	v4 =	vunpack.i.l.s16.s32 v4  }
0x51: {  	s21 =	sadd.s32 $0x2, s21;
	v7 =	vpack.i.b32.b16 v9, v7;
	v11 =	vld [tilespmem:s22+$0x70];
	[tilespmem:s20+$0xFFFFFFC0] =	vst v8;
	v8 =	vunpack.i.u.s16.s32 v6;
	v6 =	vunpack.i.l.s16.s32 v6  }
0x52: {  	p0 =	slt.u32 s21, $0x6;
	v9 =	vld [tilespmem:s22+$0x0];
	[tilespmem:s20+$0x40] =	vst v7;
	v4 =	vpack.i.b32.b16 v6, v4;
	v6 =	vunpack.i.u.s16.s32 v2;
	v2 =	vunpack.i.l.s16.s32 v2  }
0x53: {  	v7 =	vld [tilespmem:s22+$0xFFFFFE10];
	[tilespmem:s20+$0xFFFFFFD0] =	vst v4;
	v4 =	vpack.i.b32.b16 v8, v10;
	v8 =	vunpack.i.u.s16.s32 v3;
	v3 =	vunpack.i.l.s16.s32 v3  }
0x54: {  	v10 =	vld [tilespmem:s22+$0x10];
	v13 =	vunpack.i.u.s16.s32 v5;
	v5 =	vunpack.i.l.s16.s32 v5;
	[tilespmem:s20+$0x50] =	vst v4;
	v2 =	vpack.i.b32.b16 v3, v2  }
0x55: {  	v3 =	vld [tilespmem:s22+$0xFFFFFE20];
	v4 =	vunpack.i.l.s16.s32 v12;
	v1 =	vpack.i.b32.b16 v1, v5;
	v5 =	vpack.i.b32.b16 v0, v13;
	[tilespmem:s20+$0xFFFFFFE0] =	vst v2  }
0x56: {  	v12 =	vunpack.i.u.s16.s32 v12;
	v2 =	vld [tilespmem:s22+$0x20];
	v13 =	vunpack.i.u.s16.s32 v11;
	v11 =	vunpack.i.l.s16.s32 v11;
	[tilespmem:s20+$0xFFFFFF80] =	vst v1  }
0x57: {  	s20 =	sadd.s32 $0x100, s20;
	v0 =	vunpack.i.u.s16.s32 v9;
	v1 =	vunpack.i.l.s16.s32 v9;
	v9 =	vld [tilespmem:s22+$0xFFFFFE30];
	v12 =	vpack.i.b32.b16 v13, v12;
	[tilespmem:s19+$0x0] =	vst v5  }
0x58: {  	v6 =	vpack.i.b32.b16 v8, v6;
	v5 =	vunpack.i.u.s16.s32 v7;
	v7 =	vunpack.i.l.s16.s32 v7;
	v13 =	vld [tilespmem:s22+$0x30];
	[tilespmem:s20+$0x70] =	vst v12  }
0x59: {  	v4 =	vpack.i.b32.b16 v11, v4;
	v8 =	vunpack.i.u.s16.s32 v10;
	v10 =	vunpack.i.l.s16.s32 v10;
	v12 =	vld [tilespmem:s22+$0xFFFFFE40];
	[tilespmem:s19+$0x60] =	vst v6;
	s19 =	smov.u32 s20  }
0x5a: {  	v6 =	vpack.i.b32.b16 v10, v7;
	v7 =	vunpack.i.u.s16.s32 v3;
	v3 =	vunpack.i.l.s16.s32 v3;
	v11 =	vld [tilespmem:s22+$0x40];
	[tilespmem:s20+$0xFFFFFFF0] =	vst v4  }
.Ltmp4:
0x5b: {  	v5 =	vpack.i.b32.b16 v8, v5;
	[tilespmem:s20+$0xFFFFFF90] =	vst v6;
	v8 =	vunpack.i.u.s16.s32 v2;
	v2 =	vunpack.i.l.s16.s32 v2;
	v4 =	vld [tilespmem:s22+$0xFFFFFE50];
	(pc) =	sbr.rel @p0 .LBB1_5-.Ltmp4, $4  }
0x5c: {  	[tilespmem:s20+$0x10] =	vst v5;
	v2 =	vpack.i.b32.b16 v2, v3;
	v10 =	vunpack.i.u.s16.s32 v9;
	v3 =	vunpack.i.l.s16.s32 v9;
	v6 =	vld [tilespmem:s22+$0x50]  }
0x5d: {  	v5 =	vpack.i.b32.b16 v8, v7;
	[tilespmem:s20+$0xFFFFFFA0] =	vst v2;
	v9 =	vunpack.i.u.s16.s32 v13;
	v7 =	vunpack.i.l.s16.s32 v13;
	v2 =	vld [tilespmem:s22+$0xFFFFFE60]  }
0x5e: {  	[tilespmem:s20+$0x20] =	vst v5;
	v13 =	vpack.i.b32.b16 v7, v3;
	v7 =	vunpack.i.u.s16.s32 v12;
	v8 =	vunpack.i.l.s16.s32 v12;
	v3 =	vld [tilespmem:s22+$0x60]  }
0x5f: {  	v10 =	vpack.i.b32.b16 v9, v10;
	v5 =	vld [tilespmem:s22+$0xFFFFFE00];
	[tilespmem:s20+$0xFFFFFFB0] =	vst v13;
	v9 =	vunpack.i.u.s16.s32 v11;
	v11 =	vunpack.i.l.s16.s32 v11;
	s22 =	sadd.s32 $0x80, s22  }
0x60: {  	[tilespmem:s20+$0x30] =	vst v10;
	v8 =	vpack.i.b32.b16 v11, v8  }
0x61: {  	v51 =	vunpack.i.l.s16.s32 v4;
	v7 =	vpack.i.b32.b16 v9, v7;
	[tilespmem:s20+$0xFFFFFFC0] =	vst v8;
	v52 =	vunpack.i.l.s16.s32 v6  }
0x62: {  	v53 =	vunpack.i.u.s16.s32 v4;
	s18 =	sadd.s32 $0x1, s18;
	v54 =	vunpack.i.u.s16.s32 v6;
	[tilespmem:s20+$0x40] =	vst v7;
	v55 =	vpack.i.b32.b16 v52, v51  }
0x63: {  	p0 =	sne.s32 s18, s15;
	v56 =	vunpack.i.l.s16.s32 v2;
	v4 =	vpack.i.b32.b16 v54, v53;
	[tilespmem:s20+$0xFFFFFFD0] =	vst v55;
	v57 =	vunpack.i.l.s16.s32 v3  }
.Ltmp5:
0x64: {  	[tilespmem:s20+$0x50] =	vst v4;
	v58 =	vunpack.i.l.s16.s32 v5;
	v59 =	vpack.i.b32.b16 v57, v56;
	(pc) =	sbr.rel @p0 .LBB1_4-.Ltmp5, $4  }
.Ltmp6:
0x65: {  	v61 =	vunpack.i.u.s16.s32 v2;
	v62 =	vunpack.i.u.s16.s32 v3;
	v1 =	vpack.i.b32.b16 v1, v58;
	[tilespmem:s20+$0xFFFFFFE0] =	vst v59;
	(pc) =	sbr.rel @!p0 .LBB1_7-.Ltmp6, $4  }
0x66: {  	v60 =	vunpack.i.u.s16.s32 v5;
	v63 =	vpack.i.b32.b16 v62, v61;
	[tilespmem:s20+$0xFFFFFF80] =	vst v1  }
0x67: {  	v0 =	vpack.i.b32.b16 v0, v60;
	[tilespmem:s19+$0x60] =	vst v63  }
0x68: {  	s16 =	sadd.s32 $0x400, s16;
	s17 =	sadd.s32 $0x400, s17;
	[tilespmem:s19+$0x0] =	vst v0  }
0x69: {  	_ = 	snop  }
.LBB1_9:
0x6a: {  	_ =	sfence.sel $0x180000  }
0x6b: {  	s2 =	simm.s32 $0x1;
	[bflag:$0x0] =	sbarrier.arrive $0xFFFF  }
0x6c: {  	s31 =	simm.s32 $0x2;
	[sflag:s2] =	ssyncpa.u1 $0x1  }
0x6d: {  	[sflag:s31] =	ssyncpa.u1 $0x1  }
0x6e: {  	p0 =	sne.s32 s1, $0x0;
	_ =	strace $0x90000047  }
0x6f: {  	s0 =	sadd.s32 @!p0 $0x100000, s0;
	[bflag:$0x2] =	sbarrier.arrive $0xFFFF  }
0x70: {  	[sflag:s0] =	ssyncadd.tile.s32 @!p0 $0x1;
	_ =	shalt  }
.Lfunc_end1:
_tile_overlayer_lowered:
.L_overlay_start_2:
0x71: {  	(tag) =	ssettag $0x2  }
0x72: {  	s0 =	rddreg [dreg:$0x0];
	s2 =	stileid.u32  }
0x73: {  	s1 =	rddreg [dreg:$0x1];
	p0 =	sne.s32 s2, $0x0  }
0x74: {  	s3 =	rddreg [dreg:$0x2];
	[bflag:$0x3] =	sbarrier.arrive $0xFFFF;
	s2 =	simm.s32 @!p0 $0x1C01  }
0x75: {  	[timem:s3], [sflag:s2] =	dma.local @!p0 [hbm:s0], s1  }
0x76: {  	s0 =	simm.s32 @!p0 $0x1  }
0x77: {  	_ =	swait.ge @!p0 [sflag:s0], s1  }
0x78: {  	s1 =	ssub.s32 @!p0 $0x0, s1;
	[sflag:s0] =	ssyncset.done @!p0 $0x0  }
0x79: {  	[sflag:s0] =	ssyncadd.s32 @!p0 s1  }
0x7a: {  	[bflag:$0x3] =	sbarrier.arrive $0xFFFF  }
0x7b: {  	_ =	shalt  }

</sc_bundles>
